<compile_context>
chip_gen: v7x
topology: tpu7x:2x2x1
jax: 0.10.2.dev20260603
libtpu: 0.0.44.dev20260713+nightly
codegen_flags: <defaults>
</compile_context>

<pallas_src>
import jax
import jax.numpy as jnp
from jax import lax
from jax.experimental import pallas as pl
from jax.experimental.pallas import tpu as pltpu
from jax.experimental.pallas import tpu_sc as plsc

NC = 2
NS = 16
NW = NC * NS
CHUNK = 100
DP = 64



def _sc_degree(nchunk, nacc):
    slab = nacc // NS

    def body(dst_hbm, ones_hbm, zer_hbm, out_hbm, didx, ones_v, acc):
        cid = lax.axis_index("c")
        sid = lax.axis_index("s")
        wid = cid * NS + sid
        pltpu.sync_copy(zer_hbm, acc.at[pl.ds(sid * slab, slab)])
        pltpu.sync_copy(dst_hbm.at[wid], didx)
        pltpu.sync_copy(ones_hbm, ones_v)
        plsc.subcore_barrier()

        def step(j, carry):
            pltpu.sync_copy(ones_v, acc.at[didx.at[j]], add=True)
            return carry

        lax.fori_loop(0, nchunk, step, 0)
        plsc.subcore_barrier()
        pltpu.sync_copy(acc.at[pl.ds(sid * slab, slab)],
                        out_hbm.at[pl.ds(cid * nacc + sid * slab, slab)])

    return pl.kernel(
        body,
        out_type=jax.ShapeDtypeStruct((NC * nacc,), jnp.float32),
        mesh=plsc.VectorSubcoreMesh(core_axis_name="c", subcore_axis_name="s"),
        compiler_params=pltpu.CompilerParams(use_tc_tiling_on_sc=False),
        scratch_types=[
            pltpu.VMEM((nchunk, CHUNK), jnp.int32),
            pltpu.VMEM((CHUNK,), jnp.float32),
            pltpu.VMEM_SHARED((nacc,), jnp.float32),
        ],
    )


def _sc_messages(nchunk, nacc, n, npass):
    slab = nacc // NS
    stripe = n // NS

    def body(src_hbm, dst_hbm, *refs):
        tabs_hbm = refs[:npass]
        zer_hbm = refs[npass]
        outs_hbm = refs[npass + 1:2 * npass + 1]
        rest = refs[2 * npass + 1:]
        sidx, didx = rest[0], rest[1]
        rows = rest[2:6]
        tab, acc = rest[6], rest[7]
        gsem = rest[8:12]
        ssem = rest[12:16]
        cid = lax.axis_index("c")
        sid = lax.axis_index("s")
        wid = cid * NS + sid
        pltpu.sync_copy(src_hbm.at[wid], sidx)
        pltpu.sync_copy(dst_hbm.at[wid], didx)

        for p in range(npass):
            pltpu.sync_copy(zer_hbm, acc.at[pl.ds(sid * slab, slab)])
            pltpu.sync_copy(tabs_hbm[p].at[pl.ds(sid * stripe, stripe)],
                            tab.at[pl.ds(sid * stripe, stripe)])
            plsc.subcore_barrier()

            for b in range(3):
                pltpu.async_copy(tab.at[sidx.at[b]], rows[b], gsem[b])

            def phase(j, b, first):
                pltpu.make_async_copy(tab.at[sidx.at[j]], rows[b],
                                      gsem[b]).wait()
                pltpu.async_copy(rows[b], acc.at[didx.at[j]], ssem[b],
                                 add=True)
                nb = (b + 3) % 4
                if first:
                    pltpu.async_copy(tab.at[sidx.at[j + 3]], rows[nb],
                                     gsem[nb])
                else:
                    @pl.when(j + 3 < nchunk)
                    def _():
                        pltpu.make_async_copy(rows[nb],
                                              acc.at[didx.at[j - 1]],
                                              ssem[nb]).wait()
                        pltpu.async_copy(tab.at[sidx.at[j + 3]], rows[nb],
                                         gsem[nb])

            phase(0, 0, True)
            phase(1, 1, False)
            phase(2, 2, False)
            phase(3, 3, False)

            def step(i, carry):
                for b in range(4):
                    phase(4 * i + b, b, False)
                return carry

            lax.fori_loop(1, nchunk // 4, step, 0)
            for b in range(4):
                pltpu.make_async_copy(rows[b], acc.at[didx.at[0]],
                                      ssem[b]).wait()
            plsc.subcore_barrier()
            pltpu.sync_copy(acc.at[pl.ds(sid * slab, slab)],
                            outs_hbm[p].at[cid, pl.ds(sid * slab, slab)])
            if p + 1 < npass:
                plsc.subcore_barrier()

    return pl.kernel(
        body,
        out_type=[jax.ShapeDtypeStruct((NC, nacc, DP), jnp.float32)
                  for _ in range(npass)],
        mesh=plsc.VectorSubcoreMesh(core_axis_name="c", subcore_axis_name="s"),
        compiler_params=pltpu.CompilerParams(use_tc_tiling_on_sc=False),
        scratch_types=[
            pltpu.VMEM((nchunk, CHUNK), jnp.int32),
            pltpu.VMEM((nchunk, CHUNK), jnp.int32),
            pltpu.VMEM((CHUNK, DP), jnp.float32),
            pltpu.VMEM((CHUNK, DP), jnp.float32),
            pltpu.VMEM((CHUNK, DP), jnp.float32),
            pltpu.VMEM((CHUNK, DP), jnp.float32),
            pltpu.VMEM_SHARED((nacc, DP), jnp.float32),
            pltpu.VMEM_SHARED((nacc, DP), jnp.float32),
            pltpu.SemaphoreType.DMA,
            pltpu.SemaphoreType.DMA,
            pltpu.SemaphoreType.DMA,
            pltpu.SemaphoreType.DMA,
            pltpu.SemaphoreType.DMA,
            pltpu.SemaphoreType.DMA,
            pltpu.SemaphoreType.DMA,
            pltpu.SemaphoreType.DMA,
        ],
    )



def _tc_mm_scale(n, bm, d_in, d_hid):
    def body(x_ref, w_ref, dis_ref, oa_ref, ob_ref):
        h = jnp.dot(x_ref[...], w_ref[...], preferred_element_type=jnp.float32)
        hs = h * dis_ref[...]
        oa_ref[...] = hs[:, :DP]
        ob_ref[...] = hs[:, DP:]

    return pl.pallas_call(
        body,
        grid=(n // bm,),
        in_specs=[
            pl.BlockSpec((bm, d_in), lambda i: (i, 0)),
            pl.BlockSpec((d_in, d_hid), lambda i: (0, 0)),
            pl.BlockSpec((bm, 1), lambda i: (i, 0)),
        ],
        out_specs=[
            pl.BlockSpec((bm, DP), lambda i: (i, 0)),
            pl.BlockSpec((bm, DP), lambda i: (i, 0)),
        ],
        out_shape=[
            jax.ShapeDtypeStruct((n, DP), jnp.float32),
            jax.ShapeDtypeStruct((n, DP), jnp.float32),
        ],
    )


def _tc_layer2(n, bm, d_hid, d_out):
    def body(aa_ref, ab_ref, hsa_ref, hsb_ref, dis_ref, b_ref, w_ref, o_ref):
        dis = dis_ref[...]
        ha = ((aa_ref[0] + aa_ref[1] + hsa_ref[...]) * dis
              + b_ref[:, :DP])
        hb = ((ab_ref[0] + ab_ref[1] + hsb_ref[...]) * dis
              + b_ref[:, DP:])
        h2 = jnp.maximum(jnp.concatenate([ha, hb], axis=1), 0.0)
        o_ref[...] = jnp.dot(h2, w_ref[...],
                             preferred_element_type=jnp.float32) * dis

    half = pl.BlockSpec((bm, DP), lambda i: (i, 0))
    return pl.pallas_call(
        body,
        grid=(n // bm,),
        in_specs=[
            pl.BlockSpec((NC, bm, DP), lambda i: (0, i, 0)),
            pl.BlockSpec((NC, bm, DP), lambda i: (0, i, 0)),
            half, half,
            pl.BlockSpec((bm, 1), lambda i: (i, 0)),
            pl.BlockSpec((1, d_hid), lambda i: (0, 0)),
            pl.BlockSpec((d_hid, d_out), lambda i: (0, 0)),
        ],
        out_specs=pl.BlockSpec((bm, d_out), lambda i: (i, 0)),
        out_shape=jax.ShapeDtypeStruct((n, d_out), jnp.float32),
    )


def _tc_final(n, bm, d_out):
    def body(a_ref, hs_ref, dis_ref, b_ref, o_ref):
        o_ref[...] = ((a_ref[0] + a_ref[1] + hs_ref[...])
                      * dis_ref[...] + b_ref[...])

    return pl.pallas_call(
        body,
        grid=(n // bm,),
        in_specs=[
            pl.BlockSpec((NC, bm, d_out), lambda i: (0, i, 0)),
            pl.BlockSpec((bm, d_out), lambda i: (i, 0)),
            pl.BlockSpec((bm, 1), lambda i: (i, 0)),
            pl.BlockSpec((1, d_out), lambda i: (0, 0)),
        ],
        out_specs=pl.BlockSpec((bm, d_out), lambda i: (i, 0)),
        out_shape=jax.ShapeDtypeStruct((n, d_out), jnp.float32),
    )



def kernel(x, edge_index, W1, b1, W2, b2):
    n, d_in = x.shape
    e = edge_index.shape[1]
    d_hid = W1.shape[1]
    d_out = W2.shape[1]

    nacc = -((n + 1) // -(NS * 8)) * NS * 8
    slab = nacc // NS

    ept = -(e // -(NW * 4 * CHUNK)) * 4 * CHUNK
    pad = NW * ept - e
    src = jnp.concatenate(
        [edge_index[0], jnp.zeros((pad,), jnp.int32)]) if pad else edge_index[0]
    dst = jnp.concatenate(
        [edge_index[1], jnp.full((pad,), nacc - 1, jnp.int32)]) if pad else edge_index[1]
    src3 = src.reshape(NW, ept // CHUNK, CHUNK)
    dst3 = dst.reshape(NW, ept // CHUNK, CHUNK)
    nchunk = ept // CHUNK

    ones_c = jnp.ones((CHUNK,), jnp.float32)
    zer1 = jnp.zeros((slab,), jnp.float32)
    zer_p = jnp.zeros((slab, DP), jnp.float32)

    degp = _sc_degree(nchunk, nacc)(dst3, ones_c, zer1).reshape(NC, nacc)
    deg = degp[0, :n] + degp[1, :n] + 1.0
    dis = lax.rsqrt(deg).reshape(n, 1)

    bm = 400
    hs1a, hs1b = _tc_mm_scale(n, bm, d_in, d_hid)(x, W1, dis)
    acc1a, acc1b = _sc_messages(nchunk, nacc, n, 2)(
        src3, dst3, hs1a, hs1b, zer_p)
    hs2 = _tc_layer2(n, bm, d_hid, d_out)(
        acc1a, acc1b, hs1a, hs1b, dis, b1.reshape(1, d_hid), W2)
    acc2, = _sc_messages(nchunk, nacc, n, 1)(src3, dst3, hs2, zer_p)
    out = _tc_final(n, bm, d_out)(
        acc2, hs2, dis, b2.reshape(1, d_out))
    return out

# --- scband reference (transcript-rebuilt; emitter-appended) ---
"""Pipeline reference for scband-ergnn-15985868276242 (READ-ONLY COPY).

The authoritative reference and input builder live on the scoring server;
editing this copy changes nothing except your own understanding.
"""

import jax, jax.numpy as jnp
import numpy as np

N_NODES = 10000
N_EDGES = 320000
D_IN = 128
D_HID = 128
D_OUT = 64


def setup_inputs(seed: int = 0) -> dict:
    key = jax.random.key(seed)
    k1, k2, k3, k4 = jax.random.split(key, 4)
    x = jax.random.normal(k1, (N_NODES, D_IN), dtype=jnp.float32)
    edge_index = jax.random.randint(k2, (2, N_EDGES), 0, N_NODES, dtype=jnp.int32)
    W1 = jax.random.normal(k3, (D_IN, D_HID), dtype=jnp.float32) * (1.0 / np.sqrt(D_IN))
    b1 = jnp.zeros((D_HID,), dtype=jnp.float32)
    W2 = jax.random.normal(k4, (D_HID, D_OUT), dtype=jnp.float32) * (1.0 / np.sqrt(D_HID))
    b2 = jnp.zeros((D_OUT,), dtype=jnp.float32)
    return {"x": x, "edge_index": edge_index, "W1": W1, "b1": b1, "W2": W2, "b2": b2}


def gcn_conv(x, src, dst, W, b):
    # GCNConv with symmetric normalization and self-loops (PyG semantics)
    n = x.shape[0]
    h = x @ W
    loop = jnp.arange(n, dtype=src.dtype)
    src_f = jnp.concatenate([src, loop], axis=0)
    dst_f = jnp.concatenate([dst, loop], axis=0)
    deg = jnp.zeros((n,), dtype=h.dtype).at[dst_f].add(1.0)
    dis = jnp.where(deg > 0, jax.lax.rsqrt(jnp.maximum(deg, 1e-12)), 0.0)
    norm = dis[src_f] * dis[dst_f]
    msg = h[src_f] * norm[:, None]
    out = jnp.zeros((n, h.shape[1]), dtype=h.dtype).at[dst_f].add(msg)
    return out + b


def reference(x, edge_index, W1, b1, W2, b2):
    # ERGNN.backbone_forward: two-layer GCN backbone
    src = edge_index[0]
    dst = edge_index[1]
    h = jax.nn.relu(gcn_conv(x, src, dst, W1, b1))
    out = gcn_conv(h, src, dst, W2, b2)
    return out

if __name__ == "__main__":
    import jax
    _d = setup_inputs()
    print(jax.jit(kernel)(*tuple(_d.values())))

</pallas_src>

<mosaic_0001>
#map = affine_map<(d0, d1) -> (0, 0, 0)>
#map1 = affine_map<(d0, d1) -> (0, 0)>
module attributes {stable_mosaic.version = 14 : i64} {
  func.func @body(%arg0: i32, %arg1: i32, %arg2: memref<32x100x100xi32, #tpu.memory_space<hbm>>, %arg3: memref<32x100x100xi32, #tpu.memory_space<hbm>>, %arg4: memref<10000x64xf32, #tpu.memory_space<hbm>>, %arg5: memref<10000x64xf32, #tpu.memory_space<hbm>>, %arg6: memref<632x64xf32, #tpu.memory_space<hbm>>, %arg7: memref<2x10112x64xf32, #tpu.memory_space<hbm>>, %arg8: memref<2x10112x64xf32, #tpu.memory_space<hbm>>, %arg9: memref<100x100xi32, #tpu.memory_space<vmem>>, %arg10: memref<100x100xi32, #tpu.memory_space<vmem>>, %arg11: memref<100x64xf32, #tpu.memory_space<vmem>>, %arg12: memref<100x64xf32, #tpu.memory_space<vmem>>, %arg13: memref<100x64xf32, #tpu.memory_space<vmem>>, %arg14: memref<100x64xf32, #tpu.memory_space<vmem>>, %arg15: memref<10112x64xf32, #tpu.memory_space<vmem_shared>>, %arg16: memref<10112x64xf32, #tpu.memory_space<vmem_shared>>, %arg17: memref<!tpu.dma_semaphore, #tpu.memory_space<semaphore_mem>>, %arg18: memref<!tpu.dma_semaphore, #tpu.memory_space<semaphore_mem>>, %arg19: memref<!tpu.dma_semaphore, #tpu.memory_space<semaphore_mem>>, %arg20: memref<!tpu.dma_semaphore, #tpu.memory_space<semaphore_mem>>, %arg21: memref<!tpu.dma_semaphore, #tpu.memory_space<semaphore_mem>>, %arg22: memref<!tpu.dma_semaphore, #tpu.memory_space<semaphore_mem>>, %arg23: memref<!tpu.dma_semaphore, #tpu.memory_space<semaphore_mem>>, %arg24: memref<!tpu.dma_semaphore, #tpu.memory_space<semaphore_mem>>) attributes {dimension_semantics = [#tpu.dimension_semantics<core_parallel>, #tpu.dimension_semantics<subcore_parallel>], iteration_bounds = array<i64: 2, 16>, scalar_prefetch = 0 : i64, scratch_operands = 16 : i64, tpu.core_type = #tpu.core_type<sc_vector_subcore>, window_params = [{transform_indices = #map}, {transform_indices = #map}, {transform_indices = #map1}, {transform_indices = #map1}, {transform_indices = #map1}, {transform_indices = #map}, {transform_indices = #map}]} {
    %mul3A = arith.constant 16 : i32
    %mul3A_0 = arith.muli %arg0, %mul3A : i32
    %add3A = arith.addi %mul3A_0, %arg1 : i32
    "tpu.region"() ({
      %run_scoped3A = tpu.sem_alloc : memref<!tpu.dma_semaphore, #tpu.memory_space<semaphore_mem>>
      %dma_start3A_342 = arith.constant 0 : i32
      %dma_start3A_343 = arith.constant 0 : i32
      %dma_start3A_344 = tpu.memref_slice %arg2[%add3A, %dma_start3A_342, %dma_start3A_343] : memref<32x100x100xi32, #tpu.memory_space<hbm>> -> memref<1x100x100xi32, #tpu.memory_space<hbm>>
      %dma_start3A_345 = tpu.memref_squeeze %dma_start3A_344 : memref<1x100x100xi32, #tpu.memory_space<hbm>> -> memref<100x100xi32, #tpu.memory_space<hbm>>
      %dma_start3A_346 = arith.constant 0 : i32
      %dma_start3A_347 = arith.constant 0 : i32
      %dma_start3A_348 = tpu.memref_slice %arg2[%add3A, %dma_start3A_346, %dma_start3A_347] : memref<32x100x100xi32, #tpu.memory_space<hbm>> -> memref<1x100x100xi32, #tpu.memory_space<hbm>>
      %dma_start3A_349 = tpu.memref_squeeze %dma_start3A_348 : memref<1x100x100xi32, #tpu.memory_space<hbm>> -> memref<100x100xi32, #tpu.memory_space<hbm>>
      tpu.enqueue_dma source(%dma_start3A_349 : memref<100x100xi32, #tpu.memory_space<hbm>>) target(%arg9 : memref<100x100xi32, #tpu.memory_space<vmem>>) target_semaphore(%run_scoped3A : memref<!tpu.dma_semaphore, #tpu.memory_space<semaphore_mem>>)
      %dma_wait3A_350 = arith.constant 0 : i32
      %dma_wait3A_351 = arith.constant 0 : i32
      %dma_wait3A_352 = tpu.memref_slice %arg2[%add3A, %dma_wait3A_350, %dma_wait3A_351] : memref<32x100x100xi32, #tpu.memory_space<hbm>> -> memref<1x100x100xi32, #tpu.memory_space<hbm>>
      %dma_wait3A_353 = tpu.memref_squeeze %dma_wait3A_352 : memref<1x100x100xi32, #tpu.memory_space<hbm>> -> memref<100x100xi32, #tpu.memory_space<hbm>>
      %dma_wait3A_354 = arith.constant 0 : i32
      %dma_wait3A_355 = arith.constant 0 : i32
      %dma_wait3A_356 = tpu.memref_slice %arg2[%add3A, %dma_wait3A_354, %dma_wait3A_355] : memref<32x100x100xi32, #tpu.memory_space<hbm>> -> memref<1x100x100xi32, #tpu.memory_space<hbm>>
      %dma_wait3A_357 = tpu.memref_squeeze %dma_wait3A_356 : memref<1x100x100xi32, #tpu.memory_space<hbm>> -> memref<100x100xi32, #tpu.memory_space<hbm>>
      tpu.wait_dma2 semaphore(%run_scoped3A : memref<!tpu.dma_semaphore, #tpu.memory_space<semaphore_mem>>) src(%dma_wait3A_357 : memref<100x100xi32, #tpu.memory_space<hbm>>) dst(%arg9 : memref<100x100xi32, #tpu.memory_space<vmem>>)
      tpu.yield
    }) : () -> ()
    "tpu.region"() ({
      %run_scoped3A = tpu.sem_alloc : memref<!tpu.dma_semaphore, #tpu.memory_space<semaphore_mem>>
      %dma_start3A_342 = arith.constant 0 : i32
      %dma_start3A_343 = arith.constant 0 : i32
      %dma_start3A_344 = tpu.memref_slice %arg3[%add3A, %dma_start3A_342, %dma_start3A_343] : memref<32x100x100xi32, #tpu.memory_space<hbm>> -> memref<1x100x100xi32, #tpu.memory_space<hbm>>
      %dma_start3A_345 = tpu.memref_squeeze %dma_start3A_344 : memref<1x100x100xi32, #tpu.memory_space<hbm>> -> memref<100x100xi32, #tpu.memory_space<hbm>>
      %dma_start3A_346 = arith.constant 0 : i32
      %dma_start3A_347 = arith.constant 0 : i32
      %dma_start3A_348 = tpu.memref_slice %arg3[%add3A, %dma_start3A_346, %dma_start3A_347] : memref<32x100x100xi32, #tpu.memory_space<hbm>> -> memref<1x100x100xi32, #tpu.memory_space<hbm>>
      %dma_start3A_349 = tpu.memref_squeeze %dma_start3A_348 : memref<1x100x100xi32, #tpu.memory_space<hbm>> -> memref<100x100xi32, #tpu.memory_space<hbm>>
      tpu.enqueue_dma source(%dma_start3A_349 : memref<100x100xi32, #tpu.memory_space<hbm>>) target(%arg10 : memref<100x100xi32, #tpu.memory_space<vmem>>) target_semaphore(%run_scoped3A : memref<!tpu.dma_semaphore, #tpu.memory_space<semaphore_mem>>)
      %dma_wait3A_350 = arith.constant 0 : i32
      %dma_wait3A_351 = arith.constant 0 : i32
      %dma_wait3A_352 = tpu.memref_slice %arg3[%add3A, %dma_wait3A_350, %dma_wait3A_351] : memref<32x100x100xi32, #tpu.memory_space<hbm>> -> memref<1x100x100xi32, #tpu.memory_space<hbm>>
      %dma_wait3A_353 = tpu.memref_squeeze %dma_wait3A_352 : memref<1x100x100xi32, #tpu.memory_space<hbm>> -> memref<100x100xi32, #tpu.memory_space<hbm>>
      %dma_wait3A_354 = arith.constant 0 : i32
      %dma_wait3A_355 = arith.constant 0 : i32
      %dma_wait3A_356 = tpu.memref_slice %arg3[%add3A, %dma_wait3A_354, %dma_wait3A_355] : memref<32x100x100xi32, #tpu.memory_space<hbm>> -> memref<1x100x100xi32, #tpu.memory_space<hbm>>
      %dma_wait3A_357 = tpu.memref_squeeze %dma_wait3A_356 : memref<1x100x100xi32, #tpu.memory_space<hbm>> -> memref<100x100xi32, #tpu.memory_space<hbm>>
      tpu.wait_dma2 semaphore(%run_scoped3A : memref<!tpu.dma_semaphore, #tpu.memory_space<semaphore_mem>>) src(%dma_wait3A_357 : memref<100x100xi32, #tpu.memory_space<hbm>>) dst(%arg10 : memref<100x100xi32, #tpu.memory_space<vmem>>)
      tpu.yield
    }) : () -> ()
    %mul3A_1 = arith.constant 632 : i32
    %mul3A_2 = arith.muli %arg1, %mul3A_1 : i32
    "tpu.region"() ({
      %run_scoped3A = tpu.sem_alloc : memref<!tpu.dma_semaphore, #tpu.memory_space<semaphore_mem>>
      %dma_start3A_342 = arith.constant 0 : i32
      %dma_start3A_343 = tpu.memref_slice %arg16[%mul3A_2, %dma_start3A_342] : memref<10112x64xf32, #tpu.memory_space<vmem_shared>> -> memref<632x64xf32, #tpu.memory_space<vmem_shared>>
      tpu.enqueue_dma source(%arg6 : memref<632x64xf32, #tpu.memory_space<hbm>>) target(%dma_start3A_343 : memref<632x64xf32, #tpu.memory_space<vmem_shared>>) target_semaphore(%run_scoped3A : memref<!tpu.dma_semaphore, #tpu.memory_space<semaphore_mem>>)
      %dma_wait3A_344 = arith.constant 0 : i32
      %dma_wait3A_345 = tpu.memref_slice %arg16[%mul3A_2, %dma_wait3A_344] : memref<10112x64xf32, #tpu.memory_space<vmem_shared>> -> memref<632x64xf32, #tpu.memory_space<vmem_shared>>
      tpu.wait_dma2 semaphore(%run_scoped3A : memref<!tpu.dma_semaphore, #tpu.memory_space<semaphore_mem>>) src(%arg6 : memref<632x64xf32, #tpu.memory_space<hbm>>) dst(%dma_wait3A_345 : memref<632x64xf32, #tpu.memory_space<vmem_shared>>)
      tpu.yield
    }) : () -> ()
    %mul3A_3 = arith.constant 625 : i32
    %mul3A_4 = arith.muli %arg1, %mul3A_3 : i32
    %mul3A_5 = arith.constant 625 : i32
    %mul3A_6 = arith.muli %arg1, %mul3A_5 : i32
    "tpu.region"() ({
      %run_scoped3A = tpu.sem_alloc : memref<!tpu.dma_semaphore, #tpu.memory_space<semaphore_mem>>
      %dma_start3A_342 = arith.constant 0 : i32
      %dma_start3A_343 = tpu.memref_slice %arg15[%mul3A_6, %dma_start3A_342] : memref<10112x64xf32, #tpu.memory_space<vmem_shared>> -> memref<625x64xf32, #tpu.memory_space<vmem_shared>>
      %dma_start3A_344 = arith.constant 0 : i32
      %dma_start3A_345 = tpu.memref_slice %arg4[%mul3A_4, %dma_start3A_344] : memref<10000x64xf32, #tpu.memory_space<hbm>> -> memref<625x64xf32, #tpu.memory_space<hbm>>
      tpu.enqueue_dma source(%dma_start3A_345 : memref<625x64xf32, #tpu.memory_space<hbm>>) target(%dma_start3A_343 : memref<625x64xf32, #tpu.memory_space<vmem_shared>>) target_semaphore(%run_scoped3A : memref<!tpu.dma_semaphore, #tpu.memory_space<semaphore_mem>>)
      %dma_wait3A_346 = arith.constant 0 : i32
      %dma_wait3A_347 = tpu.memref_slice %arg15[%mul3A_6, %dma_wait3A_346] : memref<10112x64xf32, #tpu.memory_space<vmem_shared>> -> memref<625x64xf32, #tpu.memory_space<vmem_shared>>
      %dma_wait3A_348 = arith.constant 0 : i32
      %dma_wait3A_349 = tpu.memref_slice %arg4[%mul3A_4, %dma_wait3A_348] : memref<10000x64xf32, #tpu.memory_space<hbm>> -> memref<625x64xf32, #tpu.memory_space<hbm>>
      tpu.wait_dma2 semaphore(%run_scoped3A : memref<!tpu.dma_semaphore, #tpu.memory_space<semaphore_mem>>) src(%dma_wait3A_349 : memref<625x64xf32, #tpu.memory_space<hbm>>) dst(%dma_wait3A_347 : memref<625x64xf32, #tpu.memory_space<vmem_shared>>)
      tpu.yield
    }) : () -> ()
    %barrier3A = arith.constant 0 : index
    tpu.barrier barrier_id(%barrier3A)
    %dma_start3A = arith.constant 0 : i32
    %dma_start3A_7 = arith.constant 0 : i32
    %dma_start3A_8 = tpu.memref_slice %arg9[%dma_start3A, %dma_start3A_7] : memref<100x100xi32, #tpu.memory_space<vmem>> -> memref<1x100xi32, #tpu.memory_space<vmem>>
    %dma_start3A_9 = tpu.memref_squeeze %dma_start3A_8 : memref<1x100xi32, #tpu.memory_space<vmem>> -> memref<100xi32, #tpu.memory_space<vmem>>
    %dma_start3A_10 = arith.constant 0 : i32
    %dma_start3A_11 = arith.constant 0 : i32
    %dma_start3A_12 = tpu.memref_slice %arg15[%dma_start3A_10, %dma_start3A_11] : memref<10112x64xf32, #tpu.memory_space<vmem_shared>> -> memref<10112x64xf32, #tpu.memory_space<vmem_shared>>
    tpu.enqueue_indirect_dma source(%dma_start3A_12 : memref<10112x64xf32, #tpu.memory_space<vmem_shared>>) target(%arg11 : memref<100x64xf32, #tpu.memory_space<vmem>>) offsets(%dma_start3A_9 : memref<100xi32, #tpu.memory_space<vmem>>) semaphore(%arg17 : memref<!tpu.dma_semaphore, #tpu.memory_space<semaphore_mem>>)
    %dma_start3A_13 = arith.constant 1 : i32
    %dma_start3A_14 = arith.constant 0 : i32
    %dma_start3A_15 = tpu.memref_slice %arg9[%dma_start3A_13, %dma_start3A_14] : memref<100x100xi32, #tpu.memory_space<vmem>> -> memref<1x100xi32, #tpu.memory_space<vmem>>
    %dma_start3A_16 = tpu.memref_squeeze %dma_start3A_15 : memref<1x100xi32, #tpu.memory_space<vmem>> -> memref<100xi32, #tpu.memory_space<vmem>>
    %dma_start3A_17 = arith.constant 0 : i32
    %dma_start3A_18 = arith.constant 0 : i32
    %dma_start3A_19 = tpu.memref_slice %arg15[%dma_start3A_17, %dma_start3A_18] : memref<10112x64xf32, #tpu.memory_space<vmem_shared>> -> memref<10112x64xf32, #tpu.memory_space<vmem_shared>>
    tpu.enqueue_indirect_dma source(%dma_start3A_19 : memref<10112x64xf32, #tpu.memory_space<vmem_shared>>) target(%arg12 : memref<100x64xf32, #tpu.memory_space<vmem>>) offsets(%dma_start3A_16 : memref<100xi32, #tpu.memory_space<vmem>>) semaphore(%arg18 : memref<!tpu.dma_semaphore, #tpu.memory_space<semaphore_mem>>)
    %dma_start3A_20 = arith.constant 2 : i32
    %dma_start3A_21 = arith.constant 0 : i32
    %dma_start3A_22 = tpu.memref_slice %arg9[%dma_start3A_20, %dma_start3A_21] : memref<100x100xi32, #tpu.memory_space<vmem>> -> memref<1x100xi32, #tpu.memory_space<vmem>>
    %dma_start3A_23 = tpu.memref_squeeze %dma_start3A_22 : memref<1x100xi32, #tpu.memory_space<vmem>> -> memref<100xi32, #tpu.memory_space<vmem>>
    %dma_start3A_24 = arith.constant 0 : i32
    %dma_start3A_25 = arith.constant 0 : i32
    %dma_start3A_26 = tpu.memref_slice %arg15[%dma_start3A_24, %dma_start3A_25] : memref<10112x64xf32, #tpu.memory_space<vmem_shared>> -> memref<10112x64xf32, #tpu.memory_space<vmem_shared>>
    tpu.enqueue_indirect_dma source(%dma_start3A_26 : memref<10112x64xf32, #tpu.memory_space<vmem_shared>>) target(%arg13 : memref<100x64xf32, #tpu.memory_space<vmem>>) offsets(%dma_start3A_23 : memref<100xi32, #tpu.memory_space<vmem>>) semaphore(%arg19 : memref<!tpu.dma_semaphore, #tpu.memory_space<semaphore_mem>>)
    %dma_wait3A = arith.constant 0 : i32
    %dma_wait3A_27 = arith.constant 0 : i32
    %dma_wait3A_28 = tpu.memref_slice %arg9[%dma_wait3A, %dma_wait3A_27] : memref<100x100xi32, #tpu.memory_space<vmem>> -> memref<1x100xi32, #tpu.memory_space<vmem>>
    %dma_wait3A_29 = tpu.memref_squeeze %dma_wait3A_28 : memref<1x100xi32, #tpu.memory_space<vmem>> -> memref<100xi32, #tpu.memory_space<vmem>>
    %dma_wait3A_30 = arith.constant 0 : i32
    %dma_wait3A_31 = arith.constant 0 : i32
    %dma_wait3A_32 = tpu.memref_slice %arg15[%dma_wait3A_30, %dma_wait3A_31] : memref<10112x64xf32, #tpu.memory_space<vmem_shared>> -> memref<10112x64xf32, #tpu.memory_space<vmem_shared>>
    tpu.wait_indirect_dma semaphore(%arg17 : memref<!tpu.dma_semaphore, #tpu.memory_space<semaphore_mem>>) src(%dma_wait3A_32 : memref<10112x64xf32, #tpu.memory_space<vmem_shared>>) dst(%arg11 : memref<100x64xf32, #tpu.memory_space<vmem>>)
    %dma_start3A_33 = arith.constant 0 : i32
    %dma_start3A_34 = arith.constant 0 : i32
    %dma_start3A_35 = tpu.memref_slice %arg10[%dma_start3A_33, %dma_start3A_34] : memref<100x100xi32, #tpu.memory_space<vmem>> -> memref<1x100xi32, #tpu.memory_space<vmem>>
    %dma_start3A_36 = tpu.memref_squeeze %dma_start3A_35 : memref<1x100xi32, #tpu.memory_space<vmem>> -> memref<100xi32, #tpu.memory_space<vmem>>
    %dma_start3A_37 = arith.constant 0 : i32
    %dma_start3A_38 = arith.constant 0 : i32
    %dma_start3A_39 = tpu.memref_slice %arg16[%dma_start3A_37, %dma_start3A_38] : memref<10112x64xf32, #tpu.memory_space<vmem_shared>> -> memref<10112x64xf32, #tpu.memory_space<vmem_shared>>
    tpu.enqueue_indirect_dma source(%arg11 : memref<100x64xf32, #tpu.memory_space<vmem>>) target(%dma_start3A_39 : memref<10112x64xf32, #tpu.memory_space<vmem_shared>>) offsets(%dma_start3A_36 : memref<100xi32, #tpu.memory_space<vmem>>) semaphore(%arg21 : memref<!tpu.dma_semaphore, #tpu.memory_space<semaphore_mem>>) {add = true}
    %dma_start3A_40 = arith.constant 3 : i32
    %dma_start3A_41 = arith.constant 0 : i32
    %dma_start3A_42 = tpu.memref_slice %arg9[%dma_start3A_40, %dma_start3A_41] : memref<100x100xi32, #tpu.memory_space<vmem>> -> memref<1x100xi32, #tpu.memory_space<vmem>>
    %dma_start3A_43 = tpu.memref_squeeze %dma_start3A_42 : memref<1x100xi32, #tpu.memory_space<vmem>> -> memref<100xi32, #tpu.memory_space<vmem>>
    %dma_start3A_44 = arith.constant 0 : i32
    %dma_start3A_45 = arith.constant 0 : i32
    %dma_start3A_46 = tpu.memref_slice %arg15[%dma_start3A_44, %dma_start3A_45] : memref<10112x64xf32, #tpu.memory_space<vmem_shared>> -> memref<10112x64xf32, #tpu.memory_space<vmem_shared>>
    tpu.enqueue_indirect_dma source(%dma_start3A_46 : memref<10112x64xf32, #tpu.memory_space<vmem_shared>>) target(%arg14 : memref<100x64xf32, #tpu.memory_space<vmem>>) offsets(%dma_start3A_43 : memref<100xi32, #tpu.memory_space<vmem>>) semaphore(%arg20 : memref<!tpu.dma_semaphore, #tpu.memory_space<semaphore_mem>>)
    %dma_wait3A_47 = arith.constant 1 : i32
    %dma_wait3A_48 = arith.constant 0 : i32
    %dma_wait3A_49 = tpu.memref_slice %arg9[%dma_wait3A_47, %dma_wait3A_48] : memref<100x100xi32, #tpu.memory_space<vmem>> -> memref<1x100xi32, #tpu.memory_space<vmem>>
    %dma_wait3A_50 = tpu.memref_squeeze %dma_wait3A_49 : memref<1x100xi32, #tpu.memory_space<vmem>> -> memref<100xi32, #tpu.memory_space<vmem>>
    %dma_wait3A_51 = arith.constant 0 : i32
    %dma_wait3A_52 = arith.constant 0 : i32
    %dma_wait3A_53 = tpu.memref_slice %arg15[%dma_wait3A_51, %dma_wait3A_52] : memref<10112x64xf32, #tpu.memory_space<vmem_shared>> -> memref<10112x64xf32, #tpu.memory_space<vmem_shared>>
    tpu.wait_indirect_dma semaphore(%arg18 : memref<!tpu.dma_semaphore, #tpu.memory_space<semaphore_mem>>) src(%dma_wait3A_53 : memref<10112x64xf32, #tpu.memory_space<vmem_shared>>) dst(%arg12 : memref<100x64xf32, #tpu.memory_space<vmem>>)
    %dma_start3A_54 = arith.constant 1 : i32
    %dma_start3A_55 = arith.constant 0 : i32
    %dma_start3A_56 = tpu.memref_slice %arg10[%dma_start3A_54, %dma_start3A_55] : memref<100x100xi32, #tpu.memory_space<vmem>> -> memref<1x100xi32, #tpu.memory_space<vmem>>
    %dma_start3A_57 = tpu.memref_squeeze %dma_start3A_56 : memref<1x100xi32, #tpu.memory_space<vmem>> -> memref<100xi32, #tpu.memory_space<vmem>>
    %dma_start3A_58 = arith.constant 0 : i32
    %dma_start3A_59 = arith.constant 0 : i32
    %dma_start3A_60 = tpu.memref_slice %arg16[%dma_start3A_58, %dma_start3A_59] : memref<10112x64xf32, #tpu.memory_space<vmem_shared>> -> memref<10112x64xf32, #tpu.memory_space<vmem_shared>>
    tpu.enqueue_indirect_dma source(%arg12 : memref<100x64xf32, #tpu.memory_space<vmem>>) target(%dma_start3A_60 : memref<10112x64xf32, #tpu.memory_space<vmem_shared>>) offsets(%dma_start3A_57 : memref<100xi32, #tpu.memory_space<vmem>>) semaphore(%arg22 : memref<!tpu.dma_semaphore, #tpu.memory_space<semaphore_mem>>) {add = true}
    %dma_wait3A_61 = arith.constant 0 : i32
    %dma_wait3A_62 = arith.constant 0 : i32
    %dma_wait3A_63 = tpu.memref_slice %arg10[%dma_wait3A_61, %dma_wait3A_62] : memref<100x100xi32, #tpu.memory_space<vmem>> -> memref<1x100xi32, #tpu.memory_space<vmem>>
    %dma_wait3A_64 = tpu.memref_squeeze %dma_wait3A_63 : memref<1x100xi32, #tpu.memory_space<vmem>> -> memref<100xi32, #tpu.memory_space<vmem>>
    %dma_wait3A_65 = arith.constant 0 : i32
    %dma_wait3A_66 = arith.constant 0 : i32
    %dma_wait3A_67 = tpu.memref_slice %arg16[%dma_wait3A_65, %dma_wait3A_66] : memref<10112x64xf32, #tpu.memory_space<vmem_shared>> -> memref<10112x64xf32, #tpu.memory_space<vmem_shared>>
    tpu.wait_indirect_dma semaphore(%arg21 : memref<!tpu.dma_semaphore, #tpu.memory_space<semaphore_mem>>) src(%arg11 : memref<100x64xf32, #tpu.memory_space<vmem>>) dst(%dma_wait3A_67 : memref<10112x64xf32, #tpu.memory_space<vmem_shared>>)
    %dma_start3A_68 = arith.constant 4 : i32
    %dma_start3A_69 = arith.constant 0 : i32
    %dma_start3A_70 = tpu.memref_slice %arg9[%dma_start3A_68, %dma_start3A_69] : memref<100x100xi32, #tpu.memory_space<vmem>> -> memref<1x100xi32, #tpu.memory_space<vmem>>
    %dma_start3A_71 = tpu.memref_squeeze %dma_start3A_70 : memref<1x100xi32, #tpu.memory_space<vmem>> -> memref<100xi32, #tpu.memory_space<vmem>>
    %dma_start3A_72 = arith.constant 0 : i32
    %dma_start3A_73 = arith.constant 0 : i32
    %dma_start3A_74 = tpu.memref_slice %arg15[%dma_start3A_72, %dma_start3A_73] : memref<10112x64xf32, #tpu.memory_space<vmem_shared>> -> memref<10112x64xf32, #tpu.memory_space<vmem_shared>>
    tpu.enqueue_indirect_dma source(%dma_start3A_74 : memref<10112x64xf32, #tpu.memory_space<vmem_shared>>) target(%arg11 : memref<100x64xf32, #tpu.memory_space<vmem>>) offsets(%dma_start3A_71 : memref<100xi32, #tpu.memory_space<vmem>>) semaphore(%arg17 : memref<!tpu.dma_semaphore, #tpu.memory_space<semaphore_mem>>)
    %dma_wait3A_75 = arith.constant 2 : i32
    %dma_wait3A_76 = arith.constant 0 : i32
    %dma_wait3A_77 = tpu.memref_slice %arg9[%dma_wait3A_75, %dma_wait3A_76] : memref<100x100xi32, #tpu.memory_space<vmem>> -> memref<1x100xi32, #tpu.memory_space<vmem>>
    %dma_wait3A_78 = tpu.memref_squeeze %dma_wait3A_77 : memref<1x100xi32, #tpu.memory_space<vmem>> -> memref<100xi32, #tpu.memory_space<vmem>>
    %dma_wait3A_79 = arith.constant 0 : i32
    %dma_wait3A_80 = arith.constant 0 : i32
    %dma_wait3A_81 = tpu.memref_slice %arg15[%dma_wait3A_79, %dma_wait3A_80] : memref<10112x64xf32, #tpu.memory_space<vmem_shared>> -> memref<10112x64xf32, #tpu.memory_space<vmem_shared>>
    tpu.wait_indirect_dma semaphore(%arg19 : memref<!tpu.dma_semaphore, #tpu.memory_space<semaphore_mem>>) src(%dma_wait3A_81 : memref<10112x64xf32, #tpu.memory_space<vmem_shared>>) dst(%arg13 : memref<100x64xf32, #tpu.memory_space<vmem>>)
    %dma_start3A_82 = arith.constant 2 : i32
    %dma_start3A_83 = arith.constant 0 : i32
    %dma_start3A_84 = tpu.memref_slice %arg10[%dma_start3A_82, %dma_start3A_83] : memref<100x100xi32, #tpu.memory_space<vmem>> -> memref<1x100xi32, #tpu.memory_space<vmem>>
    %dma_start3A_85 = tpu.memref_squeeze %dma_start3A_84 : memref<1x100xi32, #tpu.memory_space<vmem>> -> memref<100xi32, #tpu.memory_space<vmem>>
    %dma_start3A_86 = arith.constant 0 : i32
    %dma_start3A_87 = arith.constant 0 : i32
    %dma_start3A_88 = tpu.memref_slice %arg16[%dma_start3A_86, %dma_start3A_87] : memref<10112x64xf32, #tpu.memory_space<vmem_shared>> -> memref<10112x64xf32, #tpu.memory_space<vmem_shared>>
    tpu.enqueue_indirect_dma source(%arg13 : memref<100x64xf32, #tpu.memory_space<vmem>>) target(%dma_start3A_88 : memref<10112x64xf32, #tpu.memory_space<vmem_shared>>) offsets(%dma_start3A_85 : memref<100xi32, #tpu.memory_space<vmem>>) semaphore(%arg23 : memref<!tpu.dma_semaphore, #tpu.memory_space<semaphore_mem>>) {add = true}
    %dma_wait3A_89 = arith.constant 1 : i32
    %dma_wait3A_90 = arith.constant 0 : i32
    %dma_wait3A_91 = tpu.memref_slice %arg10[%dma_wait3A_89, %dma_wait3A_90] : memref<100x100xi32, #tpu.memory_space<vmem>> -> memref<1x100xi32, #tpu.memory_space<vmem>>
    %dma_wait3A_92 = tpu.memref_squeeze %dma_wait3A_91 : memref<1x100xi32, #tpu.memory_space<vmem>> -> memref<100xi32, #tpu.memory_space<vmem>>
    %dma_wait3A_93 = arith.constant 0 : i32
    %dma_wait3A_94 = arith.constant 0 : i32
    %dma_wait3A_95 = tpu.memref_slice %arg16[%dma_wait3A_93, %dma_wait3A_94] : memref<10112x64xf32, #tpu.memory_space<vmem_shared>> -> memref<10112x64xf32, #tpu.memory_space<vmem_shared>>
    tpu.wait_indirect_dma semaphore(%arg22 : memref<!tpu.dma_semaphore, #tpu.memory_space<semaphore_mem>>) src(%arg12 : memref<100x64xf32, #tpu.memory_space<vmem>>) dst(%dma_wait3A_95 : memref<10112x64xf32, #tpu.memory_space<vmem_shared>>)
    %dma_start3A_96 = arith.constant 5 : i32
    %dma_start3A_97 = arith.constant 0 : i32
    %dma_start3A_98 = tpu.memref_slice %arg9[%dma_start3A_96, %dma_start3A_97] : memref<100x100xi32, #tpu.memory_space<vmem>> -> memref<1x100xi32, #tpu.memory_space<vmem>>
    %dma_start3A_99 = tpu.memref_squeeze %dma_start3A_98 : memref<1x100xi32, #tpu.memory_space<vmem>> -> memref<100xi32, #tpu.memory_space<vmem>>
    %dma_start3A_100 = arith.constant 0 : i32
    %dma_start3A_101 = arith.constant 0 : i32
    %dma_start3A_102 = tpu.memref_slice %arg15[%dma_start3A_100, %dma_start3A_101] : memref<10112x64xf32, #tpu.memory_space<vmem_shared>> -> memref<10112x64xf32, #tpu.memory_space<vmem_shared>>
    tpu.enqueue_indirect_dma source(%dma_start3A_102 : memref<10112x64xf32, #tpu.memory_space<vmem_shared>>) target(%arg12 : memref<100x64xf32, #tpu.memory_space<vmem>>) offsets(%dma_start3A_99 : memref<100xi32, #tpu.memory_space<vmem>>) semaphore(%arg18 : memref<!tpu.dma_semaphore, #tpu.memory_space<semaphore_mem>>)
    %dma_wait3A_103 = arith.constant 3 : i32
    %dma_wait3A_104 = arith.constant 0 : i32
    %dma_wait3A_105 = tpu.memref_slice %arg9[%dma_wait3A_103, %dma_wait3A_104] : memref<100x100xi32, #tpu.memory_space<vmem>> -> memref<1x100xi32, #tpu.memory_space<vmem>>
    %dma_wait3A_106 = tpu.memref_squeeze %dma_wait3A_105 : memref<1x100xi32, #tpu.memory_space<vmem>> -> memref<100xi32, #tpu.memory_space<vmem>>
    %dma_wait3A_107 = arith.constant 0 : i32
    %dma_wait3A_108 = arith.constant 0 : i32
    %dma_wait3A_109 = tpu.memref_slice %arg15[%dma_wait3A_107, %dma_wait3A_108] : memref<10112x64xf32, #tpu.memory_space<vmem_shared>> -> memref<10112x64xf32, #tpu.memory_space<vmem_shared>>
    tpu.wait_indirect_dma semaphore(%arg20 : memref<!tpu.dma_semaphore, #tpu.memory_space<semaphore_mem>>) src(%dma_wait3A_109 : memref<10112x64xf32, #tpu.memory_space<vmem_shared>>) dst(%arg14 : memref<100x64xf32, #tpu.memory_space<vmem>>)
    %dma_start3A_110 = arith.constant 3 : i32
    %dma_start3A_111 = arith.constant 0 : i32
    %dma_start3A_112 = tpu.memref_slice %arg10[%dma_start3A_110, %dma_start3A_111] : memref<100x100xi32, #tpu.memory_space<vmem>> -> memref<1x100xi32, #tpu.memory_space<vmem>>
    %dma_start3A_113 = tpu.memref_squeeze %dma_start3A_112 : memref<1x100xi32, #tpu.memory_space<vmem>> -> memref<100xi32, #tpu.memory_space<vmem>>
    %dma_start3A_114 = arith.constant 0 : i32
    %dma_start3A_115 = arith.constant 0 : i32
    %dma_start3A_116 = tpu.memref_slice %arg16[%dma_start3A_114, %dma_start3A_115] : memref<10112x64xf32, #tpu.memory_space<vmem_shared>> -> memref<10112x64xf32, #tpu.memory_space<vmem_shared>>
    tpu.enqueue_indirect_dma source(%arg14 : memref<100x64xf32, #tpu.memory_space<vmem>>) target(%dma_start3A_116 : memref<10112x64xf32, #tpu.memory_space<vmem_shared>>) offsets(%dma_start3A_113 : memref<100xi32, #tpu.memory_space<vmem>>) semaphore(%arg24 : memref<!tpu.dma_semaphore, #tpu.memory_space<semaphore_mem>>) {add = true}
    %dma_wait3A_117 = arith.constant 2 : i32
    %dma_wait3A_118 = arith.constant 0 : i32
    %dma_wait3A_119 = tpu.memref_slice %arg10[%dma_wait3A_117, %dma_wait3A_118] : memref<100x100xi32, #tpu.memory_space<vmem>> -> memref<1x100xi32, #tpu.memory_space<vmem>>
    %dma_wait3A_120 = tpu.memref_squeeze %dma_wait3A_119 : memref<1x100xi32, #tpu.memory_space<vmem>> -> memref<100xi32, #tpu.memory_space<vmem>>
    %dma_wait3A_121 = arith.constant 0 : i32
    %dma_wait3A_122 = arith.constant 0 : i32
    %dma_wait3A_123 = tpu.memref_slice %arg16[%dma_wait3A_121, %dma_wait3A_122] : memref<10112x64xf32, #tpu.memory_space<vmem_shared>> -> memref<10112x64xf32, #tpu.memory_space<vmem_shared>>
    tpu.wait_indirect_dma semaphore(%arg23 : memref<!tpu.dma_semaphore, #tpu.memory_space<semaphore_mem>>) src(%arg13 : memref<100x64xf32, #tpu.memory_space<vmem>>) dst(%dma_wait3A_123 : memref<10112x64xf32, #tpu.memory_space<vmem_shared>>)
    %dma_start3A_124 = arith.constant 6 : i32
    %dma_start3A_125 = arith.constant 0 : i32
    %dma_start3A_126 = tpu.memref_slice %arg9[%dma_start3A_124, %dma_start3A_125] : memref<100x100xi32, #tpu.memory_space<vmem>> -> memref<1x100xi32, #tpu.memory_space<vmem>>
    %dma_start3A_127 = tpu.memref_squeeze %dma_start3A_126 : memref<1x100xi32, #tpu.memory_space<vmem>> -> memref<100xi32, #tpu.memory_space<vmem>>
    %dma_start3A_128 = arith.constant 0 : i32
    %dma_start3A_129 = arith.constant 0 : i32
    %dma_start3A_130 = tpu.memref_slice %arg15[%dma_start3A_128, %dma_start3A_129] : memref<10112x64xf32, #tpu.memory_space<vmem_shared>> -> memref<10112x64xf32, #tpu.memory_space<vmem_shared>>
    tpu.enqueue_indirect_dma source(%dma_start3A_130 : memref<10112x64xf32, #tpu.memory_space<vmem_shared>>) target(%arg13 : memref<100x64xf32, #tpu.memory_space<vmem>>) offsets(%dma_start3A_127 : memref<100xi32, #tpu.memory_space<vmem>>) semaphore(%arg19 : memref<!tpu.dma_semaphore, #tpu.memory_space<semaphore_mem>>)
    %scan3A = arith.constant 0 : i32
    %scan3A_131 = arith.constant 1 : i32
    %scan3A_132 = arith.constant 24 : i32
    %scan3A_133 = arith.addi %scan3A_131, %scan3A_132 : i32
    %scan3A_134 = arith.constant 1 : i32
    scf.for %scan3A_342 = %scan3A_131 to %scan3A_133 step %scan3A_134  : i32 {
      %mul3A_343 = arith.constant 4 : i32
      %mul3A_344 = arith.muli %mul3A_343, %scan3A_342 : i32
      %add3A_345 = arith.constant 0 : i32
      %add3A_346 = arith.addi %mul3A_344, %add3A_345 : i32
      %dma_wait3A_347 = arith.constant 0 : i32
      %dma_wait3A_348 = tpu.memref_slice %arg9[%add3A_346, %dma_wait3A_347] : memref<100x100xi32, #tpu.memory_space<vmem>> -> memref<1x100xi32, #tpu.memory_space<vmem>>
      %dma_wait3A_349 = tpu.memref_squeeze %dma_wait3A_348 : memref<1x100xi32, #tpu.memory_space<vmem>> -> memref<100xi32, #tpu.memory_space<vmem>>
      %dma_wait3A_350 = arith.constant 0 : i32
      %dma_wait3A_351 = arith.constant 0 : i32
      %dma_wait3A_352 = tpu.memref_slice %arg15[%dma_wait3A_350, %dma_wait3A_351] : memref<10112x64xf32, #tpu.memory_space<vmem_shared>> -> memref<10112x64xf32, #tpu.memory_space<vmem_shared>>
      tpu.wait_indirect_dma semaphore(%arg17 : memref<!tpu.dma_semaphore, #tpu.memory_space<semaphore_mem>>) src(%dma_wait3A_352 : memref<10112x64xf32, #tpu.memory_space<vmem_shared>>) dst(%arg11 : memref<100x64xf32, #tpu.memory_space<vmem>>)
      %dma_start3A_353 = arith.constant 0 : i32
      %dma_start3A_354 = tpu.memref_slice %arg10[%add3A_346, %dma_start3A_353] : memref<100x100xi32, #tpu.memory_space<vmem>> -> memref<1x100xi32, #tpu.memory_space<vmem>>
      %dma_start3A_355 = tpu.memref_squeeze %dma_start3A_354 : memref<1x100xi32, #tpu.memory_space<vmem>> -> memref<100xi32, #tpu.memory_space<vmem>>
      %dma_start3A_356 = arith.constant 0 : i32
      %dma_start3A_357 = arith.constant 0 : i32
      %dma_start3A_358 = tpu.memref_slice %arg16[%dma_start3A_356, %dma_start3A_357] : memref<10112x64xf32, #tpu.memory_space<vmem_shared>> -> memref<10112x64xf32, #tpu.memory_space<vmem_shared>>
      tpu.enqueue_indirect_dma source(%arg11 : memref<100x64xf32, #tpu.memory_space<vmem>>) target(%dma_start3A_358 : memref<10112x64xf32, #tpu.memory_space<vmem_shared>>) offsets(%dma_start3A_355 : memref<100xi32, #tpu.memory_space<vmem>>) semaphore(%arg21 : memref<!tpu.dma_semaphore, #tpu.memory_space<semaphore_mem>>) {add = true}
      %add3A_359 = arith.constant 3 : i32
      %add3A_360 = arith.addi %add3A_346, %add3A_359 : i32
      %lt3A = arith.constant 100 : i32
      %lt3A_361 = arith.cmpi slt, %add3A_360, %lt3A : i32
      %convert_element_type3A = arith.extui %lt3A_361 : i1 to i32
      %cond3A = arith.constant 0 : i32
      %cond3A_362 = arith.cmpi ne, %convert_element_type3A, %cond3A : i32
      scf.if %cond3A_362 {
        %sub3A = arith.constant 1 : i32
        %sub3A_432 = arith.subi %add3A_346, %sub3A : i32
        %dma_wait3A_433 = arith.constant 0 : i32
        %dma_wait3A_434 = tpu.memref_slice %arg10[%sub3A_432, %dma_wait3A_433] : memref<100x100xi32, #tpu.memory_space<vmem>> -> memref<1x100xi32, #tpu.memory_space<vmem>>
        %dma_wait3A_435 = tpu.memref_squeeze %dma_wait3A_434 : memref<1x100xi32, #tpu.memory_space<vmem>> -> memref<100xi32, #tpu.memory_space<vmem>>
        %dma_wait3A_436 = arith.constant 0 : i32
        %dma_wait3A_437 = arith.constant 0 : i32
        %dma_wait3A_438 = tpu.memref_slice %arg16[%dma_wait3A_436, %dma_wait3A_437] : memref<10112x64xf32, #tpu.memory_space<vmem_shared>> -> memref<10112x64xf32, #tpu.memory_space<vmem_shared>>
        tpu.wait_indirect_dma semaphore(%arg24 : memref<!tpu.dma_semaphore, #tpu.memory_space<semaphore_mem>>) src(%arg14 : memref<100x64xf32, #tpu.memory_space<vmem>>) dst(%dma_wait3A_438 : memref<10112x64xf32, #tpu.memory_space<vmem_shared>>)
        %add3A_439 = arith.constant 3 : i32
        %add3A_440 = arith.addi %add3A_346, %add3A_439 : i32
        %dma_start3A_441 = arith.constant 0 : i32
        %dma_start3A_442 = tpu.memref_slice %arg9[%add3A_440, %dma_start3A_441] : memref<100x100xi32, #tpu.memory_space<vmem>> -> memref<1x100xi32, #tpu.memory_space<vmem>>
        %dma_start3A_443 = tpu.memref_squeeze %dma_start3A_442 : memref<1x100xi32, #tpu.memory_space<vmem>> -> memref<100xi32, #tpu.memory_space<vmem>>
        %dma_start3A_444 = arith.constant 0 : i32
        %dma_start3A_445 = arith.constant 0 : i32
        %dma_start3A_446 = tpu.memref_slice %arg15[%dma_start3A_444, %dma_start3A_445] : memref<10112x64xf32, #tpu.memory_space<vmem_shared>> -> memref<10112x64xf32, #tpu.memory_space<vmem_shared>>
        tpu.enqueue_indirect_dma source(%dma_start3A_446 : memref<10112x64xf32, #tpu.memory_space<vmem_shared>>) target(%arg14 : memref<100x64xf32, #tpu.memory_space<vmem>>) offsets(%dma_start3A_443 : memref<100xi32, #tpu.memory_space<vmem>>) semaphore(%arg20 : memref<!tpu.dma_semaphore, #tpu.memory_space<semaphore_mem>>)
      } else {
      }
      %mul3A_363 = arith.constant 4 : i32
      %mul3A_364 = arith.muli %mul3A_363, %scan3A_342 : i32
      %add3A_365 = arith.constant 1 : i32
      %add3A_366 = arith.addi %mul3A_364, %add3A_365 : i32
      %dma_wait3A_367 = arith.constant 0 : i32
      %dma_wait3A_368 = tpu.memref_slice %arg9[%add3A_366, %dma_wait3A_367] : memref<100x100xi32, #tpu.memory_space<vmem>> -> memref<1x100xi32, #tpu.memory_space<vmem>>
      %dma_wait3A_369 = tpu.memref_squeeze %dma_wait3A_368 : memref<1x100xi32, #tpu.memory_space<vmem>> -> memref<100xi32, #tpu.memory_space<vmem>>
      %dma_wait3A_370 = arith.constant 0 : i32
      %dma_wait3A_371 = arith.constant 0 : i32
      %dma_wait3A_372 = tpu.memref_slice %arg15[%dma_wait3A_370, %dma_wait3A_371] : memref<10112x64xf32, #tpu.memory_space<vmem_shared>> -> memref<10112x64xf32, #tpu.memory_space<vmem_shared>>
      tpu.wait_indirect_dma semaphore(%arg18 : memref<!tpu.dma_semaphore, #tpu.memory_space<semaphore_mem>>) src(%dma_wait3A_372 : memref<10112x64xf32, #tpu.memory_space<vmem_shared>>) dst(%arg12 : memref<100x64xf32, #tpu.memory_space<vmem>>)
      %dma_start3A_373 = arith.constant 0 : i32
      %dma_start3A_374 = tpu.memref_slice %arg10[%add3A_366, %dma_start3A_373] : memref<100x100xi32, #tpu.memory_space<vmem>> -> memref<1x100xi32, #tpu.memory_space<vmem>>
      %dma_start3A_375 = tpu.memref_squeeze %dma_start3A_374 : memref<1x100xi32, #tpu.memory_space<vmem>> -> memref<100xi32, #tpu.memory_space<vmem>>
      %dma_start3A_376 = arith.constant 0 : i32
      %dma_start3A_377 = arith.constant 0 : i32
      %dma_start3A_378 = tpu.memref_slice %arg16[%dma_start3A_376, %dma_start3A_377] : memref<10112x64xf32, #tpu.memory_space<vmem_shared>> -> memref<10112x64xf32, #tpu.memory_space<vmem_shared>>
      tpu.enqueue_indirect_dma source(%arg12 : memref<100x64xf32, #tpu.memory_space<vmem>>) target(%dma_start3A_378 : memref<10112x64xf32, #tpu.memory_space<vmem_shared>>) offsets(%dma_start3A_375 : memref<100xi32, #tpu.memory_space<vmem>>) semaphore(%arg22 : memref<!tpu.dma_semaphore, #tpu.memory_space<semaphore_mem>>) {add = true}
      %add3A_379 = arith.constant 3 : i32
      %add3A_380 = arith.addi %add3A_366, %add3A_379 : i32
      %lt3A_381 = arith.constant 100 : i32
      %lt3A_382 = arith.cmpi slt, %add3A_380, %lt3A_381 : i32
      %convert_element_type3A_383 = arith.extui %lt3A_382 : i1 to i32
      %cond3A_384 = arith.constant 0 : i32
      %cond3A_385 = arith.cmpi ne, %convert_element_type3A_383, %cond3A_384 : i32
      scf.if %cond3A_385 {
        %sub3A = arith.constant 1 : i32
        %sub3A_432 = arith.subi %add3A_366, %sub3A : i32
        %dma_wait3A_433 = arith.constant 0 : i32
        %dma_wait3A_434 = tpu.memref_slice %arg10[%sub3A_432, %dma_wait3A_433] : memref<100x100xi32, #tpu.memory_space<vmem>> -> memref<1x100xi32, #tpu.memory_space<vmem>>
        %dma_wait3A_435 = tpu.memref_squeeze %dma_wait3A_434 : memref<1x100xi32, #tpu.memory_space<vmem>> -> memref<100xi32, #tpu.memory_space<vmem>>
        %dma_wait3A_436 = arith.constant 0 : i32
        %dma_wait3A_437 = arith.constant 0 : i32
        %dma_wait3A_438 = tpu.memref_slice %arg16[%dma_wait3A_436, %dma_wait3A_437] : memref<10112x64xf32, #tpu.memory_space<vmem_shared>> -> memref<10112x64xf32, #tpu.memory_space<vmem_shared>>
        tpu.wait_indirect_dma semaphore(%arg21 : memref<!tpu.dma_semaphore, #tpu.memory_space<semaphore_mem>>) src(%arg11 : memref<100x64xf32, #tpu.memory_space<vmem>>) dst(%dma_wait3A_438 : memref<10112x64xf32, #tpu.memory_space<vmem_shared>>)
        %add3A_439 = arith.constant 3 : i32
        %add3A_440 = arith.addi %add3A_366, %add3A_439 : i32
        %dma_start3A_441 = arith.constant 0 : i32
        %dma_start3A_442 = tpu.memref_slice %arg9[%add3A_440, %dma_start3A_441] : memref<100x100xi32, #tpu.memory_space<vmem>> -> memref<1x100xi32, #tpu.memory_space<vmem>>
        %dma_start3A_443 = tpu.memref_squeeze %dma_start3A_442 : memref<1x100xi32, #tpu.memory_space<vmem>> -> memref<100xi32, #tpu.memory_space<vmem>>
        %dma_start3A_444 = arith.constant 0 : i32
        %dma_start3A_445 = arith.constant 0 : i32
        %dma_start3A_446 = tpu.memref_slice %arg15[%dma_start3A_444, %dma_start3A_445] : memref<10112x64xf32, #tpu.memory_space<vmem_shared>> -> memref<10112x64xf32, #tpu.memory_space<vmem_shared>>
        tpu.enqueue_indirect_dma source(%dma_start3A_446 : memref<10112x64xf32, #tpu.memory_space<vmem_shared>>) target(%arg11 : memref<100x64xf32, #tpu.memory_space<vmem>>) offsets(%dma_start3A_443 : memref<100xi32, #tpu.memory_space<vmem>>) semaphore(%arg17 : memref<!tpu.dma_semaphore, #tpu.memory_space<semaphore_mem>>)
      } else {
      }
      %mul3A_386 = arith.constant 4 : i32
      %mul3A_387 = arith.muli %mul3A_386, %scan3A_342 : i32
      %add3A_388 = arith.constant 2 : i32
      %add3A_389 = arith.addi %mul3A_387, %add3A_388 : i32
      %dma_wait3A_390 = arith.constant 0 : i32
      %dma_wait3A_391 = tpu.memref_slice %arg9[%add3A_389, %dma_wait3A_390] : memref<100x100xi32, #tpu.memory_space<vmem>> -> memref<1x100xi32, #tpu.memory_space<vmem>>
      %dma_wait3A_392 = tpu.memref_squeeze %dma_wait3A_391 : memref<1x100xi32, #tpu.memory_space<vmem>> -> memref<100xi32, #tpu.memory_space<vmem>>
      %dma_wait3A_393 = arith.constant 0 : i32
      %dma_wait3A_394 = arith.constant 0 : i32
      %dma_wait3A_395 = tpu.memref_slice %arg15[%dma_wait3A_393, %dma_wait3A_394] : memref<10112x64xf32, #tpu.memory_space<vmem_shared>> -> memref<10112x64xf32, #tpu.memory_space<vmem_shared>>
      tpu.wait_indirect_dma semaphore(%arg19 : memref<!tpu.dma_semaphore, #tpu.memory_space<semaphore_mem>>) src(%dma_wait3A_395 : memref<10112x64xf32, #tpu.memory_space<vmem_shared>>) dst(%arg13 : memref<100x64xf32, #tpu.memory_space<vmem>>)
      %dma_start3A_396 = arith.constant 0 : i32
      %dma_start3A_397 = tpu.memref_slice %arg10[%add3A_389, %dma_start3A_396] : memref<100x100xi32, #tpu.memory_space<vmem>> -> memref<1x100xi32, #tpu.memory_space<vmem>>
      %dma_start3A_398 = tpu.memref_squeeze %dma_start3A_397 : memref<1x100xi32, #tpu.memory_space<vmem>> -> memref<100xi32, #tpu.memory_space<vmem>>
      %dma_start3A_399 = arith.constant 0 : i32
      %dma_start3A_400 = arith.constant 0 : i32
      %dma_start3A_401 = tpu.memref_slice %arg16[%dma_start3A_399, %dma_start3A_400] : memref<10112x64xf32, #tpu.memory_space<vmem_shared>> -> memref<10112x64xf32, #tpu.memory_space<vmem_shared>>
      tpu.enqueue_indirect_dma source(%arg13 : memref<100x64xf32, #tpu.memory_space<vmem>>) target(%dma_start3A_401 : memref<10112x64xf32, #tpu.memory_space<vmem_shared>>) offsets(%dma_start3A_398 : memref<100xi32, #tpu.memory_space<vmem>>) semaphore(%arg23 : memref<!tpu.dma_semaphore, #tpu.memory_space<semaphore_mem>>) {add = true}
      %add3A_402 = arith.constant 3 : i32
      %add3A_403 = arith.addi %add3A_389, %add3A_402 : i32
      %lt3A_404 = arith.constant 100 : i32
      %lt3A_405 = arith.cmpi slt, %add3A_403, %lt3A_404 : i32
      %convert_element_type3A_406 = arith.extui %lt3A_405 : i1 to i32
      %cond3A_407 = arith.constant 0 : i32
      %cond3A_408 = arith.cmpi ne, %convert_element_type3A_406, %cond3A_407 : i32
      scf.if %cond3A_408 {
        %sub3A = arith.constant 1 : i32
        %sub3A_432 = arith.subi %add3A_389, %sub3A : i32
        %dma_wait3A_433 = arith.constant 0 : i32
        %dma_wait3A_434 = tpu.memref_slice %arg10[%sub3A_432, %dma_wait3A_433] : memref<100x100xi32, #tpu.memory_space<vmem>> -> memref<1x100xi32, #tpu.memory_space<vmem>>
        %dma_wait3A_435 = tpu.memref_squeeze %dma_wait3A_434 : memref<1x100xi32, #tpu.memory_space<vmem>> -> memref<100xi32, #tpu.memory_space<vmem>>
        %dma_wait3A_436 = arith.constant 0 : i32
        %dma_wait3A_437 = arith.constant 0 : i32
        %dma_wait3A_438 = tpu.memref_slice %arg16[%dma_wait3A_436, %dma_wait3A_437] : memref<10112x64xf32, #tpu.memory_space<vmem_shared>> -> memref<10112x64xf32, #tpu.memory_space<vmem_shared>>
        tpu.wait_indirect_dma semaphore(%arg22 : memref<!tpu.dma_semaphore, #tpu.memory_space<semaphore_mem>>) src(%arg12 : memref<100x64xf32, #tpu.memory_space<vmem>>) dst(%dma_wait3A_438 : memref<10112x64xf32, #tpu.memory_space<vmem_shared>>)
        %add3A_439 = arith.constant 3 : i32
        %add3A_440 = arith.addi %add3A_389, %add3A_439 : i32
        %dma_start3A_441 = arith.constant 0 : i32
        %dma_start3A_442 = tpu.memref_slice %arg9[%add3A_440, %dma_start3A_441] : memref<100x100xi32, #tpu.memory_space<vmem>> -> memref<1x100xi32, #tpu.memory_space<vmem>>
        %dma_start3A_443 = tpu.memref_squeeze %dma_start3A_442 : memref<1x100xi32, #tpu.memory_space<vmem>> -> memref<100xi32, #tpu.memory_space<vmem>>
        %dma_start3A_444 = arith.constant 0 : i32
        %dma_start3A_445 = arith.constant 0 : i32
        %dma_start3A_446 = tpu.memref_slice %arg15[%dma_start3A_444, %dma_start3A_445] : memref<10112x64xf32, #tpu.memory_space<vmem_shared>> -> memref<10112x64xf32, #tpu.memory_space<vmem_shared>>
        tpu.enqueue_indirect_dma source(%dma_start3A_446 : memref<10112x64xf32, #tpu.memory_space<vmem_shared>>) target(%arg12 : memref<100x64xf32, #tpu.memory_space<vmem>>) offsets(%dma_start3A_443 : memref<100xi32, #tpu.memory_space<vmem>>) semaphore(%arg18 : memref<!tpu.dma_semaphore, #tpu.memory_space<semaphore_mem>>)
      } else {
      }
      %mul3A_409 = arith.constant 4 : i32
      %mul3A_410 = arith.muli %mul3A_409, %scan3A_342 : i32
      %add3A_411 = arith.constant 3 : i32
      %add3A_412 = arith.addi %mul3A_410, %add3A_411 : i32
      %dma_wait3A_413 = arith.constant 0 : i32
      %dma_wait3A_414 = tpu.memref_slice %arg9[%add3A_412, %dma_wait3A_413] : memref<100x100xi32, #tpu.memory_space<vmem>> -> memref<1x100xi32, #tpu.memory_space<vmem>>
      %dma_wait3A_415 = tpu.memref_squeeze %dma_wait3A_414 : memref<1x100xi32, #tpu.memory_space<vmem>> -> memref<100xi32, #tpu.memory_space<vmem>>
      %dma_wait3A_416 = arith.constant 0 : i32
      %dma_wait3A_417 = arith.constant 0 : i32
      %dma_wait3A_418 = tpu.memref_slice %arg15[%dma_wait3A_416, %dma_wait3A_417] : memref<10112x64xf32, #tpu.memory_space<vmem_shared>> -> memref<10112x64xf32, #tpu.memory_space<vmem_shared>>
      tpu.wait_indirect_dma semaphore(%arg20 : memref<!tpu.dma_semaphore, #tpu.memory_space<semaphore_mem>>) src(%dma_wait3A_418 : memref<10112x64xf32, #tpu.memory_space<vmem_shared>>) dst(%arg14 : memref<100x64xf32, #tpu.memory_space<vmem>>)
      %dma_start3A_419 = arith.constant 0 : i32
      %dma_start3A_420 = tpu.memref_slice %arg10[%add3A_412, %dma_start3A_419] : memref<100x100xi32, #tpu.memory_space<vmem>> -> memref<1x100xi32, #tpu.memory_space<vmem>>
      %dma_start3A_421 = tpu.memref_squeeze %dma_start3A_420 : memref<1x100xi32, #tpu.memory_space<vmem>> -> memref<100xi32, #tpu.memory_space<vmem>>
      %dma_start3A_422 = arith.constant 0 : i32
      %dma_start3A_423 = arith.constant 0 : i32
      %dma_start3A_424 = tpu.memref_slice %arg16[%dma_start3A_422, %dma_start3A_423] : memref<10112x64xf32, #tpu.memory_space<vmem_shared>> -> memref<10112x64xf32, #tpu.memory_space<vmem_shared>>
      tpu.enqueue_indirect_dma source(%arg14 : memref<100x64xf32, #tpu.memory_space<vmem>>) target(%dma_start3A_424 : memref<10112x64xf32, #tpu.memory_space<vmem_shared>>) offsets(%dma_start3A_421 : memref<100xi32, #tpu.memory_space<vmem>>) semaphore(%arg24 : memref<!tpu.dma_semaphore, #tpu.memory_space<semaphore_mem>>) {add = true}
      %add3A_425 = arith.constant 3 : i32
      %add3A_426 = arith.addi %add3A_412, %add3A_425 : i32
      %lt3A_427 = arith.constant 100 : i32
      %lt3A_428 = arith.cmpi slt, %add3A_426, %lt3A_427 : i32
      %convert_element_type3A_429 = arith.extui %lt3A_428 : i1 to i32
      %cond3A_430 = arith.constant 0 : i32
      %cond3A_431 = arith.cmpi ne, %convert_element_type3A_429, %cond3A_430 : i32
      scf.if %cond3A_431 {
        %sub3A = arith.constant 1 : i32
        %sub3A_432 = arith.subi %add3A_412, %sub3A : i32
        %dma_wait3A_433 = arith.constant 0 : i32
        %dma_wait3A_434 = tpu.memref_slice %arg10[%sub3A_432, %dma_wait3A_433] : memref<100x100xi32, #tpu.memory_space<vmem>> -> memref<1x100xi32, #tpu.memory_space<vmem>>
        %dma_wait3A_435 = tpu.memref_squeeze %dma_wait3A_434 : memref<1x100xi32, #tpu.memory_space<vmem>> -> memref<100xi32, #tpu.memory_space<vmem>>
        %dma_wait3A_436 = arith.constant 0 : i32
        %dma_wait3A_437 = arith.constant 0 : i32
        %dma_wait3A_438 = tpu.memref_slice %arg16[%dma_wait3A_436, %dma_wait3A_437] : memref<10112x64xf32, #tpu.memory_space<vmem_shared>> -> memref<10112x64xf32, #tpu.memory_space<vmem_shared>>
        tpu.wait_indirect_dma semaphore(%arg23 : memref<!tpu.dma_semaphore, #tpu.memory_space<semaphore_mem>>) src(%arg13 : memref<100x64xf32, #tpu.memory_space<vmem>>) dst(%dma_wait3A_438 : memref<10112x64xf32, #tpu.memory_space<vmem_shared>>)
        %add3A_439 = arith.constant 3 : i32
        %add3A_440 = arith.addi %add3A_412, %add3A_439 : i32
        %dma_start3A_441 = arith.constant 0 : i32
        %dma_start3A_442 = tpu.memref_slice %arg9[%add3A_440, %dma_start3A_441] : memref<100x100xi32, #tpu.memory_space<vmem>> -> memref<1x100xi32, #tpu.memory_space<vmem>>
        %dma_start3A_443 = tpu.memref_squeeze %dma_start3A_442 : memref<1x100xi32, #tpu.memory_space<vmem>> -> memref<100xi32, #tpu.memory_space<vmem>>
        %dma_start3A_444 = arith.constant 0 : i32
        %dma_start3A_445 = arith.constant 0 : i32
        %dma_start3A_446 = tpu.memref_slice %arg15[%dma_start3A_444, %dma_start3A_445] : memref<10112x64xf32, #tpu.memory_space<vmem_shared>> -> memref<10112x64xf32, #tpu.memory_space<vmem_shared>>
        tpu.enqueue_indirect_dma source(%dma_start3A_446 : memref<10112x64xf32, #tpu.memory_space<vmem_shared>>) target(%arg13 : memref<100x64xf32, #tpu.memory_space<vmem>>) offsets(%dma_start3A_443 : memref<100xi32, #tpu.memory_space<vmem>>) semaphore(%arg19 : memref<!tpu.dma_semaphore, #tpu.memory_space<semaphore_mem>>)
      } else {
      }
    }
    %scan3A_135 = arith.constant 24 : i32
    %dma_wait3A_136 = arith.constant 0 : i32
    %dma_wait3A_137 = arith.constant 0 : i32
    %dma_wait3A_138 = tpu.memref_slice %arg10[%dma_wait3A_136, %dma_wait3A_137] : memref<100x100xi32, #tpu.memory_space<vmem>> -> memref<1x100xi32, #tpu.memory_space<vmem>>
    %dma_wait3A_139 = tpu.memref_squeeze %dma_wait3A_138 : memref<1x100xi32, #tpu.memory_space<vmem>> -> memref<100xi32, #tpu.memory_space<vmem>>
    %dma_wait3A_140 = arith.constant 0 : i32
    %dma_wait3A_141 = arith.constant 0 : i32
    %dma_wait3A_142 = tpu.memref_slice %arg16[%dma_wait3A_140, %dma_wait3A_141] : memref<10112x64xf32, #tpu.memory_space<vmem_shared>> -> memref<10112x64xf32, #tpu.memory_space<vmem_shared>>
    tpu.wait_indirect_dma semaphore(%arg21 : memref<!tpu.dma_semaphore, #tpu.memory_space<semaphore_mem>>) src(%arg11 : memref<100x64xf32, #tpu.memory_space<vmem>>) dst(%dma_wait3A_142 : memref<10112x64xf32, #tpu.memory_space<vmem_shared>>)
    %dma_wait3A_143 = arith.constant 0 : i32
    %dma_wait3A_144 = arith.constant 0 : i32
    %dma_wait3A_145 = tpu.memref_slice %arg10[%dma_wait3A_143, %dma_wait3A_144] : memref<100x100xi32, #tpu.memory_space<vmem>> -> memref<1x100xi32, #tpu.memory_space<vmem>>
    %dma_wait3A_146 = tpu.memref_squeeze %dma_wait3A_145 : memref<1x100xi32, #tpu.memory_space<vmem>> -> memref<100xi32, #tpu.memory_space<vmem>>
    %dma_wait3A_147 = arith.constant 0 : i32
    %dma_wait3A_148 = arith.constant 0 : i32
    %dma_wait3A_149 = tpu.memref_slice %arg16[%dma_wait3A_147, %dma_wait3A_148] : memref<10112x64xf32, #tpu.memory_space<vmem_shared>> -> memref<10112x64xf32, #tpu.memory_space<vmem_shared>>
    tpu.wait_indirect_dma semaphore(%arg22 : memref<!tpu.dma_semaphore, #tpu.memory_space<semaphore_mem>>) src(%arg12 : memref<100x64xf32, #tpu.memory_space<vmem>>) dst(%dma_wait3A_149 : memref<10112x64xf32, #tpu.memory_space<vmem_shared>>)
    %dma_wait3A_150 = arith.constant 0 : i32
    %dma_wait3A_151 = arith.constant 0 : i32
    %dma_wait3A_152 = tpu.memref_slice %arg10[%dma_wait3A_150, %dma_wait3A_151] : memref<100x100xi32, #tpu.memory_space<vmem>> -> memref<1x100xi32, #tpu.memory_space<vmem>>
    %dma_wait3A_153 = tpu.memref_squeeze %dma_wait3A_152 : memref<1x100xi32, #tpu.memory_space<vmem>> -> memref<100xi32, #tpu.memory_space<vmem>>
    %dma_wait3A_154 = arith.constant 0 : i32
    %dma_wait3A_155 = arith.constant 0 : i32
    %dma_wait3A_156 = tpu.memref_slice %arg16[%dma_wait3A_154, %dma_wait3A_155] : memref<10112x64xf32, #tpu.memory_space<vmem_shared>> -> memref<10112x64xf32, #tpu.memory_space<vmem_shared>>
    tpu.wait_indirect_dma semaphore(%arg23 : memref<!tpu.dma_semaphore, #tpu.memory_space<semaphore_mem>>) src(%arg13 : memref<100x64xf32, #tpu.memory_space<vmem>>) dst(%dma_wait3A_156 : memref<10112x64xf32, #tpu.memory_space<vmem_shared>>)
    %dma_wait3A_157 = arith.constant 0 : i32
    %dma_wait3A_158 = arith.constant 0 : i32
    %dma_wait3A_159 = tpu.memref_slice %arg10[%dma_wait3A_157, %dma_wait3A_158] : memref<100x100xi32, #tpu.memory_space<vmem>> -> memref<1x100xi32, #tpu.memory_space<vmem>>
    %dma_wait3A_160 = tpu.memref_squeeze %dma_wait3A_159 : memref<1x100xi32, #tpu.memory_space<vmem>> -> memref<100xi32, #tpu.memory_space<vmem>>
    %dma_wait3A_161 = arith.constant 0 : i32
    %dma_wait3A_162 = arith.constant 0 : i32
    %dma_wait3A_163 = tpu.memref_slice %arg16[%dma_wait3A_161, %dma_wait3A_162] : memref<10112x64xf32, #tpu.memory_space<vmem_shared>> -> memref<10112x64xf32, #tpu.memory_space<vmem_shared>>
    tpu.wait_indirect_dma semaphore(%arg24 : memref<!tpu.dma_semaphore, #tpu.memory_space<semaphore_mem>>) src(%arg14 : memref<100x64xf32, #tpu.memory_space<vmem>>) dst(%dma_wait3A_163 : memref<10112x64xf32, #tpu.memory_space<vmem_shared>>)
    %barrier3A_164 = arith.constant 0 : index
    tpu.barrier barrier_id(%barrier3A_164)
    %mul3A_165 = arith.constant 632 : i32
    %mul3A_166 = arith.muli %arg1, %mul3A_165 : i32
    %mul3A_167 = arith.constant 632 : i32
    %mul3A_168 = arith.muli %arg1, %mul3A_167 : i32
    "tpu.region"() ({
      %run_scoped3A = tpu.sem_alloc : memref<!tpu.dma_semaphore, #tpu.memory_space<semaphore_mem>>
      %dma_start3A_342 = arith.constant 0 : i32
      %dma_start3A_343 = tpu.memref_slice %arg7[%arg0, %mul3A_168, %dma_start3A_342] : memref<2x10112x64xf32, #tpu.memory_space<hbm>> -> memref<1x632x64xf32, #tpu.memory_space<hbm>>
      %dma_start3A_344 = tpu.memref_squeeze %dma_start3A_343 : memref<1x632x64xf32, #tpu.memory_space<hbm>> -> memref<632x64xf32, #tpu.memory_space<hbm>>
      %dma_start3A_345 = arith.constant 0 : i32
      %dma_start3A_346 = tpu.memref_slice %arg16[%mul3A_166, %dma_start3A_345] : memref<10112x64xf32, #tpu.memory_space<vmem_shared>> -> memref<632x64xf32, #tpu.memory_space<vmem_shared>>
      tpu.enqueue_dma source(%dma_start3A_346 : memref<632x64xf32, #tpu.memory_space<vmem_shared>>) target(%dma_start3A_344 : memref<632x64xf32, #tpu.memory_space<hbm>>) target_semaphore(%run_scoped3A : memref<!tpu.dma_semaphore, #tpu.memory_space<semaphore_mem>>)
      %dma_wait3A_347 = arith.constant 0 : i32
      %dma_wait3A_348 = tpu.memref_slice %arg7[%arg0, %mul3A_168, %dma_wait3A_347] : memref<2x10112x64xf32, #tpu.memory_space<hbm>> -> memref<1x632x64xf32, #tpu.memory_space<hbm>>
      %dma_wait3A_349 = tpu.memref_squeeze %dma_wait3A_348 : memref<1x632x64xf32, #tpu.memory_space<hbm>> -> memref<632x64xf32, #tpu.memory_space<hbm>>
      %dma_wait3A_350 = arith.constant 0 : i32
      %dma_wait3A_351 = tpu.memref_slice %arg16[%mul3A_166, %dma_wait3A_350] : memref<10112x64xf32, #tpu.memory_space<vmem_shared>> -> memref<632x64xf32, #tpu.memory_space<vmem_shared>>
      tpu.wait_dma2 semaphore(%run_scoped3A : memref<!tpu.dma_semaphore, #tpu.memory_space<semaphore_mem>>) src(%dma_wait3A_351 : memref<632x64xf32, #tpu.memory_space<vmem_shared>>) dst(%dma_wait3A_349 : memref<632x64xf32, #tpu.memory_space<hbm>>)
      tpu.yield
    }) : () -> ()
    %barrier3A_169 = arith.constant 0 : index
    tpu.barrier barrier_id(%barrier3A_169)
    %mul3A_170 = arith.constant 632 : i32
    %mul3A_171 = arith.muli %arg1, %mul3A_170 : i32
    "tpu.region"() ({
      %run_scoped3A = tpu.sem_alloc : memref<!tpu.dma_semaphore, #tpu.memory_space<semaphore_mem>>
      %dma_start3A_342 = arith.constant 0 : i32
      %dma_start3A_343 = tpu.memref_slice %arg16[%mul3A_171, %dma_start3A_342] : memref<10112x64xf32, #tpu.memory_space<vmem_shared>> -> memref<632x64xf32, #tpu.memory_space<vmem_shared>>
      tpu.enqueue_dma source(%arg6 : memref<632x64xf32, #tpu.memory_space<hbm>>) target(%dma_start3A_343 : memref<632x64xf32, #tpu.memory_space<vmem_shared>>) target_semaphore(%run_scoped3A : memref<!tpu.dma_semaphore, #tpu.memory_space<semaphore_mem>>)
      %dma_wait3A_344 = arith.constant 0 : i32
      %dma_wait3A_345 = tpu.memref_slice %arg16[%mul3A_171, %dma_wait3A_344] : memref<10112x64xf32, #tpu.memory_space<vmem_shared>> -> memref<632x64xf32, #tpu.memory_space<vmem_shared>>
      tpu.wait_dma2 semaphore(%run_scoped3A : memref<!tpu.dma_semaphore, #tpu.memory_space<semaphore_mem>>) src(%arg6 : memref<632x64xf32, #tpu.memory_space<hbm>>) dst(%dma_wait3A_345 : memref<632x64xf32, #tpu.memory_space<vmem_shared>>)
      tpu.yield
    }) : () -> ()
    %mul3A_172 = arith.constant 625 : i32
    %mul3A_173 = arith.muli %arg1, %mul3A_172 : i32
    %mul3A_174 = arith.constant 625 : i32
    %mul3A_175 = arith.muli %arg1, %mul3A_174 : i32
    "tpu.region"() ({
      %run_scoped3A = tpu.sem_alloc : memref<!tpu.dma_semaphore, #tpu.memory_space<semaphore_mem>>
      %dma_start3A_342 = arith.constant 0 : i32
      %dma_start3A_343 = tpu.memref_slice %arg15[%mul3A_175, %dma_start3A_342] : memref<10112x64xf32, #tpu.memory_space<vmem_shared>> -> memref<625x64xf32, #tpu.memory_space<vmem_shared>>
      %dma_start3A_344 = arith.constant 0 : i32
      %dma_start3A_345 = tpu.memref_slice %arg5[%mul3A_173, %dma_start3A_344] : memref<10000x64xf32, #tpu.memory_space<hbm>> -> memref<625x64xf32, #tpu.memory_space<hbm>>
      tpu.enqueue_dma source(%dma_start3A_345 : memref<625x64xf32, #tpu.memory_space<hbm>>) target(%dma_start3A_343 : memref<625x64xf32, #tpu.memory_space<vmem_shared>>) target_semaphore(%run_scoped3A : memref<!tpu.dma_semaphore, #tpu.memory_space<semaphore_mem>>)
      %dma_wait3A_346 = arith.constant 0 : i32
      %dma_wait3A_347 = tpu.memref_slice %arg15[%mul3A_175, %dma_wait3A_346] : memref<10112x64xf32, #tpu.memory_space<vmem_shared>> -> memref<625x64xf32, #tpu.memory_space<vmem_shared>>
      %dma_wait3A_348 = arith.constant 0 : i32
      %dma_wait3A_349 = tpu.memref_slice %arg5[%mul3A_173, %dma_wait3A_348] : memref<10000x64xf32, #tpu.memory_space<hbm>> -> memref<625x64xf32, #tpu.memory_space<hbm>>
      tpu.wait_dma2 semaphore(%run_scoped3A : memref<!tpu.dma_semaphore, #tpu.memory_space<semaphore_mem>>) src(%dma_wait3A_349 : memref<625x64xf32, #tpu.memory_space<hbm>>) dst(%dma_wait3A_347 : memref<625x64xf32, #tpu.memory_space<vmem_shared>>)
      tpu.yield
    }) : () -> ()
    %barrier3A_176 = arith.constant 0 : index
    tpu.barrier barrier_id(%barrier3A_176)
    %dma_start3A_177 = arith.constant 0 : i32
    %dma_start3A_178 = arith.constant 0 : i32
    %dma_start3A_179 = tpu.memref_slice %arg9[%dma_start3A_177, %dma_start3A_178] : memref<100x100xi32, #tpu.memory_space<vmem>> -> memref<1x100xi32, #tpu.memory_space<vmem>>
    %dma_start3A_180 = tpu.memref_squeeze %dma_start3A_179 : memref<1x100xi32, #tpu.memory_space<vmem>> -> memref<100xi32, #tpu.memory_space<vmem>>
    %dma_start3A_181 = arith.constant 0 : i32
    %dma_start3A_182 = arith.constant 0 : i32
    %dma_start3A_183 = tpu.memref_slice %arg15[%dma_start3A_181, %dma_start3A_182] : memref<10112x64xf32, #tpu.memory_space<vmem_shared>> -> memref<10112x64xf32, #tpu.memory_space<vmem_shared>>
    tpu.enqueue_indirect_dma source(%dma_start3A_183 : memref<10112x64xf32, #tpu.memory_space<vmem_shared>>) target(%arg11 : memref<100x64xf32, #tpu.memory_space<vmem>>) offsets(%dma_start3A_180 : memref<100xi32, #tpu.memory_space<vmem>>) semaphore(%arg17 : memref<!tpu.dma_semaphore, #tpu.memory_space<semaphore_mem>>)
    %dma_start3A_184 = arith.constant 1 : i32
    %dma_start3A_185 = arith.constant 0 : i32
    %dma_start3A_186 = tpu.memref_slice %arg9[%dma_start3A_184, %dma_start3A_185] : memref<100x100xi32, #tpu.memory_space<vmem>> -> memref<1x100xi32, #tpu.memory_space<vmem>>
    %dma_start3A_187 = tpu.memref_squeeze %dma_start3A_186 : memref<1x100xi32, #tpu.memory_space<vmem>> -> memref<100xi32, #tpu.memory_space<vmem>>
    %dma_start3A_188 = arith.constant 0 : i32
    %dma_start3A_189 = arith.constant 0 : i32
    %dma_start3A_190 = tpu.memref_slice %arg15[%dma_start3A_188, %dma_start3A_189] : memref<10112x64xf32, #tpu.memory_space<vmem_shared>> -> memref<10112x64xf32, #tpu.memory_space<vmem_shared>>
    tpu.enqueue_indirect_dma source(%dma_start3A_190 : memref<10112x64xf32, #tpu.memory_space<vmem_shared>>) target(%arg12 : memref<100x64xf32, #tpu.memory_space<vmem>>) offsets(%dma_start3A_187 : memref<100xi32, #tpu.memory_space<vmem>>) semaphore(%arg18 : memref<!tpu.dma_semaphore, #tpu.memory_space<semaphore_mem>>)
    %dma_start3A_191 = arith.constant 2 : i32
    %dma_start3A_192 = arith.constant 0 : i32
    %dma_start3A_193 = tpu.memref_slice %arg9[%dma_start3A_191, %dma_start3A_192] : memref<100x100xi32, #tpu.memory_space<vmem>> -> memref<1x100xi32, #tpu.memory_space<vmem>>
    %dma_start3A_194 = tpu.memref_squeeze %dma_start3A_193 : memref<1x100xi32, #tpu.memory_space<vmem>> -> memref<100xi32, #tpu.memory_space<vmem>>
    %dma_start3A_195 = arith.constant 0 : i32
    %dma_start3A_196 = arith.constant 0 : i32
    %dma_start3A_197 = tpu.memref_slice %arg15[%dma_start3A_195, %dma_start3A_196] : memref<10112x64xf32, #tpu.memory_space<vmem_shared>> -> memref<10112x64xf32, #tpu.memory_space<vmem_shared>>
    tpu.enqueue_indirect_dma source(%dma_start3A_197 : memref<10112x64xf32, #tpu.memory_space<vmem_shared>>) target(%arg13 : memref<100x64xf32, #tpu.memory_space<vmem>>) offsets(%dma_start3A_194 : memref<100xi32, #tpu.memory_space<vmem>>) semaphore(%arg19 : memref<!tpu.dma_semaphore, #tpu.memory_space<semaphore_mem>>)
    %dma_wait3A_198 = arith.constant 0 : i32
    %dma_wait3A_199 = arith.constant 0 : i32
    %dma_wait3A_200 = tpu.memref_slice %arg9[%dma_wait3A_198, %dma_wait3A_199] : memref<100x100xi32, #tpu.memory_space<vmem>> -> memref<1x100xi32, #tpu.memory_space<vmem>>
    %dma_wait3A_201 = tpu.memref_squeeze %dma_wait3A_200 : memref<1x100xi32, #tpu.memory_space<vmem>> -> memref<100xi32, #tpu.memory_space<vmem>>
    %dma_wait3A_202 = arith.constant 0 : i32
    %dma_wait3A_203 = arith.constant 0 : i32
    %dma_wait3A_204 = tpu.memref_slice %arg15[%dma_wait3A_202, %dma_wait3A_203] : memref<10112x64xf32, #tpu.memory_space<vmem_shared>> -> memref<10112x64xf32, #tpu.memory_space<vmem_shared>>
    tpu.wait_indirect_dma semaphore(%arg17 : memref<!tpu.dma_semaphore, #tpu.memory_space<semaphore_mem>>) src(%dma_wait3A_204 : memref<10112x64xf32, #tpu.memory_space<vmem_shared>>) dst(%arg11 : memref<100x64xf32, #tpu.memory_space<vmem>>)
    %dma_start3A_205 = arith.constant 0 : i32
    %dma_start3A_206 = arith.constant 0 : i32
    %dma_start3A_207 = tpu.memref_slice %arg10[%dma_start3A_205, %dma_start3A_206] : memref<100x100xi32, #tpu.memory_space<vmem>> -> memref<1x100xi32, #tpu.memory_space<vmem>>
    %dma_start3A_208 = tpu.memref_squeeze %dma_start3A_207 : memref<1x100xi32, #tpu.memory_space<vmem>> -> memref<100xi32, #tpu.memory_space<vmem>>
    %dma_start3A_209 = arith.constant 0 : i32
    %dma_start3A_210 = arith.constant 0 : i32
    %dma_start3A_211 = tpu.memref_slice %arg16[%dma_start3A_209, %dma_start3A_210] : memref<10112x64xf32, #tpu.memory_space<vmem_shared>> -> memref<10112x64xf32, #tpu.memory_space<vmem_shared>>
    tpu.enqueue_indirect_dma source(%arg11 : memref<100x64xf32, #tpu.memory_space<vmem>>) target(%dma_start3A_211 : memref<10112x64xf32, #tpu.memory_space<vmem_shared>>) offsets(%dma_start3A_208 : memref<100xi32, #tpu.memory_space<vmem>>) semaphore(%arg21 : memref<!tpu.dma_semaphore, #tpu.memory_space<semaphore_mem>>) {add = true}
    %dma_start3A_212 = arith.constant 3 : i32
    %dma_start3A_213 = arith.constant 0 : i32
    %dma_start3A_214 = tpu.memref_slice %arg9[%dma_start3A_212, %dma_start3A_213] : memref<100x100xi32, #tpu.memory_space<vmem>> -> memref<1x100xi32, #tpu.memory_space<vmem>>
    %dma_start3A_215 = tpu.memref_squeeze %dma_start3A_214 : memref<1x100xi32, #tpu.memory_space<vmem>> -> memref<100xi32, #tpu.memory_space<vmem>>
    %dma_start3A_216 = arith.constant 0 : i32
    %dma_start3A_217 = arith.constant 0 : i32
    %dma_start3A_218 = tpu.memref_slice %arg15[%dma_start3A_216, %dma_start3A_217] : memref<10112x64xf32, #tpu.memory_space<vmem_shared>> -> memref<10112x64xf32, #tpu.memory_space<vmem_shared>>
    tpu.enqueue_indirect_dma source(%dma_start3A_218 : memref<10112x64xf32, #tpu.memory_space<vmem_shared>>) target(%arg14 : memref<100x64xf32, #tpu.memory_space<vmem>>) offsets(%dma_start3A_215 : memref<100xi32, #tpu.memory_space<vmem>>) semaphore(%arg20 : memref<!tpu.dma_semaphore, #tpu.memory_space<semaphore_mem>>)
    %dma_wait3A_219 = arith.constant 1 : i32
    %dma_wait3A_220 = arith.constant 0 : i32
    %dma_wait3A_221 = tpu.memref_slice %arg9[%dma_wait3A_219, %dma_wait3A_220] : memref<100x100xi32, #tpu.memory_space<vmem>> -> memref<1x100xi32, #tpu.memory_space<vmem>>
    %dma_wait3A_222 = tpu.memref_squeeze %dma_wait3A_221 : memref<1x100xi32, #tpu.memory_space<vmem>> -> memref<100xi32, #tpu.memory_space<vmem>>
    %dma_wait3A_223 = arith.constant 0 : i32
    %dma_wait3A_224 = arith.constant 0 : i32
    %dma_wait3A_225 = tpu.memref_slice %arg15[%dma_wait3A_223, %dma_wait3A_224] : memref<10112x64xf32, #tpu.memory_space<vmem_shared>> -> memref<10112x64xf32, #tpu.memory_space<vmem_shared>>
    tpu.wait_indirect_dma semaphore(%arg18 : memref<!tpu.dma_semaphore, #tpu.memory_space<semaphore_mem>>) src(%dma_wait3A_225 : memref<10112x64xf32, #tpu.memory_space<vmem_shared>>) dst(%arg12 : memref<100x64xf32, #tpu.memory_space<vmem>>)
    %dma_start3A_226 = arith.constant 1 : i32
    %dma_start3A_227 = arith.constant 0 : i32
    %dma_start3A_228 = tpu.memref_slice %arg10[%dma_start3A_226, %dma_start3A_227] : memref<100x100xi32, #tpu.memory_space<vmem>> -> memref<1x100xi32, #tpu.memory_space<vmem>>
    %dma_start3A_229 = tpu.memref_squeeze %dma_start3A_228 : memref<1x100xi32, #tpu.memory_space<vmem>> -> memref<100xi32, #tpu.memory_space<vmem>>
    %dma_start3A_230 = arith.constant 0 : i32
    %dma_start3A_231 = arith.constant 0 : i32
    %dma_start3A_232 = tpu.memref_slice %arg16[%dma_start3A_230, %dma_start3A_231] : memref<10112x64xf32, #tpu.memory_space<vmem_shared>> -> memref<10112x64xf32, #tpu.memory_space<vmem_shared>>
    tpu.enqueue_indirect_dma source(%arg12 : memref<100x64xf32, #tpu.memory_space<vmem>>) target(%dma_start3A_232 : memref<10112x64xf32, #tpu.memory_space<vmem_shared>>) offsets(%dma_start3A_229 : memref<100xi32, #tpu.memory_space<vmem>>) semaphore(%arg22 : memref<!tpu.dma_semaphore, #tpu.memory_space<semaphore_mem>>) {add = true}
    %dma_wait3A_233 = arith.constant 0 : i32
    %dma_wait3A_234 = arith.constant 0 : i32
    %dma_wait3A_235 = tpu.memref_slice %arg10[%dma_wait3A_233, %dma_wait3A_234] : memref<100x100xi32, #tpu.memory_space<vmem>> -> memref<1x100xi32, #tpu.memory_space<vmem>>
    %dma_wait3A_236 = tpu.memref_squeeze %dma_wait3A_235 : memref<1x100xi32, #tpu.memory_space<vmem>> -> memref<100xi32, #tpu.memory_space<vmem>>
    %dma_wait3A_237 = arith.constant 0 : i32
    %dma_wait3A_238 = arith.constant 0 : i32
    %dma_wait3A_239 = tpu.memref_slice %arg16[%dma_wait3A_237, %dma_wait3A_238] : memref<10112x64xf32, #tpu.memory_space<vmem_shared>> -> memref<10112x64xf32, #tpu.memory_space<vmem_shared>>
    tpu.wait_indirect_dma semaphore(%arg21 : memref<!tpu.dma_semaphore, #tpu.memory_space<semaphore_mem>>) src(%arg11 : memref<100x64xf32, #tpu.memory_space<vmem>>) dst(%dma_wait3A_239 : memref<10112x64xf32, #tpu.memory_space<vmem_shared>>)
    %dma_start3A_240 = arith.constant 4 : i32
    %dma_start3A_241 = arith.constant 0 : i32
    %dma_start3A_242 = tpu.memref_slice %arg9[%dma_start3A_240, %dma_start3A_241] : memref<100x100xi32, #tpu.memory_space<vmem>> -> memref<1x100xi32, #tpu.memory_space<vmem>>
    %dma_start3A_243 = tpu.memref_squeeze %dma_start3A_242 : memref<1x100xi32, #tpu.memory_space<vmem>> -> memref<100xi32, #tpu.memory_space<vmem>>
    %dma_start3A_244 = arith.constant 0 : i32
    %dma_start3A_245 = arith.constant 0 : i32
    %dma_start3A_246 = tpu.memref_slice %arg15[%dma_start3A_244, %dma_start3A_245] : memref<10112x64xf32, #tpu.memory_space<vmem_shared>> -> memref<10112x64xf32, #tpu.memory_space<vmem_shared>>
    tpu.enqueue_indirect_dma source(%dma_start3A_246 : memref<10112x64xf32, #tpu.memory_space<vmem_shared>>) target(%arg11 : memref<100x64xf32, #tpu.memory_space<vmem>>) offsets(%dma_start3A_243 : memref<100xi32, #tpu.memory_space<vmem>>) semaphore(%arg17 : memref<!tpu.dma_semaphore, #tpu.memory_space<semaphore_mem>>)
    %dma_wait3A_247 = arith.constant 2 : i32
    %dma_wait3A_248 = arith.constant 0 : i32
    %dma_wait3A_249 = tpu.memref_slice %arg9[%dma_wait3A_247, %dma_wait3A_248] : memref<100x100xi32, #tpu.memory_space<vmem>> -> memref<1x100xi32, #tpu.memory_space<vmem>>
    %dma_wait3A_250 = tpu.memref_squeeze %dma_wait3A_249 : memref<1x100xi32, #tpu.memory_space<vmem>> -> memref<100xi32, #tpu.memory_space<vmem>>
    %dma_wait3A_251 = arith.constant 0 : i32
    %dma_wait3A_252 = arith.constant 0 : i32
    %dma_wait3A_253 = tpu.memref_slice %arg15[%dma_wait3A_251, %dma_wait3A_252] : memref<10112x64xf32, #tpu.memory_space<vmem_shared>> -> memref<10112x64xf32, #tpu.memory_space<vmem_shared>>
    tpu.wait_indirect_dma semaphore(%arg19 : memref<!tpu.dma_semaphore, #tpu.memory_space<semaphore_mem>>) src(%dma_wait3A_253 : memref<10112x64xf32, #tpu.memory_space<vmem_shared>>) dst(%arg13 : memref<100x64xf32, #tpu.memory_space<vmem>>)
    %dma_start3A_254 = arith.constant 2 : i32
    %dma_start3A_255 = arith.constant 0 : i32
    %dma_start3A_256 = tpu.memref_slice %arg10[%dma_start3A_254, %dma_start3A_255] : memref<100x100xi32, #tpu.memory_space<vmem>> -> memref<1x100xi32, #tpu.memory_space<vmem>>
    %dma_start3A_257 = tpu.memref_squeeze %dma_start3A_256 : memref<1x100xi32, #tpu.memory_space<vmem>> -> memref<100xi32, #tpu.memory_space<vmem>>
    %dma_start3A_258 = arith.constant 0 : i32
    %dma_start3A_259 = arith.constant 0 : i32
    %dma_start3A_260 = tpu.memref_slice %arg16[%dma_start3A_258, %dma_start3A_259] : memref<10112x64xf32, #tpu.memory_space<vmem_shared>> -> memref<10112x64xf32, #tpu.memory_space<vmem_shared>>
    tpu.enqueue_indirect_dma source(%arg13 : memref<100x64xf32, #tpu.memory_space<vmem>>) target(%dma_start3A_260 : memref<10112x64xf32, #tpu.memory_space<vmem_shared>>) offsets(%dma_start3A_257 : memref<100xi32, #tpu.memory_space<vmem>>) semaphore(%arg23 : memref<!tpu.dma_semaphore, #tpu.memory_space<semaphore_mem>>) {add = true}
    %dma_wait3A_261 = arith.constant 1 : i32
    %dma_wait3A_262 = arith.constant 0 : i32
    %dma_wait3A_263 = tpu.memref_slice %arg10[%dma_wait3A_261, %dma_wait3A_262] : memref<100x100xi32, #tpu.memory_space<vmem>> -> memref<1x100xi32, #tpu.memory_space<vmem>>
    %dma_wait3A_264 = tpu.memref_squeeze %dma_wait3A_263 : memref<1x100xi32, #tpu.memory_space<vmem>> -> memref<100xi32, #tpu.memory_space<vmem>>
    %dma_wait3A_265 = arith.constant 0 : i32
    %dma_wait3A_266 = arith.constant 0 : i32
    %dma_wait3A_267 = tpu.memref_slice %arg16[%dma_wait3A_265, %dma_wait3A_266] : memref<10112x64xf32, #tpu.memory_space<vmem_shared>> -> memref<10112x64xf32, #tpu.memory_space<vmem_shared>>
    tpu.wait_indirect_dma semaphore(%arg22 : memref<!tpu.dma_semaphore, #tpu.memory_space<semaphore_mem>>) src(%arg12 : memref<100x64xf32, #tpu.memory_space<vmem>>) dst(%dma_wait3A_267 : memref<10112x64xf32, #tpu.memory_space<vmem_shared>>)
    %dma_start3A_268 = arith.constant 5 : i32
    %dma_start3A_269 = arith.constant 0 : i32
    %dma_start3A_270 = tpu.memref_slice %arg9[%dma_start3A_268, %dma_start3A_269] : memref<100x100xi32, #tpu.memory_space<vmem>> -> memref<1x100xi32, #tpu.memory_space<vmem>>
    %dma_start3A_271 = tpu.memref_squeeze %dma_start3A_270 : memref<1x100xi32, #tpu.memory_space<vmem>> -> memref<100xi32, #tpu.memory_space<vmem>>
    %dma_start3A_272 = arith.constant 0 : i32
    %dma_start3A_273 = arith.constant 0 : i32
    %dma_start3A_274 = tpu.memref_slice %arg15[%dma_start3A_272, %dma_start3A_273] : memref<10112x64xf32, #tpu.memory_space<vmem_shared>> -> memref<10112x64xf32, #tpu.memory_space<vmem_shared>>
    tpu.enqueue_indirect_dma source(%dma_start3A_274 : memref<10112x64xf32, #tpu.memory_space<vmem_shared>>) target(%arg12 : memref<100x64xf32, #tpu.memory_space<vmem>>) offsets(%dma_start3A_271 : memref<100xi32, #tpu.memory_space<vmem>>) semaphore(%arg18 : memref<!tpu.dma_semaphore, #tpu.memory_space<semaphore_mem>>)
    %dma_wait3A_275 = arith.constant 3 : i32
    %dma_wait3A_276 = arith.constant 0 : i32
    %dma_wait3A_277 = tpu.memref_slice %arg9[%dma_wait3A_275, %dma_wait3A_276] : memref<100x100xi32, #tpu.memory_space<vmem>> -> memref<1x100xi32, #tpu.memory_space<vmem>>
    %dma_wait3A_278 = tpu.memref_squeeze %dma_wait3A_277 : memref<1x100xi32, #tpu.memory_space<vmem>> -> memref<100xi32, #tpu.memory_space<vmem>>
    %dma_wait3A_279 = arith.constant 0 : i32
    %dma_wait3A_280 = arith.constant 0 : i32
    %dma_wait3A_281 = tpu.memref_slice %arg15[%dma_wait3A_279, %dma_wait3A_280] : memref<10112x64xf32, #tpu.memory_space<vmem_shared>> -> memref<10112x64xf32, #tpu.memory_space<vmem_shared>>
    tpu.wait_indirect_dma semaphore(%arg20 : memref<!tpu.dma_semaphore, #tpu.memory_space<semaphore_mem>>) src(%dma_wait3A_281 : memref<10112x64xf32, #tpu.memory_space<vmem_shared>>) dst(%arg14 : memref<100x64xf32, #tpu.memory_space<vmem>>)
    %dma_start3A_282 = arith.constant 3 : i32
    %dma_start3A_283 = arith.constant 0 : i32
    %dma_start3A_284 = tpu.memref_slice %arg10[%dma_start3A_282, %dma_start3A_283] : memref<100x100xi32, #tpu.memory_space<vmem>> -> memref<1x100xi32, #tpu.memory_space<vmem>>
    %dma_start3A_285 = tpu.memref_squeeze %dma_start3A_284 : memref<1x100xi32, #tpu.memory_space<vmem>> -> memref<100xi32, #tpu.memory_space<vmem>>
    %dma_start3A_286 = arith.constant 0 : i32
    %dma_start3A_287 = arith.constant 0 : i32
    %dma_start3A_288 = tpu.memref_slice %arg16[%dma_start3A_286, %dma_start3A_287] : memref<10112x64xf32, #tpu.memory_space<vmem_shared>> -> memref<10112x64xf32, #tpu.memory_space<vmem_shared>>
    tpu.enqueue_indirect_dma source(%arg14 : memref<100x64xf32, #tpu.memory_space<vmem>>) target(%dma_start3A_288 : memref<10112x64xf32, #tpu.memory_space<vmem_shared>>) offsets(%dma_start3A_285 : memref<100xi32, #tpu.memory_space<vmem>>) semaphore(%arg24 : memref<!tpu.dma_semaphore, #tpu.memory_space<semaphore_mem>>) {add = true}
    %dma_wait3A_289 = arith.constant 2 : i32
    %dma_wait3A_290 = arith.constant 0 : i32
    %dma_wait3A_291 = tpu.memref_slice %arg10[%dma_wait3A_289, %dma_wait3A_290] : memref<100x100xi32, #tpu.memory_space<vmem>> -> memref<1x100xi32, #tpu.memory_space<vmem>>
    %dma_wait3A_292 = tpu.memref_squeeze %dma_wait3A_291 : memref<1x100xi32, #tpu.memory_space<vmem>> -> memref<100xi32, #tpu.memory_space<vmem>>
    %dma_wait3A_293 = arith.constant 0 : i32
    %dma_wait3A_294 = arith.constant 0 : i32
    %dma_wait3A_295 = tpu.memref_slice %arg16[%dma_wait3A_293, %dma_wait3A_294] : memref<10112x64xf32, #tpu.memory_space<vmem_shared>> -> memref<10112x64xf32, #tpu.memory_space<vmem_shared>>
    tpu.wait_indirect_dma semaphore(%arg23 : memref<!tpu.dma_semaphore, #tpu.memory_space<semaphore_mem>>) src(%arg13 : memref<100x64xf32, #tpu.memory_space<vmem>>) dst(%dma_wait3A_295 : memref<10112x64xf32, #tpu.memory_space<vmem_shared>>)
    %dma_start3A_296 = arith.constant 6 : i32
    %dma_start3A_297 = arith.constant 0 : i32
    %dma_start3A_298 = tpu.memref_slice %arg9[%dma_start3A_296, %dma_start3A_297] : memref<100x100xi32, #tpu.memory_space<vmem>> -> memref<1x100xi32, #tpu.memory_space<vmem>>
    %dma_start3A_299 = tpu.memref_squeeze %dma_start3A_298 : memref<1x100xi32, #tpu.memory_space<vmem>> -> memref<100xi32, #tpu.memory_space<vmem>>
    %dma_start3A_300 = arith.constant 0 : i32
    %dma_start3A_301 = arith.constant 0 : i32
    %dma_start3A_302 = tpu.memref_slice %arg15[%dma_start3A_300, %dma_start3A_301] : memref<10112x64xf32, #tpu.memory_space<vmem_shared>> -> memref<10112x64xf32, #tpu.memory_space<vmem_shared>>
    tpu.enqueue_indirect_dma source(%dma_start3A_302 : memref<10112x64xf32, #tpu.memory_space<vmem_shared>>) target(%arg13 : memref<100x64xf32, #tpu.memory_space<vmem>>) offsets(%dma_start3A_299 : memref<100xi32, #tpu.memory_space<vmem>>) semaphore(%arg19 : memref<!tpu.dma_semaphore, #tpu.memory_space<semaphore_mem>>)
    %scan3A_303 = arith.constant 0 : i32
    %scan3A_304 = arith.constant 1 : i32
    %scan3A_305 = arith.constant 24 : i32
    %scan3A_306 = arith.addi %scan3A_304, %scan3A_305 : i32
    %scan3A_307 = arith.constant 1 : i32
    scf.for %scan3A_342 = %scan3A_304 to %scan3A_306 step %scan3A_307  : i32 {
      %mul3A_343 = arith.constant 4 : i32
      %mul3A_344 = arith.muli %mul3A_343, %scan3A_342 : i32
      %add3A_345 = arith.constant 0 : i32
      %add3A_346 = arith.addi %mul3A_344, %add3A_345 : i32
      %dma_wait3A_347 = arith.constant 0 : i32
      %dma_wait3A_348 = tpu.memref_slice %arg9[%add3A_346, %dma_wait3A_347] : memref<100x100xi32, #tpu.memory_space<vmem>> -> memref<1x100xi32, #tpu.memory_space<vmem>>
      %dma_wait3A_349 = tpu.memref_squeeze %dma_wait3A_348 : memref<1x100xi32, #tpu.memory_space<vmem>> -> memref<100xi32, #tpu.memory_space<vmem>>
      %dma_wait3A_350 = arith.constant 0 : i32
      %dma_wait3A_351 = arith.constant 0 : i32
      %dma_wait3A_352 = tpu.memref_slice %arg15[%dma_wait3A_350, %dma_wait3A_351] : memref<10112x64xf32, #tpu.memory_space<vmem_shared>> -> memref<10112x64xf32, #tpu.memory_space<vmem_shared>>
      tpu.wait_indirect_dma semaphore(%arg17 : memref<!tpu.dma_semaphore, #tpu.memory_space<semaphore_mem>>) src(%dma_wait3A_352 : memref<10112x64xf32, #tpu.memory_space<vmem_shared>>) dst(%arg11 : memref<100x64xf32, #tpu.memory_space<vmem>>)
      %dma_start3A_353 = arith.constant 0 : i32
      %dma_start3A_354 = tpu.memref_slice %arg10[%add3A_346, %dma_start3A_353] : memref<100x100xi32, #tpu.memory_space<vmem>> -> memref<1x100xi32, #tpu.memory_space<vmem>>
      %dma_start3A_355 = tpu.memref_squeeze %dma_start3A_354 : memref<1x100xi32, #tpu.memory_space<vmem>> -> memref<100xi32, #tpu.memory_space<vmem>>
      %dma_start3A_356 = arith.constant 0 : i32
      %dma_start3A_357 = arith.constant 0 : i32
      %dma_start3A_358 = tpu.memref_slice %arg16[%dma_start3A_356, %dma_start3A_357] : memref<10112x64xf32, #tpu.memory_space<vmem_shared>> -> memref<10112x64xf32, #tpu.memory_space<vmem_shared>>
      tpu.enqueue_indirect_dma source(%arg11 : memref<100x64xf32, #tpu.memory_space<vmem>>) target(%dma_start3A_358 : memref<10112x64xf32, #tpu.memory_space<vmem_shared>>) offsets(%dma_start3A_355 : memref<100xi32, #tpu.memory_space<vmem>>) semaphore(%arg21 : memref<!tpu.dma_semaphore, #tpu.memory_space<semaphore_mem>>) {add = true}
      %add3A_359 = arith.constant 3 : i32
      %add3A_360 = arith.addi %add3A_346, %add3A_359 : i32
      %lt3A = arith.constant 100 : i32
      %lt3A_361 = arith.cmpi slt, %add3A_360, %lt3A : i32
      %convert_element_type3A = arith.extui %lt3A_361 : i1 to i32
      %cond3A = arith.constant 0 : i32
      %cond3A_362 = arith.cmpi ne, %convert_element_type3A, %cond3A : i32
      scf.if %cond3A_362 {
        %sub3A = arith.constant 1 : i32
        %sub3A_432 = arith.subi %add3A_346, %sub3A : i32
        %dma_wait3A_433 = arith.constant 0 : i32
        %dma_wait3A_434 = tpu.memref_slice %arg10[%sub3A_432, %dma_wait3A_433] : memref<100x100xi32, #tpu.memory_space<vmem>> -> memref<1x100xi32, #tpu.memory_space<vmem>>
        %dma_wait3A_435 = tpu.memref_squeeze %dma_wait3A_434 : memref<1x100xi32, #tpu.memory_space<vmem>> -> memref<100xi32, #tpu.memory_space<vmem>>
        %dma_wait3A_436 = arith.constant 0 : i32
        %dma_wait3A_437 = arith.constant 0 : i32
        %dma_wait3A_438 = tpu.memref_slice %arg16[%dma_wait3A_436, %dma_wait3A_437] : memref<10112x64xf32, #tpu.memory_space<vmem_shared>> -> memref<10112x64xf32, #tpu.memory_space<vmem_shared>>
        tpu.wait_indirect_dma semaphore(%arg24 : memref<!tpu.dma_semaphore, #tpu.memory_space<semaphore_mem>>) src(%arg14 : memref<100x64xf32, #tpu.memory_space<vmem>>) dst(%dma_wait3A_438 : memref<10112x64xf32, #tpu.memory_space<vmem_shared>>)
        %add3A_439 = arith.constant 3 : i32
        %add3A_440 = arith.addi %add3A_346, %add3A_439 : i32
        %dma_start3A_441 = arith.constant 0 : i32
        %dma_start3A_442 = tpu.memref_slice %arg9[%add3A_440, %dma_start3A_441] : memref<100x100xi32, #tpu.memory_space<vmem>> -> memref<1x100xi32, #tpu.memory_space<vmem>>
        %dma_start3A_443 = tpu.memref_squeeze %dma_start3A_442 : memref<1x100xi32, #tpu.memory_space<vmem>> -> memref<100xi32, #tpu.memory_space<vmem>>
        %dma_start3A_444 = arith.constant 0 : i32
        %dma_start3A_445 = arith.constant 0 : i32
        %dma_start3A_446 = tpu.memref_slice %arg15[%dma_start3A_444, %dma_start3A_445] : memref<10112x64xf32, #tpu.memory_space<vmem_shared>> -> memref<10112x64xf32, #tpu.memory_space<vmem_shared>>
        tpu.enqueue_indirect_dma source(%dma_start3A_446 : memref<10112x64xf32, #tpu.memory_space<vmem_shared>>) target(%arg14 : memref<100x64xf32, #tpu.memory_space<vmem>>) offsets(%dma_start3A_443 : memref<100xi32, #tpu.memory_space<vmem>>) semaphore(%arg20 : memref<!tpu.dma_semaphore, #tpu.memory_space<semaphore_mem>>)
      } else {
      }
      %mul3A_363 = arith.constant 4 : i32
      %mul3A_364 = arith.muli %mul3A_363, %scan3A_342 : i32
      %add3A_365 = arith.constant 1 : i32
      %add3A_366 = arith.addi %mul3A_364, %add3A_365 : i32
      %dma_wait3A_367 = arith.constant 0 : i32
      %dma_wait3A_368 = tpu.memref_slice %arg9[%add3A_366, %dma_wait3A_367] : memref<100x100xi32, #tpu.memory_space<vmem>> -> memref<1x100xi32, #tpu.memory_space<vmem>>
      %dma_wait3A_369 = tpu.memref_squeeze %dma_wait3A_368 : memref<1x100xi32, #tpu.memory_space<vmem>> -> memref<100xi32, #tpu.memory_space<vmem>>
      %dma_wait3A_370 = arith.constant 0 : i32
      %dma_wait3A_371 = arith.constant 0 : i32
      %dma_wait3A_372 = tpu.memref_slice %arg15[%dma_wait3A_370, %dma_wait3A_371] : memref<10112x64xf32, #tpu.memory_space<vmem_shared>> -> memref<10112x64xf32, #tpu.memory_space<vmem_shared>>
      tpu.wait_indirect_dma semaphore(%arg18 : memref<!tpu.dma_semaphore, #tpu.memory_space<semaphore_mem>>) src(%dma_wait3A_372 : memref<10112x64xf32, #tpu.memory_space<vmem_shared>>) dst(%arg12 : memref<100x64xf32, #tpu.memory_space<vmem>>)
      %dma_start3A_373 = arith.constant 0 : i32
      %dma_start3A_374 = tpu.memref_slice %arg10[%add3A_366, %dma_start3A_373] : memref<100x100xi32, #tpu.memory_space<vmem>> -> memref<1x100xi32, #tpu.memory_space<vmem>>
      %dma_start3A_375 = tpu.memref_squeeze %dma_start3A_374 : memref<1x100xi32, #tpu.memory_space<vmem>> -> memref<100xi32, #tpu.memory_space<vmem>>
      %dma_start3A_376 = arith.constant 0 : i32
      %dma_start3A_377 = arith.constant 0 : i32
      %dma_start3A_378 = tpu.memref_slice %arg16[%dma_start3A_376, %dma_start3A_377] : memref<10112x64xf32, #tpu.memory_space<vmem_shared>> -> memref<10112x64xf32, #tpu.memory_space<vmem_shared>>
      tpu.enqueue_indirect_dma source(%arg12 : memref<100x64xf32, #tpu.memory_space<vmem>>) target(%dma_start3A_378 : memref<10112x64xf32, #tpu.memory_space<vmem_shared>>) offsets(%dma_start3A_375 : memref<100xi32, #tpu.memory_space<vmem>>) semaphore(%arg22 : memref<!tpu.dma_semaphore, #tpu.memory_space<semaphore_mem>>) {add = true}
      %add3A_379 = arith.constant 3 : i32
      %add3A_380 = arith.addi %add3A_366, %add3A_379 : i32
      %lt3A_381 = arith.constant 100 : i32
      %lt3A_382 = arith.cmpi slt, %add3A_380, %lt3A_381 : i32
      %convert_element_type3A_383 = arith.extui %lt3A_382 : i1 to i32
      %cond3A_384 = arith.constant 0 : i32
      %cond3A_385 = arith.cmpi ne, %convert_element_type3A_383, %cond3A_384 : i32
      scf.if %cond3A_385 {
        %sub3A = arith.constant 1 : i32
        %sub3A_432 = arith.subi %add3A_366, %sub3A : i32
        %dma_wait3A_433 = arith.constant 0 : i32
        %dma_wait3A_434 = tpu.memref_slice %arg10[%sub3A_432, %dma_wait3A_433] : memref<100x100xi32, #tpu.memory_space<vmem>> -> memref<1x100xi32, #tpu.memory_space<vmem>>
        %dma_wait3A_435 = tpu.memref_squeeze %dma_wait3A_434 : memref<1x100xi32, #tpu.memory_space<vmem>> -> memref<100xi32, #tpu.memory_space<vmem>>
        %dma_wait3A_436 = arith.constant 0 : i32
        %dma_wait3A_437 = arith.constant 0 : i32
        %dma_wait3A_438 = tpu.memref_slice %arg16[%dma_wait3A_436, %dma_wait3A_437] : memref<10112x64xf32, #tpu.memory_space<vmem_shared>> -> memref<10112x64xf32, #tpu.memory_space<vmem_shared>>
        tpu.wait_indirect_dma semaphore(%arg21 : memref<!tpu.dma_semaphore, #tpu.memory_space<semaphore_mem>>) src(%arg11 : memref<100x64xf32, #tpu.memory_space<vmem>>) dst(%dma_wait3A_438 : memref<10112x64xf32, #tpu.memory_space<vmem_shared>>)
        %add3A_439 = arith.constant 3 : i32
        %add3A_440 = arith.addi %add3A_366, %add3A_439 : i32
        %dma_start3A_441 = arith.constant 0 : i32
        %dma_start3A_442 = tpu.memref_slice %arg9[%add3A_440, %dma_start3A_441] : memref<100x100xi32, #tpu.memory_space<vmem>> -> memref<1x100xi32, #tpu.memory_space<vmem>>
        %dma_start3A_443 = tpu.memref_squeeze %dma_start3A_442 : memref<1x100xi32, #tpu.memory_space<vmem>> -> memref<100xi32, #tpu.memory_space<vmem>>
        %dma_start3A_444 = arith.constant 0 : i32
        %dma_start3A_445 = arith.constant 0 : i32
        %dma_start3A_446 = tpu.memref_slice %arg15[%dma_start3A_444, %dma_start3A_445] : memref<10112x64xf32, #tpu.memory_space<vmem_shared>> -> memref<10112x64xf32, #tpu.memory_space<vmem_shared>>
        tpu.enqueue_indirect_dma source(%dma_start3A_446 : memref<10112x64xf32, #tpu.memory_space<vmem_shared>>) target(%arg11 : memref<100x64xf32, #tpu.memory_space<vmem>>) offsets(%dma_start3A_443 : memref<100xi32, #tpu.memory_space<vmem>>) semaphore(%arg17 : memref<!tpu.dma_semaphore, #tpu.memory_space<semaphore_mem>>)
      } else {
      }
      %mul3A_386 = arith.constant 4 : i32
      %mul3A_387 = arith.muli %mul3A_386, %scan3A_342 : i32
      %add3A_388 = arith.constant 2 : i32
      %add3A_389 = arith.addi %mul3A_387, %add3A_388 : i32
      %dma_wait3A_390 = arith.constant 0 : i32
      %dma_wait3A_391 = tpu.memref_slice %arg9[%add3A_389, %dma_wait3A_390] : memref<100x100xi32, #tpu.memory_space<vmem>> -> memref<1x100xi32, #tpu.memory_space<vmem>>
      %dma_wait3A_392 = tpu.memref_squeeze %dma_wait3A_391 : memref<1x100xi32, #tpu.memory_space<vmem>> -> memref<100xi32, #tpu.memory_space<vmem>>
      %dma_wait3A_393 = arith.constant 0 : i32
      %dma_wait3A_394 = arith.constant 0 : i32
      %dma_wait3A_395 = tpu.memref_slice %arg15[%dma_wait3A_393, %dma_wait3A_394] : memref<10112x64xf32, #tpu.memory_space<vmem_shared>> -> memref<10112x64xf32, #tpu.memory_space<vmem_shared>>
      tpu.wait_indirect_dma semaphore(%arg19 : memref<!tpu.dma_semaphore, #tpu.memory_space<semaphore_mem>>) src(%dma_wait3A_395 : memref<10112x64xf32, #tpu.memory_space<vmem_shared>>) dst(%arg13 : memref<100x64xf32, #tpu.memory_space<vmem>>)
      %dma_start3A_396 = arith.constant 0 : i32
      %dma_start3A_397 = tpu.memref_slice %arg10[%add3A_389, %dma_start3A_396] : memref<100x100xi32, #tpu.memory_space<vmem>> -> memref<1x100xi32, #tpu.memory_space<vmem>>
      %dma_start3A_398 = tpu.memref_squeeze %dma_start3A_397 : memref<1x100xi32, #tpu.memory_space<vmem>> -> memref<100xi32, #tpu.memory_space<vmem>>
      %dma_start3A_399 = arith.constant 0 : i32
      %dma_start3A_400 = arith.constant 0 : i32
      %dma_start3A_401 = tpu.memref_slice %arg16[%dma_start3A_399, %dma_start3A_400] : memref<10112x64xf32, #tpu.memory_space<vmem_shared>> -> memref<10112x64xf32, #tpu.memory_space<vmem_shared>>
      tpu.enqueue_indirect_dma source(%arg13 : memref<100x64xf32, #tpu.memory_space<vmem>>) target(%dma_start3A_401 : memref<10112x64xf32, #tpu.memory_space<vmem_shared>>) offsets(%dma_start3A_398 : memref<100xi32, #tpu.memory_space<vmem>>) semaphore(%arg23 : memref<!tpu.dma_semaphore, #tpu.memory_space<semaphore_mem>>) {add = true}
      %add3A_402 = arith.constant 3 : i32
      %add3A_403 = arith.addi %add3A_389, %add3A_402 : i32
      %lt3A_404 = arith.constant 100 : i32
      %lt3A_405 = arith.cmpi slt, %add3A_403, %lt3A_404 : i32
      %convert_element_type3A_406 = arith.extui %lt3A_405 : i1 to i32
      %cond3A_407 = arith.constant 0 : i32
      %cond3A_408 = arith.cmpi ne, %convert_element_type3A_406, %cond3A_407 : i32
      scf.if %cond3A_408 {
        %sub3A = arith.constant 1 : i32
        %sub3A_432 = arith.subi %add3A_389, %sub3A : i32
        %dma_wait3A_433 = arith.constant 0 : i32
        %dma_wait3A_434 = tpu.memref_slice %arg10[%sub3A_432, %dma_wait3A_433] : memref<100x100xi32, #tpu.memory_space<vmem>> -> memref<1x100xi32, #tpu.memory_space<vmem>>
        %dma_wait3A_435 = tpu.memref_squeeze %dma_wait3A_434 : memref<1x100xi32, #tpu.memory_space<vmem>> -> memref<100xi32, #tpu.memory_space<vmem>>
        %dma_wait3A_436 = arith.constant 0 : i32
        %dma_wait3A_437 = arith.constant 0 : i32
        %dma_wait3A_438 = tpu.memref_slice %arg16[%dma_wait3A_436, %dma_wait3A_437] : memref<10112x64xf32, #tpu.memory_space<vmem_shared>> -> memref<10112x64xf32, #tpu.memory_space<vmem_shared>>
        tpu.wait_indirect_dma semaphore(%arg22 : memref<!tpu.dma_semaphore, #tpu.memory_space<semaphore_mem>>) src(%arg12 : memref<100x64xf32, #tpu.memory_space<vmem>>) dst(%dma_wait3A_438 : memref<10112x64xf32, #tpu.memory_space<vmem_shared>>)
        %add3A_439 = arith.constant 3 : i32
        %add3A_440 = arith.addi %add3A_389, %add3A_439 : i32
        %dma_start3A_441 = arith.constant 0 : i32
        %dma_start3A_442 = tpu.memref_slice %arg9[%add3A_440, %dma_start3A_441] : memref<100x100xi32, #tpu.memory_space<vmem>> -> memref<1x100xi32, #tpu.memory_space<vmem>>
        %dma_start3A_443 = tpu.memref_squeeze %dma_start3A_442 : memref<1x100xi32, #tpu.memory_space<vmem>> -> memref<100xi32, #tpu.memory_space<vmem>>
        %dma_start3A_444 = arith.constant 0 : i32
        %dma_start3A_445 = arith.constant 0 : i32
        %dma_start3A_446 = tpu.memref_slice %arg15[%dma_start3A_444, %dma_start3A_445] : memref<10112x64xf32, #tpu.memory_space<vmem_shared>> -> memref<10112x64xf32, #tpu.memory_space<vmem_shared>>
        tpu.enqueue_indirect_dma source(%dma_start3A_446 : memref<10112x64xf32, #tpu.memory_space<vmem_shared>>) target(%arg12 : memref<100x64xf32, #tpu.memory_space<vmem>>) offsets(%dma_start3A_443 : memref<100xi32, #tpu.memory_space<vmem>>) semaphore(%arg18 : memref<!tpu.dma_semaphore, #tpu.memory_space<semaphore_mem>>)
      } else {
      }
      %mul3A_409 = arith.constant 4 : i32
      %mul3A_410 = arith.muli %mul3A_409, %scan3A_342 : i32
      %add3A_411 = arith.constant 3 : i32
      %add3A_412 = arith.addi %mul3A_410, %add3A_411 : i32
      %dma_wait3A_413 = arith.constant 0 : i32
      %dma_wait3A_414 = tpu.memref_slice %arg9[%add3A_412, %dma_wait3A_413] : memref<100x100xi32, #tpu.memory_space<vmem>> -> memref<1x100xi32, #tpu.memory_space<vmem>>
      %dma_wait3A_415 = tpu.memref_squeeze %dma_wait3A_414 : memref<1x100xi32, #tpu.memory_space<vmem>> -> memref<100xi32, #tpu.memory_space<vmem>>
      %dma_wait3A_416 = arith.constant 0 : i32
      %dma_wait3A_417 = arith.constant 0 : i32
      %dma_wait3A_418 = tpu.memref_slice %arg15[%dma_wait3A_416, %dma_wait3A_417] : memref<10112x64xf32, #tpu.memory_space<vmem_shared>> -> memref<10112x64xf32, #tpu.memory_space<vmem_shared>>
      tpu.wait_indirect_dma semaphore(%arg20 : memref<!tpu.dma_semaphore, #tpu.memory_space<semaphore_mem>>) src(%dma_wait3A_418 : memref<10112x64xf32, #tpu.memory_space<vmem_shared>>) dst(%arg14 : memref<100x64xf32, #tpu.memory_space<vmem>>)
      %dma_start3A_419 = arith.constant 0 : i32
      %dma_start3A_420 = tpu.memref_slice %arg10[%add3A_412, %dma_start3A_419] : memref<100x100xi32, #tpu.memory_space<vmem>> -> memref<1x100xi32, #tpu.memory_space<vmem>>
      %dma_start3A_421 = tpu.memref_squeeze %dma_start3A_420 : memref<1x100xi32, #tpu.memory_space<vmem>> -> memref<100xi32, #tpu.memory_space<vmem>>
      %dma_start3A_422 = arith.constant 0 : i32
      %dma_start3A_423 = arith.constant 0 : i32
      %dma_start3A_424 = tpu.memref_slice %arg16[%dma_start3A_422, %dma_start3A_423] : memref<10112x64xf32, #tpu.memory_space<vmem_shared>> -> memref<10112x64xf32, #tpu.memory_space<vmem_shared>>
      tpu.enqueue_indirect_dma source(%arg14 : memref<100x64xf32, #tpu.memory_space<vmem>>) target(%dma_start3A_424 : memref<10112x64xf32, #tpu.memory_space<vmem_shared>>) offsets(%dma_start3A_421 : memref<100xi32, #tpu.memory_space<vmem>>) semaphore(%arg24 : memref<!tpu.dma_semaphore, #tpu.memory_space<semaphore_mem>>) {add = true}
      %add3A_425 = arith.constant 3 : i32
      %add3A_426 = arith.addi %add3A_412, %add3A_425 : i32
      %lt3A_427 = arith.constant 100 : i32
      %lt3A_428 = arith.cmpi slt, %add3A_426, %lt3A_427 : i32
      %convert_element_type3A_429 = arith.extui %lt3A_428 : i1 to i32
      %cond3A_430 = arith.constant 0 : i32
      %cond3A_431 = arith.cmpi ne, %convert_element_type3A_429, %cond3A_430 : i32
      scf.if %cond3A_431 {
        %sub3A = arith.constant 1 : i32
        %sub3A_432 = arith.subi %add3A_412, %sub3A : i32
        %dma_wait3A_433 = arith.constant 0 : i32
        %dma_wait3A_434 = tpu.memref_slice %arg10[%sub3A_432, %dma_wait3A_433] : memref<100x100xi32, #tpu.memory_space<vmem>> -> memref<1x100xi32, #tpu.memory_space<vmem>>
        %dma_wait3A_435 = tpu.memref_squeeze %dma_wait3A_434 : memref<1x100xi32, #tpu.memory_space<vmem>> -> memref<100xi32, #tpu.memory_space<vmem>>
        %dma_wait3A_436 = arith.constant 0 : i32
        %dma_wait3A_437 = arith.constant 0 : i32
        %dma_wait3A_438 = tpu.memref_slice %arg16[%dma_wait3A_436, %dma_wait3A_437] : memref<10112x64xf32, #tpu.memory_space<vmem_shared>> -> memref<10112x64xf32, #tpu.memory_space<vmem_shared>>
        tpu.wait_indirect_dma semaphore(%arg23 : memref<!tpu.dma_semaphore, #tpu.memory_space<semaphore_mem>>) src(%arg13 : memref<100x64xf32, #tpu.memory_space<vmem>>) dst(%dma_wait3A_438 : memref<10112x64xf32, #tpu.memory_space<vmem_shared>>)
        %add3A_439 = arith.constant 3 : i32
        %add3A_440 = arith.addi %add3A_412, %add3A_439 : i32
        %dma_start3A_441 = arith.constant 0 : i32
        %dma_start3A_442 = tpu.memref_slice %arg9[%add3A_440, %dma_start3A_441] : memref<100x100xi32, #tpu.memory_space<vmem>> -> memref<1x100xi32, #tpu.memory_space<vmem>>
        %dma_start3A_443 = tpu.memref_squeeze %dma_start3A_442 : memref<1x100xi32, #tpu.memory_space<vmem>> -> memref<100xi32, #tpu.memory_space<vmem>>
        %dma_start3A_444 = arith.constant 0 : i32
        %dma_start3A_445 = arith.constant 0 : i32
        %dma_start3A_446 = tpu.memref_slice %arg15[%dma_start3A_444, %dma_start3A_445] : memref<10112x64xf32, #tpu.memory_space<vmem_shared>> -> memref<10112x64xf32, #tpu.memory_space<vmem_shared>>
        tpu.enqueue_indirect_dma source(%dma_start3A_446 : memref<10112x64xf32, #tpu.memory_space<vmem_shared>>) target(%arg13 : memref<100x64xf32, #tpu.memory_space<vmem>>) offsets(%dma_start3A_443 : memref<100xi32, #tpu.memory_space<vmem>>) semaphore(%arg19 : memref<!tpu.dma_semaphore, #tpu.memory_space<semaphore_mem>>)
      } else {
      }
    }
    %scan3A_308 = arith.constant 24 : i32
    %dma_wait3A_309 = arith.constant 0 : i32
    %dma_wait3A_310 = arith.constant 0 : i32
    %dma_wait3A_311 = tpu.memref_slice %arg10[%dma_wait3A_309, %dma_wait3A_310] : memref<100x100xi32, #tpu.memory_space<vmem>> -> memref<1x100xi32, #tpu.memory_space<vmem>>
    %dma_wait3A_312 = tpu.memref_squeeze %dma_wait3A_311 : memref<1x100xi32, #tpu.memory_space<vmem>> -> memref<100xi32, #tpu.memory_space<vmem>>
    %dma_wait3A_313 = arith.constant 0 : i32
    %dma_wait3A_314 = arith.constant 0 : i32
    %dma_wait3A_315 = tpu.memref_slice %arg16[%dma_wait3A_313, %dma_wait3A_314] : memref<10112x64xf32, #tpu.memory_space<vmem_shared>> -> memref<10112x64xf32, #tpu.memory_space<vmem_shared>>
    tpu.wait_indirect_dma semaphore(%arg21 : memref<!tpu.dma_semaphore, #tpu.memory_space<semaphore_mem>>) src(%arg11 : memref<100x64xf32, #tpu.memory_space<vmem>>) dst(%dma_wait3A_315 : memref<10112x64xf32, #tpu.memory_space<vmem_shared>>)
    %dma_wait3A_316 = arith.constant 0 : i32
    %dma_wait3A_317 = arith.constant 0 : i32
    %dma_wait3A_318 = tpu.memref_slice %arg10[%dma_wait3A_316, %dma_wait3A_317] : memref<100x100xi32, #tpu.memory_space<vmem>> -> memref<1x100xi32, #tpu.memory_space<vmem>>
    %dma_wait3A_319 = tpu.memref_squeeze %dma_wait3A_318 : memref<1x100xi32, #tpu.memory_space<vmem>> -> memref<100xi32, #tpu.memory_space<vmem>>
    %dma_wait3A_320 = arith.constant 0 : i32
    %dma_wait3A_321 = arith.constant 0 : i32
    %dma_wait3A_322 = tpu.memref_slice %arg16[%dma_wait3A_320, %dma_wait3A_321] : memref<10112x64xf32, #tpu.memory_space<vmem_shared>> -> memref<10112x64xf32, #tpu.memory_space<vmem_shared>>
    tpu.wait_indirect_dma semaphore(%arg22 : memref<!tpu.dma_semaphore, #tpu.memory_space<semaphore_mem>>) src(%arg12 : memref<100x64xf32, #tpu.memory_space<vmem>>) dst(%dma_wait3A_322 : memref<10112x64xf32, #tpu.memory_space<vmem_shared>>)
    %dma_wait3A_323 = arith.constant 0 : i32
    %dma_wait3A_324 = arith.constant 0 : i32
    %dma_wait3A_325 = tpu.memref_slice %arg10[%dma_wait3A_323, %dma_wait3A_324] : memref<100x100xi32, #tpu.memory_space<vmem>> -> memref<1x100xi32, #tpu.memory_space<vmem>>
    %dma_wait3A_326 = tpu.memref_squeeze %dma_wait3A_325 : memref<1x100xi32, #tpu.memory_space<vmem>> -> memref<100xi32, #tpu.memory_space<vmem>>
    %dma_wait3A_327 = arith.constant 0 : i32
    %dma_wait3A_328 = arith.constant 0 : i32
    %dma_wait3A_329 = tpu.memref_slice %arg16[%dma_wait3A_327, %dma_wait3A_328] : memref<10112x64xf32, #tpu.memory_space<vmem_shared>> -> memref<10112x64xf32, #tpu.memory_space<vmem_shared>>
    tpu.wait_indirect_dma semaphore(%arg23 : memref<!tpu.dma_semaphore, #tpu.memory_space<semaphore_mem>>) src(%arg13 : memref<100x64xf32, #tpu.memory_space<vmem>>) dst(%dma_wait3A_329 : memref<10112x64xf32, #tpu.memory_space<vmem_shared>>)
    %dma_wait3A_330 = arith.constant 0 : i32
    %dma_wait3A_331 = arith.constant 0 : i32
    %dma_wait3A_332 = tpu.memref_slice %arg10[%dma_wait3A_330, %dma_wait3A_331] : memref<100x100xi32, #tpu.memory_space<vmem>> -> memref<1x100xi32, #tpu.memory_space<vmem>>
    %dma_wait3A_333 = tpu.memref_squeeze %dma_wait3A_332 : memref<1x100xi32, #tpu.memory_space<vmem>> -> memref<100xi32, #tpu.memory_space<vmem>>
    %dma_wait3A_334 = arith.constant 0 : i32
    %dma_wait3A_335 = arith.constant 0 : i32
    %dma_wait3A_336 = tpu.memref_slice %arg16[%dma_wait3A_334, %dma_wait3A_335] : memref<10112x64xf32, #tpu.memory_space<vmem_shared>> -> memref<10112x64xf32, #tpu.memory_space<vmem_shared>>
    tpu.wait_indirect_dma semaphore(%arg24 : memref<!tpu.dma_semaphore, #tpu.memory_space<semaphore_mem>>) src(%arg14 : memref<100x64xf32, #tpu.memory_space<vmem>>) dst(%dma_wait3A_336 : memref<10112x64xf32, #tpu.memory_space<vmem_shared>>)
    %barrier3A_337 = arith.constant 0 : index
    tpu.barrier barrier_id(%barrier3A_337)
    %mul3A_338 = arith.constant 632 : i32
    %mul3A_339 = arith.muli %arg1, %mul3A_338 : i32
    %mul3A_340 = arith.constant 632 : i32
    %mul3A_341 = arith.muli %arg1, %mul3A_340 : i32
    "tpu.region"() ({
      %run_scoped3A = tpu.sem_alloc : memref<!tpu.dma_semaphore, #tpu.memory_space<semaphore_mem>>
      %dma_start3A_342 = arith.constant 0 : i32
      %dma_start3A_343 = tpu.memref_slice %arg8[%arg0, %mul3A_341, %dma_start3A_342] : memref<2x10112x64xf32, #tpu.memory_space<hbm>> -> memref<1x632x64xf32, #tpu.memory_space<hbm>>
      %dma_start3A_344 = tpu.memref_squeeze %dma_start3A_343 : memref<1x632x64xf32, #tpu.memory_space<hbm>> -> memref<632x64xf32, #tpu.memory_space<hbm>>
      %dma_start3A_345 = arith.constant 0 : i32
      %dma_start3A_346 = tpu.memref_slice %arg16[%mul3A_339, %dma_start3A_345] : memref<10112x64xf32, #tpu.memory_space<vmem_shared>> -> memref<632x64xf32, #tpu.memory_space<vmem_shared>>
      tpu.enqueue_dma source(%dma_start3A_346 : memref<632x64xf32, #tpu.memory_space<vmem_shared>>) target(%dma_start3A_344 : memref<632x64xf32, #tpu.memory_space<hbm>>) target_semaphore(%run_scoped3A : memref<!tpu.dma_semaphore, #tpu.memory_space<semaphore_mem>>)
      %dma_wait3A_347 = arith.constant 0 : i32
      %dma_wait3A_348 = tpu.memref_slice %arg8[%arg0, %mul3A_341, %dma_wait3A_347] : memref<2x10112x64xf32, #tpu.memory_space<hbm>> -> memref<1x632x64xf32, #tpu.memory_space<hbm>>
      %dma_wait3A_349 = tpu.memref_squeeze %dma_wait3A_348 : memref<1x632x64xf32, #tpu.memory_space<hbm>> -> memref<632x64xf32, #tpu.memory_space<hbm>>
      %dma_wait3A_350 = arith.constant 0 : i32
      %dma_wait3A_351 = tpu.memref_slice %arg16[%mul3A_339, %dma_wait3A_350] : memref<10112x64xf32, #tpu.memory_space<vmem_shared>> -> memref<632x64xf32, #tpu.memory_space<vmem_shared>>
      tpu.wait_dma2 semaphore(%run_scoped3A : memref<!tpu.dma_semaphore, #tpu.memory_space<semaphore_mem>>) src(%dma_wait3A_351 : memref<632x64xf32, #tpu.memory_space<vmem_shared>>) dst(%dma_wait3A_349 : memref<632x64xf32, #tpu.memory_space<hbm>>)
      tpu.yield
    }) : () -> ()
    return
  }
}

#map = affine_map<(d0, d1) -> (0, 0, 0)>
#map1 = affine_map<(d0, d1) -> (0)>
module attributes {stable_mosaic.version = 14 : i64} {
  func.func @body(%arg0: i32, %arg1: i32, %arg2: memref<32x100x100xi32, #tpu.memory_space<hbm>>, %arg3: memref<100xf32, #tpu.memory_space<hbm>>, %arg4: memref<632xf32, #tpu.memory_space<hbm>>, %arg5: memref<20224xf32, #tpu.memory_space<hbm>>, %arg6: memref<100x100xi32, #tpu.memory_space<vmem>>, %arg7: memref<100xf32, #tpu.memory_space<vmem>>, %arg8: memref<10112xf32, #tpu.memory_space<vmem_shared>>) attributes {dimension_semantics = [#tpu.dimension_semantics<core_parallel>, #tpu.dimension_semantics<subcore_parallel>], iteration_bounds = array<i64: 2, 16>, scalar_prefetch = 0 : i64, scratch_operands = 3 : i64, tpu.core_type = #tpu.core_type<sc_vector_subcore>, window_params = [{transform_indices = #map}, {transform_indices = #map1}, {transform_indices = #map1}, {transform_indices = #map1}]} {
    %mul3A = arith.constant 16 : i32
    %mul3A_0 = arith.muli %arg0, %mul3A : i32
    %add3A = arith.addi %mul3A_0, %arg1 : i32
    %mul3A_1 = arith.constant 632 : i32
    %mul3A_2 = arith.muli %arg1, %mul3A_1 : i32
    "tpu.region"() ({
      %run_scoped3A = tpu.sem_alloc : memref<!tpu.dma_semaphore, #tpu.memory_space<semaphore_mem>>
      %dma_start3A = tpu.memref_slice %arg8[%mul3A_2] : memref<10112xf32, #tpu.memory_space<vmem_shared>> -> memref<632xf32, #tpu.memory_space<vmem_shared>>
      tpu.enqueue_dma source(%arg4 : memref<632xf32, #tpu.memory_space<hbm>>) target(%dma_start3A : memref<632xf32, #tpu.memory_space<vmem_shared>>) target_semaphore(%run_scoped3A : memref<!tpu.dma_semaphore, #tpu.memory_space<semaphore_mem>>)
      %dma_wait3A = tpu.memref_slice %arg8[%mul3A_2] : memref<10112xf32, #tpu.memory_space<vmem_shared>> -> memref<632xf32, #tpu.memory_space<vmem_shared>>
      tpu.wait_dma2 semaphore(%run_scoped3A : memref<!tpu.dma_semaphore, #tpu.memory_space<semaphore_mem>>) src(%arg4 : memref<632xf32, #tpu.memory_space<hbm>>) dst(%dma_wait3A : memref<632xf32, #tpu.memory_space<vmem_shared>>)
      tpu.yield
    }) : () -> ()
    "tpu.region"() ({
      %run_scoped3A = tpu.sem_alloc : memref<!tpu.dma_semaphore, #tpu.memory_space<semaphore_mem>>
      %dma_start3A = arith.constant 0 : i32
      %dma_start3A_16 = arith.constant 0 : i32
      %dma_start3A_17 = tpu.memref_slice %arg2[%add3A, %dma_start3A, %dma_start3A_16] : memref<32x100x100xi32, #tpu.memory_space<hbm>> -> memref<1x100x100xi32, #tpu.memory_space<hbm>>
      %dma_start3A_18 = tpu.memref_squeeze %dma_start3A_17 : memref<1x100x100xi32, #tpu.memory_space<hbm>> -> memref<100x100xi32, #tpu.memory_space<hbm>>
      %dma_start3A_19 = arith.constant 0 : i32
      %dma_start3A_20 = arith.constant 0 : i32
      %dma_start3A_21 = tpu.memref_slice %arg2[%add3A, %dma_start3A_19, %dma_start3A_20] : memref<32x100x100xi32, #tpu.memory_space<hbm>> -> memref<1x100x100xi32, #tpu.memory_space<hbm>>
      %dma_start3A_22 = tpu.memref_squeeze %dma_start3A_21 : memref<1x100x100xi32, #tpu.memory_space<hbm>> -> memref<100x100xi32, #tpu.memory_space<hbm>>
      tpu.enqueue_dma source(%dma_start3A_22 : memref<100x100xi32, #tpu.memory_space<hbm>>) target(%arg6 : memref<100x100xi32, #tpu.memory_space<vmem>>) target_semaphore(%run_scoped3A : memref<!tpu.dma_semaphore, #tpu.memory_space<semaphore_mem>>)
      %dma_wait3A = arith.constant 0 : i32
      %dma_wait3A_23 = arith.constant 0 : i32
      %dma_wait3A_24 = tpu.memref_slice %arg2[%add3A, %dma_wait3A, %dma_wait3A_23] : memref<32x100x100xi32, #tpu.memory_space<hbm>> -> memref<1x100x100xi32, #tpu.memory_space<hbm>>
      %dma_wait3A_25 = tpu.memref_squeeze %dma_wait3A_24 : memref<1x100x100xi32, #tpu.memory_space<hbm>> -> memref<100x100xi32, #tpu.memory_space<hbm>>
      %dma_wait3A_26 = arith.constant 0 : i32
      %dma_wait3A_27 = arith.constant 0 : i32
      %dma_wait3A_28 = tpu.memref_slice %arg2[%add3A, %dma_wait3A_26, %dma_wait3A_27] : memref<32x100x100xi32, #tpu.memory_space<hbm>> -> memref<1x100x100xi32, #tpu.memory_space<hbm>>
      %dma_wait3A_29 = tpu.memref_squeeze %dma_wait3A_28 : memref<1x100x100xi32, #tpu.memory_space<hbm>> -> memref<100x100xi32, #tpu.memory_space<hbm>>
      tpu.wait_dma2 semaphore(%run_scoped3A : memref<!tpu.dma_semaphore, #tpu.memory_space<semaphore_mem>>) src(%dma_wait3A_29 : memref<100x100xi32, #tpu.memory_space<hbm>>) dst(%arg6 : memref<100x100xi32, #tpu.memory_space<vmem>>)
      tpu.yield
    }) : () -> ()
    "tpu.region"() ({
      %run_scoped3A = tpu.sem_alloc : memref<!tpu.dma_semaphore, #tpu.memory_space<semaphore_mem>>
      tpu.enqueue_dma source(%arg3 : memref<100xf32, #tpu.memory_space<hbm>>) target(%arg7 : memref<100xf32, #tpu.memory_space<vmem>>) target_semaphore(%run_scoped3A : memref<!tpu.dma_semaphore, #tpu.memory_space<semaphore_mem>>)
      tpu.wait_dma2 semaphore(%run_scoped3A : memref<!tpu.dma_semaphore, #tpu.memory_space<semaphore_mem>>) src(%arg3 : memref<100xf32, #tpu.memory_space<hbm>>) dst(%arg7 : memref<100xf32, #tpu.memory_space<vmem>>)
      tpu.yield
    }) : () -> ()
    %barrier3A = arith.constant 0 : index
    tpu.barrier barrier_id(%barrier3A)
    %scan3A = arith.constant 0 : i32
    %scan3A_3 = arith.constant 0 : i32
    %scan3A_4 = arith.constant 100 : i32
    %scan3A_5 = arith.addi %scan3A_3, %scan3A_4 : i32
    %scan3A_6 = arith.constant 1 : i32
    scf.for %scan3A_16 = %scan3A_3 to %scan3A_5 step %scan3A_6  : i32 {
      "tpu.region"() ({
        %run_scoped3A = tpu.sem_alloc : memref<!tpu.dma_semaphore, #tpu.memory_space<semaphore_mem>>
        %dma_start3A = arith.constant 0 : i32
        %dma_start3A_17 = tpu.memref_slice %arg6[%scan3A_16, %dma_start3A] : memref<100x100xi32, #tpu.memory_space<vmem>> -> memref<1x100xi32, #tpu.memory_space<vmem>>
        %dma_start3A_18 = tpu.memref_squeeze %dma_start3A_17 : memref<1x100xi32, #tpu.memory_space<vmem>> -> memref<100xi32, #tpu.memory_space<vmem>>
        %dma_start3A_19 = arith.constant 0 : i32
        %dma_start3A_20 = tpu.memref_slice %arg8[%dma_start3A_19] : memref<10112xf32, #tpu.memory_space<vmem_shared>> -> memref<10112xf32, #tpu.memory_space<vmem_shared>>
        tpu.enqueue_indirect_dma source(%arg7 : memref<100xf32, #tpu.memory_space<vmem>>) target(%dma_start3A_20 : memref<10112xf32, #tpu.memory_space<vmem_shared>>) offsets(%dma_start3A_18 : memref<100xi32, #tpu.memory_space<vmem>>) semaphore(%run_scoped3A : memref<!tpu.dma_semaphore, #tpu.memory_space<semaphore_mem>>) {add = true}
        %dma_wait3A = arith.constant 0 : i32
        %dma_wait3A_21 = tpu.memref_slice %arg6[%scan3A_16, %dma_wait3A] : memref<100x100xi32, #tpu.memory_space<vmem>> -> memref<1x100xi32, #tpu.memory_space<vmem>>
        %dma_wait3A_22 = tpu.memref_squeeze %dma_wait3A_21 : memref<1x100xi32, #tpu.memory_space<vmem>> -> memref<100xi32, #tpu.memory_space<vmem>>
        %dma_wait3A_23 = arith.constant 0 : i32
        %dma_wait3A_24 = tpu.memref_slice %arg8[%dma_wait3A_23] : memref<10112xf32, #tpu.memory_space<vmem_shared>> -> memref<10112xf32, #tpu.memory_space<vmem_shared>>
        tpu.wait_indirect_dma semaphore(%run_scoped3A : memref<!tpu.dma_semaphore, #tpu.memory_space<semaphore_mem>>) src(%arg7 : memref<100xf32, #tpu.memory_space<vmem>>) dst(%dma_wait3A_24 : memref<10112xf32, #tpu.memory_space<vmem_shared>>)
        tpu.yield
      }) : () -> ()
    }
    %scan3A_7 = arith.constant 100 : i32
    %barrier3A_8 = arith.constant 0 : index
    tpu.barrier barrier_id(%barrier3A_8)
    %mul3A_9 = arith.constant 632 : i32
    %mul3A_10 = arith.muli %arg1, %mul3A_9 : i32
    %mul3A_11 = arith.constant 10112 : i32
    %mul3A_12 = arith.muli %arg0, %mul3A_11 : i32
    %mul3A_13 = arith.constant 632 : i32
    %mul3A_14 = arith.muli %arg1, %mul3A_13 : i32
    %add3A_15 = arith.addi %mul3A_12, %mul3A_14 : i32
    "tpu.region"() ({
      %run_scoped3A = tpu.sem_alloc : memref<!tpu.dma_semaphore, #tpu.memory_space<semaphore_mem>>
      %dma_start3A = tpu.memref_slice %arg5[%add3A_15] : memref<20224xf32, #tpu.memory_space<hbm>> -> memref<632xf32, #tpu.memory_space<hbm>>
      %dma_start3A_16 = tpu.memref_slice %arg8[%mul3A_10] : memref<10112xf32, #tpu.memory_space<vmem_shared>> -> memref<632xf32, #tpu.memory_space<vmem_shared>>
      tpu.enqueue_dma source(%dma_start3A_16 : memref<632xf32, #tpu.memory_space<vmem_shared>>) target(%dma_start3A : memref<632xf32, #tpu.memory_space<hbm>>) target_semaphore(%run_scoped3A : memref<!tpu.dma_semaphore, #tpu.memory_space<semaphore_mem>>)
      %dma_wait3A = tpu.memref_slice %arg5[%add3A_15] : memref<20224xf32, #tpu.memory_space<hbm>> -> memref<632xf32, #tpu.memory_space<hbm>>
      %dma_wait3A_17 = tpu.memref_slice %arg8[%mul3A_10] : memref<10112xf32, #tpu.memory_space<vmem_shared>> -> memref<632xf32, #tpu.memory_space<vmem_shared>>
      tpu.wait_dma2 semaphore(%run_scoped3A : memref<!tpu.dma_semaphore, #tpu.memory_space<semaphore_mem>>) src(%dma_wait3A_17 : memref<632xf32, #tpu.memory_space<vmem_shared>>) dst(%dma_wait3A : memref<632xf32, #tpu.memory_space<hbm>>)
      tpu.yield
    }) : () -> ()
    return
  }
}

#map = affine_map<(d0, d1) -> (0, 0, 0)>
#map1 = affine_map<(d0, d1) -> (0, 0)>
module attributes {stable_mosaic.version = 14 : i64} {
  func.func @body(%arg0: i32, %arg1: i32, %arg2: memref<32x100x100xi32, #tpu.memory_space<hbm>>, %arg3: memref<32x100x100xi32, #tpu.memory_space<hbm>>, %arg4: memref<10000x64xf32, #tpu.memory_space<hbm>>, %arg5: memref<632x64xf32, #tpu.memory_space<hbm>>, %arg6: memref<2x10112x64xf32, #tpu.memory_space<hbm>>, %arg7: memref<100x100xi32, #tpu.memory_space<vmem>>, %arg8: memref<100x100xi32, #tpu.memory_space<vmem>>, %arg9: memref<100x64xf32, #tpu.memory_space<vmem>>, %arg10: memref<100x64xf32, #tpu.memory_space<vmem>>, %arg11: memref<100x64xf32, #tpu.memory_space<vmem>>, %arg12: memref<100x64xf32, #tpu.memory_space<vmem>>, %arg13: memref<10112x64xf32, #tpu.memory_space<vmem_shared>>, %arg14: memref<10112x64xf32, #tpu.memory_space<vmem_shared>>, %arg15: memref<!tpu.dma_semaphore, #tpu.memory_space<semaphore_mem>>, %arg16: memref<!tpu.dma_semaphore, #tpu.memory_space<semaphore_mem>>, %arg17: memref<!tpu.dma_semaphore, #tpu.memory_space<semaphore_mem>>, %arg18: memref<!tpu.dma_semaphore, #tpu.memory_space<semaphore_mem>>, %arg19: memref<!tpu.dma_semaphore, #tpu.memory_space<semaphore_mem>>, %arg20: memref<!tpu.dma_semaphore, #tpu.memory_space<semaphore_mem>>, %arg21: memref<!tpu.dma_semaphore, #tpu.memory_space<semaphore_mem>>, %arg22: memref<!tpu.dma_semaphore, #tpu.memory_space<semaphore_mem>>) attributes {dimension_semantics = [#tpu.dimension_semantics<core_parallel>, #tpu.dimension_semantics<subcore_parallel>], iteration_bounds = array<i64: 2, 16>, scalar_prefetch = 0 : i64, scratch_operands = 16 : i64, tpu.core_type = #tpu.core_type<sc_vector_subcore>, window_params = [{transform_indices = #map}, {transform_indices = #map}, {transform_indices = #map1}, {transform_indices = #map1}, {transform_indices = #map}]} {
    %mul3A = arith.constant 16 : i32
    %mul3A_0 = arith.muli %arg0, %mul3A : i32
    %add3A = arith.addi %mul3A_0, %arg1 : i32
    "tpu.region"() ({
      %run_scoped3A = tpu.sem_alloc : memref<!tpu.dma_semaphore, #tpu.memory_space<semaphore_mem>>
      %dma_start3A_169 = arith.constant 0 : i32
      %dma_start3A_170 = arith.constant 0 : i32
      %dma_start3A_171 = tpu.memref_slice %arg2[%add3A, %dma_start3A_169, %dma_start3A_170] : memref<32x100x100xi32, #tpu.memory_space<hbm>> -> memref<1x100x100xi32, #tpu.memory_space<hbm>>
      %dma_start3A_172 = tpu.memref_squeeze %dma_start3A_171 : memref<1x100x100xi32, #tpu.memory_space<hbm>> -> memref<100x100xi32, #tpu.memory_space<hbm>>
      %dma_start3A_173 = arith.constant 0 : i32
      %dma_start3A_174 = arith.constant 0 : i32
      %dma_start3A_175 = tpu.memref_slice %arg2[%add3A, %dma_start3A_173, %dma_start3A_174] : memref<32x100x100xi32, #tpu.memory_space<hbm>> -> memref<1x100x100xi32, #tpu.memory_space<hbm>>
      %dma_start3A_176 = tpu.memref_squeeze %dma_start3A_175 : memref<1x100x100xi32, #tpu.memory_space<hbm>> -> memref<100x100xi32, #tpu.memory_space<hbm>>
      tpu.enqueue_dma source(%dma_start3A_176 : memref<100x100xi32, #tpu.memory_space<hbm>>) target(%arg7 : memref<100x100xi32, #tpu.memory_space<vmem>>) target_semaphore(%run_scoped3A : memref<!tpu.dma_semaphore, #tpu.memory_space<semaphore_mem>>)
      %dma_wait3A_177 = arith.constant 0 : i32
      %dma_wait3A_178 = arith.constant 0 : i32
      %dma_wait3A_179 = tpu.memref_slice %arg2[%add3A, %dma_wait3A_177, %dma_wait3A_178] : memref<32x100x100xi32, #tpu.memory_space<hbm>> -> memref<1x100x100xi32, #tpu.memory_space<hbm>>
      %dma_wait3A_180 = tpu.memref_squeeze %dma_wait3A_179 : memref<1x100x100xi32, #tpu.memory_space<hbm>> -> memref<100x100xi32, #tpu.memory_space<hbm>>
      %dma_wait3A_181 = arith.constant 0 : i32
      %dma_wait3A_182 = arith.constant 0 : i32
      %dma_wait3A_183 = tpu.memref_slice %arg2[%add3A, %dma_wait3A_181, %dma_wait3A_182] : memref<32x100x100xi32, #tpu.memory_space<hbm>> -> memref<1x100x100xi32, #tpu.memory_space<hbm>>
      %dma_wait3A_184 = tpu.memref_squeeze %dma_wait3A_183 : memref<1x100x100xi32, #tpu.memory_space<hbm>> -> memref<100x100xi32, #tpu.memory_space<hbm>>
      tpu.wait_dma2 semaphore(%run_scoped3A : memref<!tpu.dma_semaphore, #tpu.memory_space<semaphore_mem>>) src(%dma_wait3A_184 : memref<100x100xi32, #tpu.memory_space<hbm>>) dst(%arg7 : memref<100x100xi32, #tpu.memory_space<vmem>>)
      tpu.yield
    }) : () -> ()
    "tpu.region"() ({
      %run_scoped3A = tpu.sem_alloc : memref<!tpu.dma_semaphore, #tpu.memory_space<semaphore_mem>>
      %dma_start3A_169 = arith.constant 0 : i32
      %dma_start3A_170 = arith.constant 0 : i32
      %dma_start3A_171 = tpu.memref_slice %arg3[%add3A, %dma_start3A_169, %dma_start3A_170] : memref<32x100x100xi32, #tpu.memory_space<hbm>> -> memref<1x100x100xi32, #tpu.memory_space<hbm>>
      %dma_start3A_172 = tpu.memref_squeeze %dma_start3A_171 : memref<1x100x100xi32, #tpu.memory_space<hbm>> -> memref<100x100xi32, #tpu.memory_space<hbm>>
      %dma_start3A_173 = arith.constant 0 : i32
      %dma_start3A_174 = arith.constant 0 : i32
      %dma_start3A_175 = tpu.memref_slice %arg3[%add3A, %dma_start3A_173, %dma_start3A_174] : memref<32x100x100xi32, #tpu.memory_space<hbm>> -> memref<1x100x100xi32, #tpu.memory_space<hbm>>
      %dma_start3A_176 = tpu.memref_squeeze %dma_start3A_175 : memref<1x100x100xi32, #tpu.memory_space<hbm>> -> memref<100x100xi32, #tpu.memory_space<hbm>>
      tpu.enqueue_dma source(%dma_start3A_176 : memref<100x100xi32, #tpu.memory_space<hbm>>) target(%arg8 : memref<100x100xi32, #tpu.memory_space<vmem>>) target_semaphore(%run_scoped3A : memref<!tpu.dma_semaphore, #tpu.memory_space<semaphore_mem>>)
      %dma_wait3A_177 = arith.constant 0 : i32
      %dma_wait3A_178 = arith.constant 0 : i32
      %dma_wait3A_179 = tpu.memref_slice %arg3[%add3A, %dma_wait3A_177, %dma_wait3A_178] : memref<32x100x100xi32, #tpu.memory_space<hbm>> -> memref<1x100x100xi32, #tpu.memory_space<hbm>>
      %dma_wait3A_180 = tpu.memref_squeeze %dma_wait3A_179 : memref<1x100x100xi32, #tpu.memory_space<hbm>> -> memref<100x100xi32, #tpu.memory_space<hbm>>
      %dma_wait3A_181 = arith.constant 0 : i32
      %dma_wait3A_182 = arith.constant 0 : i32
      %dma_wait3A_183 = tpu.memref_slice %arg3[%add3A, %dma_wait3A_181, %dma_wait3A_182] : memref<32x100x100xi32, #tpu.memory_space<hbm>> -> memref<1x100x100xi32, #tpu.memory_space<hbm>>
      %dma_wait3A_184 = tpu.memref_squeeze %dma_wait3A_183 : memref<1x100x100xi32, #tpu.memory_space<hbm>> -> memref<100x100xi32, #tpu.memory_space<hbm>>
      tpu.wait_dma2 semaphore(%run_scoped3A : memref<!tpu.dma_semaphore, #tpu.memory_space<semaphore_mem>>) src(%dma_wait3A_184 : memref<100x100xi32, #tpu.memory_space<hbm>>) dst(%arg8 : memref<100x100xi32, #tpu.memory_space<vmem>>)
      tpu.yield
    }) : () -> ()
    %mul3A_1 = arith.constant 632 : i32
    %mul3A_2 = arith.muli %arg1, %mul3A_1 : i32
    "tpu.region"() ({
      %run_scoped3A = tpu.sem_alloc : memref<!tpu.dma_semaphore, #tpu.memory_space<semaphore_mem>>
      %dma_start3A_169 = arith.constant 0 : i32
      %dma_start3A_170 = tpu.memref_slice %arg14[%mul3A_2, %dma_start3A_169] : memref<10112x64xf32, #tpu.memory_space<vmem_shared>> -> memref<632x64xf32, #tpu.memory_space<vmem_shared>>
      tpu.enqueue_dma source(%arg5 : memref<632x64xf32, #tpu.memory_space<hbm>>) target(%dma_start3A_170 : memref<632x64xf32, #tpu.memory_space<vmem_shared>>) target_semaphore(%run_scoped3A : memref<!tpu.dma_semaphore, #tpu.memory_space<semaphore_mem>>)
      %dma_wait3A_171 = arith.constant 0 : i32
      %dma_wait3A_172 = tpu.memref_slice %arg14[%mul3A_2, %dma_wait3A_171] : memref<10112x64xf32, #tpu.memory_space<vmem_shared>> -> memref<632x64xf32, #tpu.memory_space<vmem_shared>>
      tpu.wait_dma2 semaphore(%run_scoped3A : memref<!tpu.dma_semaphore, #tpu.memory_space<semaphore_mem>>) src(%arg5 : memref<632x64xf32, #tpu.memory_space<hbm>>) dst(%dma_wait3A_172 : memref<632x64xf32, #tpu.memory_space<vmem_shared>>)
      tpu.yield
    }) : () -> ()
    %mul3A_3 = arith.constant 625 : i32
    %mul3A_4 = arith.muli %arg1, %mul3A_3 : i32
    %mul3A_5 = arith.constant 625 : i32
    %mul3A_6 = arith.muli %arg1, %mul3A_5 : i32
    "tpu.region"() ({
      %run_scoped3A = tpu.sem_alloc : memref<!tpu.dma_semaphore, #tpu.memory_space<semaphore_mem>>
      %dma_start3A_169 = arith.constant 0 : i32
      %dma_start3A_170 = tpu.memref_slice %arg13[%mul3A_6, %dma_start3A_169] : memref<10112x64xf32, #tpu.memory_space<vmem_shared>> -> memref<625x64xf32, #tpu.memory_space<vmem_shared>>
      %dma_start3A_171 = arith.constant 0 : i32
      %dma_start3A_172 = tpu.memref_slice %arg4[%mul3A_4, %dma_start3A_171] : memref<10000x64xf32, #tpu.memory_space<hbm>> -> memref<625x64xf32, #tpu.memory_space<hbm>>
      tpu.enqueue_dma source(%dma_start3A_172 : memref<625x64xf32, #tpu.memory_space<hbm>>) target(%dma_start3A_170 : memref<625x64xf32, #tpu.memory_space<vmem_shared>>) target_semaphore(%run_scoped3A : memref<!tpu.dma_semaphore, #tpu.memory_space<semaphore_mem>>)
      %dma_wait3A_173 = arith.constant 0 : i32
      %dma_wait3A_174 = tpu.memref_slice %arg13[%mul3A_6, %dma_wait3A_173] : memref<10112x64xf32, #tpu.memory_space<vmem_shared>> -> memref<625x64xf32, #tpu.memory_space<vmem_shared>>
      %dma_wait3A_175 = arith.constant 0 : i32
      %dma_wait3A_176 = tpu.memref_slice %arg4[%mul3A_4, %dma_wait3A_175] : memref<10000x64xf32, #tpu.memory_space<hbm>> -> memref<625x64xf32, #tpu.memory_space<hbm>>
      tpu.wait_dma2 semaphore(%run_scoped3A : memref<!tpu.dma_semaphore, #tpu.memory_space<semaphore_mem>>) src(%dma_wait3A_176 : memref<625x64xf32, #tpu.memory_space<hbm>>) dst(%dma_wait3A_174 : memref<625x64xf32, #tpu.memory_space<vmem_shared>>)
      tpu.yield
    }) : () -> ()
    %barrier3A = arith.constant 0 : index
    tpu.barrier barrier_id(%barrier3A)
    %dma_start3A = arith.constant 0 : i32
    %dma_start3A_7 = arith.constant 0 : i32
    %dma_start3A_8 = tpu.memref_slice %arg7[%dma_start3A, %dma_start3A_7] : memref<100x100xi32, #tpu.memory_space<vmem>> -> memref<1x100xi32, #tpu.memory_space<vmem>>
    %dma_start3A_9 = tpu.memref_squeeze %dma_start3A_8 : memref<1x100xi32, #tpu.memory_space<vmem>> -> memref<100xi32, #tpu.memory_space<vmem>>
    %dma_start3A_10 = arith.constant 0 : i32
    %dma_start3A_11 = arith.constant 0 : i32
    %dma_start3A_12 = tpu.memref_slice %arg13[%dma_start3A_10, %dma_start3A_11] : memref<10112x64xf32, #tpu.memory_space<vmem_shared>> -> memref<10112x64xf32, #tpu.memory_space<vmem_shared>>
    tpu.enqueue_indirect_dma source(%dma_start3A_12 : memref<10112x64xf32, #tpu.memory_space<vmem_shared>>) target(%arg9 : memref<100x64xf32, #tpu.memory_space<vmem>>) offsets(%dma_start3A_9 : memref<100xi32, #tpu.memory_space<vmem>>) semaphore(%arg15 : memref<!tpu.dma_semaphore, #tpu.memory_space<semaphore_mem>>)
    %dma_start3A_13 = arith.constant 1 : i32
    %dma_start3A_14 = arith.constant 0 : i32
    %dma_start3A_15 = tpu.memref_slice %arg7[%dma_start3A_13, %dma_start3A_14] : memref<100x100xi32, #tpu.memory_space<vmem>> -> memref<1x100xi32, #tpu.memory_space<vmem>>
    %dma_start3A_16 = tpu.memref_squeeze %dma_start3A_15 : memref<1x100xi32, #tpu.memory_space<vmem>> -> memref<100xi32, #tpu.memory_space<vmem>>
    %dma_start3A_17 = arith.constant 0 : i32
    %dma_start3A_18 = arith.constant 0 : i32
    %dma_start3A_19 = tpu.memref_slice %arg13[%dma_start3A_17, %dma_start3A_18] : memref<10112x64xf32, #tpu.memory_space<vmem_shared>> -> memref<10112x64xf32, #tpu.memory_space<vmem_shared>>
    tpu.enqueue_indirect_dma source(%dma_start3A_19 : memref<10112x64xf32, #tpu.memory_space<vmem_shared>>) target(%arg10 : memref<100x64xf32, #tpu.memory_space<vmem>>) offsets(%dma_start3A_16 : memref<100xi32, #tpu.memory_space<vmem>>) semaphore(%arg16 : memref<!tpu.dma_semaphore, #tpu.memory_space<semaphore_mem>>)
    %dma_start3A_20 = arith.constant 2 : i32
    %dma_start3A_21 = arith.constant 0 : i32
    %dma_start3A_22 = tpu.memref_slice %arg7[%dma_start3A_20, %dma_start3A_21] : memref<100x100xi32, #tpu.memory_space<vmem>> -> memref<1x100xi32, #tpu.memory_space<vmem>>
    %dma_start3A_23 = tpu.memref_squeeze %dma_start3A_22 : memref<1x100xi32, #tpu.memory_space<vmem>> -> memref<100xi32, #tpu.memory_space<vmem>>
    %dma_start3A_24 = arith.constant 0 : i32
    %dma_start3A_25 = arith.constant 0 : i32
    %dma_start3A_26 = tpu.memref_slice %arg13[%dma_start3A_24, %dma_start3A_25] : memref<10112x64xf32, #tpu.memory_space<vmem_shared>> -> memref<10112x64xf32, #tpu.memory_space<vmem_shared>>
    tpu.enqueue_indirect_dma source(%dma_start3A_26 : memref<10112x64xf32, #tpu.memory_space<vmem_shared>>) target(%arg11 : memref<100x64xf32, #tpu.memory_space<vmem>>) offsets(%dma_start3A_23 : memref<100xi32, #tpu.memory_space<vmem>>) semaphore(%arg17 : memref<!tpu.dma_semaphore, #tpu.memory_space<semaphore_mem>>)
    %dma_wait3A = arith.constant 0 : i32
    %dma_wait3A_27 = arith.constant 0 : i32
    %dma_wait3A_28 = tpu.memref_slice %arg7[%dma_wait3A, %dma_wait3A_27] : memref<100x100xi32, #tpu.memory_space<vmem>> -> memref<1x100xi32, #tpu.memory_space<vmem>>
    %dma_wait3A_29 = tpu.memref_squeeze %dma_wait3A_28 : memref<1x100xi32, #tpu.memory_space<vmem>> -> memref<100xi32, #tpu.memory_space<vmem>>
    %dma_wait3A_30 = arith.constant 0 : i32
    %dma_wait3A_31 = arith.constant 0 : i32
    %dma_wait3A_32 = tpu.memref_slice %arg13[%dma_wait3A_30, %dma_wait3A_31] : memref<10112x64xf32, #tpu.memory_space<vmem_shared>> -> memref<10112x64xf32, #tpu.memory_space<vmem_shared>>
    tpu.wait_indirect_dma semaphore(%arg15 : memref<!tpu.dma_semaphore, #tpu.memory_space<semaphore_mem>>) src(%dma_wait3A_32 : memref<10112x64xf32, #tpu.memory_space<vmem_shared>>) dst(%arg9 : memref<100x64xf32, #tpu.memory_space<vmem>>)
    %dma_start3A_33 = arith.constant 0 : i32
    %dma_start3A_34 = arith.constant 0 : i32
    %dma_start3A_35 = tpu.memref_slice %arg8[%dma_start3A_33, %dma_start3A_34] : memref<100x100xi32, #tpu.memory_space<vmem>> -> memref<1x100xi32, #tpu.memory_space<vmem>>
    %dma_start3A_36 = tpu.memref_squeeze %dma_start3A_35 : memref<1x100xi32, #tpu.memory_space<vmem>> -> memref<100xi32, #tpu.memory_space<vmem>>
    %dma_start3A_37 = arith.constant 0 : i32
    %dma_start3A_38 = arith.constant 0 : i32
    %dma_start3A_39 = tpu.memref_slice %arg14[%dma_start3A_37, %dma_start3A_38] : memref<10112x64xf32, #tpu.memory_space<vmem_shared>> -> memref<10112x64xf32, #tpu.memory_space<vmem_shared>>
    tpu.enqueue_indirect_dma source(%arg9 : memref<100x64xf32, #tpu.memory_space<vmem>>) target(%dma_start3A_39 : memref<10112x64xf32, #tpu.memory_space<vmem_shared>>) offsets(%dma_start3A_36 : memref<100xi32, #tpu.memory_space<vmem>>) semaphore(%arg19 : memref<!tpu.dma_semaphore, #tpu.memory_space<semaphore_mem>>) {add = true}
    %dma_start3A_40 = arith.constant 3 : i32
    %dma_start3A_41 = arith.constant 0 : i32
    %dma_start3A_42 = tpu.memref_slice %arg7[%dma_start3A_40, %dma_start3A_41] : memref<100x100xi32, #tpu.memory_space<vmem>> -> memref<1x100xi32, #tpu.memory_space<vmem>>
    %dma_start3A_43 = tpu.memref_squeeze %dma_start3A_42 : memref<1x100xi32, #tpu.memory_space<vmem>> -> memref<100xi32, #tpu.memory_space<vmem>>
    %dma_start3A_44 = arith.constant 0 : i32
    %dma_start3A_45 = arith.constant 0 : i32
    %dma_start3A_46 = tpu.memref_slice %arg13[%dma_start3A_44, %dma_start3A_45] : memref<10112x64xf32, #tpu.memory_space<vmem_shared>> -> memref<10112x64xf32, #tpu.memory_space<vmem_shared>>
    tpu.enqueue_indirect_dma source(%dma_start3A_46 : memref<10112x64xf32, #tpu.memory_space<vmem_shared>>) target(%arg12 : memref<100x64xf32, #tpu.memory_space<vmem>>) offsets(%dma_start3A_43 : memref<100xi32, #tpu.memory_space<vmem>>) semaphore(%arg18 : memref<!tpu.dma_semaphore, #tpu.memory_space<semaphore_mem>>)
    %dma_wait3A_47 = arith.constant 1 : i32
    %dma_wait3A_48 = arith.constant 0 : i32
    %dma_wait3A_49 = tpu.memref_slice %arg7[%dma_wait3A_47, %dma_wait3A_48] : memref<100x100xi32, #tpu.memory_space<vmem>> -> memref<1x100xi32, #tpu.memory_space<vmem>>
    %dma_wait3A_50 = tpu.memref_squeeze %dma_wait3A_49 : memref<1x100xi32, #tpu.memory_space<vmem>> -> memref<100xi32, #tpu.memory_space<vmem>>
    %dma_wait3A_51 = arith.constant 0 : i32
    %dma_wait3A_52 = arith.constant 0 : i32
    %dma_wait3A_53 = tpu.memref_slice %arg13[%dma_wait3A_51, %dma_wait3A_52] : memref<10112x64xf32, #tpu.memory_space<vmem_shared>> -> memref<10112x64xf32, #tpu.memory_space<vmem_shared>>
    tpu.wait_indirect_dma semaphore(%arg16 : memref<!tpu.dma_semaphore, #tpu.memory_space<semaphore_mem>>) src(%dma_wait3A_53 : memref<10112x64xf32, #tpu.memory_space<vmem_shared>>) dst(%arg10 : memref<100x64xf32, #tpu.memory_space<vmem>>)
    %dma_start3A_54 = arith.constant 1 : i32
    %dma_start3A_55 = arith.constant 0 : i32
    %dma_start3A_56 = tpu.memref_slice %arg8[%dma_start3A_54, %dma_start3A_55] : memref<100x100xi32, #tpu.memory_space<vmem>> -> memref<1x100xi32, #tpu.memory_space<vmem>>
    %dma_start3A_57 = tpu.memref_squeeze %dma_start3A_56 : memref<1x100xi32, #tpu.memory_space<vmem>> -> memref<100xi32, #tpu.memory_space<vmem>>
    %dma_start3A_58 = arith.constant 0 : i32
    %dma_start3A_59 = arith.constant 0 : i32
    %dma_start3A_60 = tpu.memref_slice %arg14[%dma_start3A_58, %dma_start3A_59] : memref<10112x64xf32, #tpu.memory_space<vmem_shared>> -> memref<10112x64xf32, #tpu.memory_space<vmem_shared>>
    tpu.enqueue_indirect_dma source(%arg10 : memref<100x64xf32, #tpu.memory_space<vmem>>) target(%dma_start3A_60 : memref<10112x64xf32, #tpu.memory_space<vmem_shared>>) offsets(%dma_start3A_57 : memref<100xi32, #tpu.memory_space<vmem>>) semaphore(%arg20 : memref<!tpu.dma_semaphore, #tpu.memory_space<semaphore_mem>>) {add = true}
    %dma_wait3A_61 = arith.constant 0 : i32
    %dma_wait3A_62 = arith.constant 0 : i32
    %dma_wait3A_63 = tpu.memref_slice %arg8[%dma_wait3A_61, %dma_wait3A_62] : memref<100x100xi32, #tpu.memory_space<vmem>> -> memref<1x100xi32, #tpu.memory_space<vmem>>
    %dma_wait3A_64 = tpu.memref_squeeze %dma_wait3A_63 : memref<1x100xi32, #tpu.memory_space<vmem>> -> memref<100xi32, #tpu.memory_space<vmem>>
    %dma_wait3A_65 = arith.constant 0 : i32
    %dma_wait3A_66 = arith.constant 0 : i32
    %dma_wait3A_67 = tpu.memref_slice %arg14[%dma_wait3A_65, %dma_wait3A_66] : memref<10112x64xf32, #tpu.memory_space<vmem_shared>> -> memref<10112x64xf32, #tpu.memory_space<vmem_shared>>
    tpu.wait_indirect_dma semaphore(%arg19 : memref<!tpu.dma_semaphore, #tpu.memory_space<semaphore_mem>>) src(%arg9 : memref<100x64xf32, #tpu.memory_space<vmem>>) dst(%dma_wait3A_67 : memref<10112x64xf32, #tpu.memory_space<vmem_shared>>)
    %dma_start3A_68 = arith.constant 4 : i32
    %dma_start3A_69 = arith.constant 0 : i32
    %dma_start3A_70 = tpu.memref_slice %arg7[%dma_start3A_68, %dma_start3A_69] : memref<100x100xi32, #tpu.memory_space<vmem>> -> memref<1x100xi32, #tpu.memory_space<vmem>>
    %dma_start3A_71 = tpu.memref_squeeze %dma_start3A_70 : memref<1x100xi32, #tpu.memory_space<vmem>> -> memref<100xi32, #tpu.memory_space<vmem>>
    %dma_start3A_72 = arith.constant 0 : i32
    %dma_start3A_73 = arith.constant 0 : i32
    %dma_start3A_74 = tpu.memref_slice %arg13[%dma_start3A_72, %dma_start3A_73] : memref<10112x64xf32, #tpu.memory_space<vmem_shared>> -> memref<10112x64xf32, #tpu.memory_space<vmem_shared>>
    tpu.enqueue_indirect_dma source(%dma_start3A_74 : memref<10112x64xf32, #tpu.memory_space<vmem_shared>>) target(%arg9 : memref<100x64xf32, #tpu.memory_space<vmem>>) offsets(%dma_start3A_71 : memref<100xi32, #tpu.memory_space<vmem>>) semaphore(%arg15 : memref<!tpu.dma_semaphore, #tpu.memory_space<semaphore_mem>>)
    %dma_wait3A_75 = arith.constant 2 : i32
    %dma_wait3A_76 = arith.constant 0 : i32
    %dma_wait3A_77 = tpu.memref_slice %arg7[%dma_wait3A_75, %dma_wait3A_76] : memref<100x100xi32, #tpu.memory_space<vmem>> -> memref<1x100xi32, #tpu.memory_space<vmem>>
    %dma_wait3A_78 = tpu.memref_squeeze %dma_wait3A_77 : memref<1x100xi32, #tpu.memory_space<vmem>> -> memref<100xi32, #tpu.memory_space<vmem>>
    %dma_wait3A_79 = arith.constant 0 : i32
    %dma_wait3A_80 = arith.constant 0 : i32
    %dma_wait3A_81 = tpu.memref_slice %arg13[%dma_wait3A_79, %dma_wait3A_80] : memref<10112x64xf32, #tpu.memory_space<vmem_shared>> -> memref<10112x64xf32, #tpu.memory_space<vmem_shared>>
    tpu.wait_indirect_dma semaphore(%arg17 : memref<!tpu.dma_semaphore, #tpu.memory_space<semaphore_mem>>) src(%dma_wait3A_81 : memref<10112x64xf32, #tpu.memory_space<vmem_shared>>) dst(%arg11 : memref<100x64xf32, #tpu.memory_space<vmem>>)
    %dma_start3A_82 = arith.constant 2 : i32
    %dma_start3A_83 = arith.constant 0 : i32
    %dma_start3A_84 = tpu.memref_slice %arg8[%dma_start3A_82, %dma_start3A_83] : memref<100x100xi32, #tpu.memory_space<vmem>> -> memref<1x100xi32, #tpu.memory_space<vmem>>
    %dma_start3A_85 = tpu.memref_squeeze %dma_start3A_84 : memref<1x100xi32, #tpu.memory_space<vmem>> -> memref<100xi32, #tpu.memory_space<vmem>>
    %dma_start3A_86 = arith.constant 0 : i32
    %dma_start3A_87 = arith.constant 0 : i32
    %dma_start3A_88 = tpu.memref_slice %arg14[%dma_start3A_86, %dma_start3A_87] : memref<10112x64xf32, #tpu.memory_space<vmem_shared>> -> memref<10112x64xf32, #tpu.memory_space<vmem_shared>>
    tpu.enqueue_indirect_dma source(%arg11 : memref<100x64xf32, #tpu.memory_space<vmem>>) target(%dma_start3A_88 : memref<10112x64xf32, #tpu.memory_space<vmem_shared>>) offsets(%dma_start3A_85 : memref<100xi32, #tpu.memory_space<vmem>>) semaphore(%arg21 : memref<!tpu.dma_semaphore, #tpu.memory_space<semaphore_mem>>) {add = true}
    %dma_wait3A_89 = arith.constant 1 : i32
    %dma_wait3A_90 = arith.constant 0 : i32
    %dma_wait3A_91 = tpu.memref_slice %arg8[%dma_wait3A_89, %dma_wait3A_90] : memref<100x100xi32, #tpu.memory_space<vmem>> -> memref<1x100xi32, #tpu.memory_space<vmem>>
    %dma_wait3A_92 = tpu.memref_squeeze %dma_wait3A_91 : memref<1x100xi32, #tpu.memory_space<vmem>> -> memref<100xi32, #tpu.memory_space<vmem>>
    %dma_wait3A_93 = arith.constant 0 : i32
    %dma_wait3A_94 = arith.constant 0 : i32
    %dma_wait3A_95 = tpu.memref_slice %arg14[%dma_wait3A_93, %dma_wait3A_94] : memref<10112x64xf32, #tpu.memory_space<vmem_shared>> -> memref<10112x64xf32, #tpu.memory_space<vmem_shared>>
    tpu.wait_indirect_dma semaphore(%arg20 : memref<!tpu.dma_semaphore, #tpu.memory_space<semaphore_mem>>) src(%arg10 : memref<100x64xf32, #tpu.memory_space<vmem>>) dst(%dma_wait3A_95 : memref<10112x64xf32, #tpu.memory_space<vmem_shared>>)
    %dma_start3A_96 = arith.constant 5 : i32
    %dma_start3A_97 = arith.constant 0 : i32
    %dma_start3A_98 = tpu.memref_slice %arg7[%dma_start3A_96, %dma_start3A_97] : memref<100x100xi32, #tpu.memory_space<vmem>> -> memref<1x100xi32, #tpu.memory_space<vmem>>
    %dma_start3A_99 = tpu.memref_squeeze %dma_start3A_98 : memref<1x100xi32, #tpu.memory_space<vmem>> -> memref<100xi32, #tpu.memory_space<vmem>>
    %dma_start3A_100 = arith.constant 0 : i32
    %dma_start3A_101 = arith.constant 0 : i32
    %dma_start3A_102 = tpu.memref_slice %arg13[%dma_start3A_100, %dma_start3A_101] : memref<10112x64xf32, #tpu.memory_space<vmem_shared>> -> memref<10112x64xf32, #tpu.memory_space<vmem_shared>>
    tpu.enqueue_indirect_dma source(%dma_start3A_102 : memref<10112x64xf32, #tpu.memory_space<vmem_shared>>) target(%arg10 : memref<100x64xf32, #tpu.memory_space<vmem>>) offsets(%dma_start3A_99 : memref<100xi32, #tpu.memory_space<vmem>>) semaphore(%arg16 : memref<!tpu.dma_semaphore, #tpu.memory_space<semaphore_mem>>)
    %dma_wait3A_103 = arith.constant 3 : i32
    %dma_wait3A_104 = arith.constant 0 : i32
    %dma_wait3A_105 = tpu.memref_slice %arg7[%dma_wait3A_103, %dma_wait3A_104] : memref<100x100xi32, #tpu.memory_space<vmem>> -> memref<1x100xi32, #tpu.memory_space<vmem>>
    %dma_wait3A_106 = tpu.memref_squeeze %dma_wait3A_105 : memref<1x100xi32, #tpu.memory_space<vmem>> -> memref<100xi32, #tpu.memory_space<vmem>>
    %dma_wait3A_107 = arith.constant 0 : i32
    %dma_wait3A_108 = arith.constant 0 : i32
    %dma_wait3A_109 = tpu.memref_slice %arg13[%dma_wait3A_107, %dma_wait3A_108] : memref<10112x64xf32, #tpu.memory_space<vmem_shared>> -> memref<10112x64xf32, #tpu.memory_space<vmem_shared>>
    tpu.wait_indirect_dma semaphore(%arg18 : memref<!tpu.dma_semaphore, #tpu.memory_space<semaphore_mem>>) src(%dma_wait3A_109 : memref<10112x64xf32, #tpu.memory_space<vmem_shared>>) dst(%arg12 : memref<100x64xf32, #tpu.memory_space<vmem>>)
    %dma_start3A_110 = arith.constant 3 : i32
    %dma_start3A_111 = arith.constant 0 : i32
    %dma_start3A_112 = tpu.memref_slice %arg8[%dma_start3A_110, %dma_start3A_111] : memref<100x100xi32, #tpu.memory_space<vmem>> -> memref<1x100xi32, #tpu.memory_space<vmem>>
    %dma_start3A_113 = tpu.memref_squeeze %dma_start3A_112 : memref<1x100xi32, #tpu.memory_space<vmem>> -> memref<100xi32, #tpu.memory_space<vmem>>
    %dma_start3A_114 = arith.constant 0 : i32
    %dma_start3A_115 = arith.constant 0 : i32
    %dma_start3A_116 = tpu.memref_slice %arg14[%dma_start3A_114, %dma_start3A_115] : memref<10112x64xf32, #tpu.memory_space<vmem_shared>> -> memref<10112x64xf32, #tpu.memory_space<vmem_shared>>
    tpu.enqueue_indirect_dma source(%arg12 : memref<100x64xf32, #tpu.memory_space<vmem>>) target(%dma_start3A_116 : memref<10112x64xf32, #tpu.memory_space<vmem_shared>>) offsets(%dma_start3A_113 : memref<100xi32, #tpu.memory_space<vmem>>) semaphore(%arg22 : memref<!tpu.dma_semaphore, #tpu.memory_space<semaphore_mem>>) {add = true}
    %dma_wait3A_117 = arith.constant 2 : i32
    %dma_wait3A_118 = arith.constant 0 : i32
    %dma_wait3A_119 = tpu.memref_slice %arg8[%dma_wait3A_117, %dma_wait3A_118] : memref<100x100xi32, #tpu.memory_space<vmem>> -> memref<1x100xi32, #tpu.memory_space<vmem>>
    %dma_wait3A_120 = tpu.memref_squeeze %dma_wait3A_119 : memref<1x100xi32, #tpu.memory_space<vmem>> -> memref<100xi32, #tpu.memory_space<vmem>>
    %dma_wait3A_121 = arith.constant 0 : i32
    %dma_wait3A_122 = arith.constant 0 : i32
    %dma_wait3A_123 = tpu.memref_slice %arg14[%dma_wait3A_121, %dma_wait3A_122] : memref<10112x64xf32, #tpu.memory_space<vmem_shared>> -> memref<10112x64xf32, #tpu.memory_space<vmem_shared>>
    tpu.wait_indirect_dma semaphore(%arg21 : memref<!tpu.dma_semaphore, #tpu.memory_space<semaphore_mem>>) src(%arg11 : memref<100x64xf32, #tpu.memory_space<vmem>>) dst(%dma_wait3A_123 : memref<10112x64xf32, #tpu.memory_space<vmem_shared>>)
    %dma_start3A_124 = arith.constant 6 : i32
    %dma_start3A_125 = arith.constant 0 : i32
    %dma_start3A_126 = tpu.memref_slice %arg7[%dma_start3A_124, %dma_start3A_125] : memref<100x100xi32, #tpu.memory_space<vmem>> -> memref<1x100xi32, #tpu.memory_space<vmem>>
    %dma_start3A_127 = tpu.memref_squeeze %dma_start3A_126 : memref<1x100xi32, #tpu.memory_space<vmem>> -> memref<100xi32, #tpu.memory_space<vmem>>
    %dma_start3A_128 = arith.constant 0 : i32
    %dma_start3A_129 = arith.constant 0 : i32
    %dma_start3A_130 = tpu.memref_slice %arg13[%dma_start3A_128, %dma_start3A_129] : memref<10112x64xf32, #tpu.memory_space<vmem_shared>> -> memref<10112x64xf32, #tpu.memory_space<vmem_shared>>
    tpu.enqueue_indirect_dma source(%dma_start3A_130 : memref<10112x64xf32, #tpu.memory_space<vmem_shared>>) target(%arg11 : memref<100x64xf32, #tpu.memory_space<vmem>>) offsets(%dma_start3A_127 : memref<100xi32, #tpu.memory_space<vmem>>) semaphore(%arg17 : memref<!tpu.dma_semaphore, #tpu.memory_space<semaphore_mem>>)
    %scan3A = arith.constant 0 : i32
    %scan3A_131 = arith.constant 1 : i32
    %scan3A_132 = arith.constant 24 : i32
    %scan3A_133 = arith.addi %scan3A_131, %scan3A_132 : i32
    %scan3A_134 = arith.constant 1 : i32
    scf.for %scan3A_169 = %scan3A_131 to %scan3A_133 step %scan3A_134  : i32 {
      %mul3A_170 = arith.constant 4 : i32
      %mul3A_171 = arith.muli %mul3A_170, %scan3A_169 : i32
      %add3A_172 = arith.constant 0 : i32
      %add3A_173 = arith.addi %mul3A_171, %add3A_172 : i32
      %dma_wait3A_174 = arith.constant 0 : i32
      %dma_wait3A_175 = tpu.memref_slice %arg7[%add3A_173, %dma_wait3A_174] : memref<100x100xi32, #tpu.memory_space<vmem>> -> memref<1x100xi32, #tpu.memory_space<vmem>>
      %dma_wait3A_176 = tpu.memref_squeeze %dma_wait3A_175 : memref<1x100xi32, #tpu.memory_space<vmem>> -> memref<100xi32, #tpu.memory_space<vmem>>
      %dma_wait3A_177 = arith.constant 0 : i32
      %dma_wait3A_178 = arith.constant 0 : i32
      %dma_wait3A_179 = tpu.memref_slice %arg13[%dma_wait3A_177, %dma_wait3A_178] : memref<10112x64xf32, #tpu.memory_space<vmem_shared>> -> memref<10112x64xf32, #tpu.memory_space<vmem_shared>>
      tpu.wait_indirect_dma semaphore(%arg15 : memref<!tpu.dma_semaphore, #tpu.memory_space<semaphore_mem>>) src(%dma_wait3A_179 : memref<10112x64xf32, #tpu.memory_space<vmem_shared>>) dst(%arg9 : memref<100x64xf32, #tpu.memory_space<vmem>>)
      %dma_start3A_180 = arith.constant 0 : i32
      %dma_start3A_181 = tpu.memref_slice %arg8[%add3A_173, %dma_start3A_180] : memref<100x100xi32, #tpu.memory_space<vmem>> -> memref<1x100xi32, #tpu.memory_space<vmem>>
      %dma_start3A_182 = tpu.memref_squeeze %dma_start3A_181 : memref<1x100xi32, #tpu.memory_space<vmem>> -> memref<100xi32, #tpu.memory_space<vmem>>
      %dma_start3A_183 = arith.constant 0 : i32
      %dma_start3A_184 = arith.constant 0 : i32
      %dma_start3A_185 = tpu.memref_slice %arg14[%dma_start3A_183, %dma_start3A_184] : memref<10112x64xf32, #tpu.memory_space<vmem_shared>> -> memref<10112x64xf32, #tpu.memory_space<vmem_shared>>
      tpu.enqueue_indirect_dma source(%arg9 : memref<100x64xf32, #tpu.memory_space<vmem>>) target(%dma_start3A_185 : memref<10112x64xf32, #tpu.memory_space<vmem_shared>>) offsets(%dma_start3A_182 : memref<100xi32, #tpu.memory_space<vmem>>) semaphore(%arg19 : memref<!tpu.dma_semaphore, #tpu.memory_space<semaphore_mem>>) {add = true}
      %add3A_186 = arith.constant 3 : i32
      %add3A_187 = arith.addi %add3A_173, %add3A_186 : i32
      %lt3A = arith.constant 100 : i32
      %lt3A_188 = arith.cmpi slt, %add3A_187, %lt3A : i32
      %convert_element_type3A = arith.extui %lt3A_188 : i1 to i32
      %cond3A = arith.constant 0 : i32
      %cond3A_189 = arith.cmpi ne, %convert_element_type3A, %cond3A : i32
      scf.if %cond3A_189 {
        %sub3A = arith.constant 1 : i32
        %sub3A_259 = arith.subi %add3A_173, %sub3A : i32
        %dma_wait3A_260 = arith.constant 0 : i32
        %dma_wait3A_261 = tpu.memref_slice %arg8[%sub3A_259, %dma_wait3A_260] : memref<100x100xi32, #tpu.memory_space<vmem>> -> memref<1x100xi32, #tpu.memory_space<vmem>>
        %dma_wait3A_262 = tpu.memref_squeeze %dma_wait3A_261 : memref<1x100xi32, #tpu.memory_space<vmem>> -> memref<100xi32, #tpu.memory_space<vmem>>
        %dma_wait3A_263 = arith.constant 0 : i32
        %dma_wait3A_264 = arith.constant 0 : i32
        %dma_wait3A_265 = tpu.memref_slice %arg14[%dma_wait3A_263, %dma_wait3A_264] : memref<10112x64xf32, #tpu.memory_space<vmem_shared>> -> memref<10112x64xf32, #tpu.memory_space<vmem_shared>>
        tpu.wait_indirect_dma semaphore(%arg22 : memref<!tpu.dma_semaphore, #tpu.memory_space<semaphore_mem>>) src(%arg12 : memref<100x64xf32, #tpu.memory_space<vmem>>) dst(%dma_wait3A_265 : memref<10112x64xf32, #tpu.memory_space<vmem_shared>>)
        %add3A_266 = arith.constant 3 : i32
        %add3A_267 = arith.addi %add3A_173, %add3A_266 : i32
        %dma_start3A_268 = arith.constant 0 : i32
        %dma_start3A_269 = tpu.memref_slice %arg7[%add3A_267, %dma_start3A_268] : memref<100x100xi32, #tpu.memory_space<vmem>> -> memref<1x100xi32, #tpu.memory_space<vmem>>
        %dma_start3A_270 = tpu.memref_squeeze %dma_start3A_269 : memref<1x100xi32, #tpu.memory_space<vmem>> -> memref<100xi32, #tpu.memory_space<vmem>>
        %dma_start3A_271 = arith.constant 0 : i32
        %dma_start3A_272 = arith.constant 0 : i32
        %dma_start3A_273 = tpu.memref_slice %arg13[%dma_start3A_271, %dma_start3A_272] : memref<10112x64xf32, #tpu.memory_space<vmem_shared>> -> memref<10112x64xf32, #tpu.memory_space<vmem_shared>>
        tpu.enqueue_indirect_dma source(%dma_start3A_273 : memref<10112x64xf32, #tpu.memory_space<vmem_shared>>) target(%arg12 : memref<100x64xf32, #tpu.memory_space<vmem>>) offsets(%dma_start3A_270 : memref<100xi32, #tpu.memory_space<vmem>>) semaphore(%arg18 : memref<!tpu.dma_semaphore, #tpu.memory_space<semaphore_mem>>)
      } else {
      }
      %mul3A_190 = arith.constant 4 : i32
      %mul3A_191 = arith.muli %mul3A_190, %scan3A_169 : i32
      %add3A_192 = arith.constant 1 : i32
      %add3A_193 = arith.addi %mul3A_191, %add3A_192 : i32
      %dma_wait3A_194 = arith.constant 0 : i32
      %dma_wait3A_195 = tpu.memref_slice %arg7[%add3A_193, %dma_wait3A_194] : memref<100x100xi32, #tpu.memory_space<vmem>> -> memref<1x100xi32, #tpu.memory_space<vmem>>
      %dma_wait3A_196 = tpu.memref_squeeze %dma_wait3A_195 : memref<1x100xi32, #tpu.memory_space<vmem>> -> memref<100xi32, #tpu.memory_space<vmem>>
      %dma_wait3A_197 = arith.constant 0 : i32
      %dma_wait3A_198 = arith.constant 0 : i32
      %dma_wait3A_199 = tpu.memref_slice %arg13[%dma_wait3A_197, %dma_wait3A_198] : memref<10112x64xf32, #tpu.memory_space<vmem_shared>> -> memref<10112x64xf32, #tpu.memory_space<vmem_shared>>
      tpu.wait_indirect_dma semaphore(%arg16 : memref<!tpu.dma_semaphore, #tpu.memory_space<semaphore_mem>>) src(%dma_wait3A_199 : memref<10112x64xf32, #tpu.memory_space<vmem_shared>>) dst(%arg10 : memref<100x64xf32, #tpu.memory_space<vmem>>)
      %dma_start3A_200 = arith.constant 0 : i32
      %dma_start3A_201 = tpu.memref_slice %arg8[%add3A_193, %dma_start3A_200] : memref<100x100xi32, #tpu.memory_space<vmem>> -> memref<1x100xi32, #tpu.memory_space<vmem>>
      %dma_start3A_202 = tpu.memref_squeeze %dma_start3A_201 : memref<1x100xi32, #tpu.memory_space<vmem>> -> memref<100xi32, #tpu.memory_space<vmem>>
      %dma_start3A_203 = arith.constant 0 : i32
      %dma_start3A_204 = arith.constant 0 : i32
      %dma_start3A_205 = tpu.memref_slice %arg14[%dma_start3A_203, %dma_start3A_204] : memref<10112x64xf32, #tpu.memory_space<vmem_shared>> -> memref<10112x64xf32, #tpu.memory_space<vmem_shared>>
      tpu.enqueue_indirect_dma source(%arg10 : memref<100x64xf32, #tpu.memory_space<vmem>>) target(%dma_start3A_205 : memref<10112x64xf32, #tpu.memory_space<vmem_shared>>) offsets(%dma_start3A_202 : memref<100xi32, #tpu.memory_space<vmem>>) semaphore(%arg20 : memref<!tpu.dma_semaphore, #tpu.memory_space<semaphore_mem>>) {add = true}
      %add3A_206 = arith.constant 3 : i32
      %add3A_207 = arith.addi %add3A_193, %add3A_206 : i32
      %lt3A_208 = arith.constant 100 : i32
      %lt3A_209 = arith.cmpi slt, %add3A_207, %lt3A_208 : i32
      %convert_element_type3A_210 = arith.extui %lt3A_209 : i1 to i32
      %cond3A_211 = arith.constant 0 : i32
      %cond3A_212 = arith.cmpi ne, %convert_element_type3A_210, %cond3A_211 : i32
      scf.if %cond3A_212 {
        %sub3A = arith.constant 1 : i32
        %sub3A_259 = arith.subi %add3A_193, %sub3A : i32
        %dma_wait3A_260 = arith.constant 0 : i32
        %dma_wait3A_261 = tpu.memref_slice %arg8[%sub3A_259, %dma_wait3A_260] : memref<100x100xi32, #tpu.memory_space<vmem>> -> memref<1x100xi32, #tpu.memory_space<vmem>>
        %dma_wait3A_262 = tpu.memref_squeeze %dma_wait3A_261 : memref<1x100xi32, #tpu.memory_space<vmem>> -> memref<100xi32, #tpu.memory_space<vmem>>
        %dma_wait3A_263 = arith.constant 0 : i32
        %dma_wait3A_264 = arith.constant 0 : i32
        %dma_wait3A_265 = tpu.memref_slice %arg14[%dma_wait3A_263, %dma_wait3A_264] : memref<10112x64xf32, #tpu.memory_space<vmem_shared>> -> memref<10112x64xf32, #tpu.memory_space<vmem_shared>>
        tpu.wait_indirect_dma semaphore(%arg19 : memref<!tpu.dma_semaphore, #tpu.memory_space<semaphore_mem>>) src(%arg9 : memref<100x64xf32, #tpu.memory_space<vmem>>) dst(%dma_wait3A_265 : memref<10112x64xf32, #tpu.memory_space<vmem_shared>>)
        %add3A_266 = arith.constant 3 : i32
        %add3A_267 = arith.addi %add3A_193, %add3A_266 : i32
        %dma_start3A_268 = arith.constant 0 : i32
        %dma_start3A_269 = tpu.memref_slice %arg7[%add3A_267, %dma_start3A_268] : memref<100x100xi32, #tpu.memory_space<vmem>> -> memref<1x100xi32, #tpu.memory_space<vmem>>
        %dma_start3A_270 = tpu.memref_squeeze %dma_start3A_269 : memref<1x100xi32, #tpu.memory_space<vmem>> -> memref<100xi32, #tpu.memory_space<vmem>>
        %dma_start3A_271 = arith.constant 0 : i32
        %dma_start3A_272 = arith.constant 0 : i32
        %dma_start3A_273 = tpu.memref_slice %arg13[%dma_start3A_271, %dma_start3A_272] : memref<10112x64xf32, #tpu.memory_space<vmem_shared>> -> memref<10112x64xf32, #tpu.memory_space<vmem_shared>>
        tpu.enqueue_indirect_dma source(%dma_start3A_273 : memref<10112x64xf32, #tpu.memory_space<vmem_shared>>) target(%arg9 : memref<100x64xf32, #tpu.memory_space<vmem>>) offsets(%dma_start3A_270 : memref<100xi32, #tpu.memory_space<vmem>>) semaphore(%arg15 : memref<!tpu.dma_semaphore, #tpu.memory_space<semaphore_mem>>)
      } else {
      }
      %mul3A_213 = arith.constant 4 : i32
      %mul3A_214 = arith.muli %mul3A_213, %scan3A_169 : i32
      %add3A_215 = arith.constant 2 : i32
      %add3A_216 = arith.addi %mul3A_214, %add3A_215 : i32
      %dma_wait3A_217 = arith.constant 0 : i32
      %dma_wait3A_218 = tpu.memref_slice %arg7[%add3A_216, %dma_wait3A_217] : memref<100x100xi32, #tpu.memory_space<vmem>> -> memref<1x100xi32, #tpu.memory_space<vmem>>
      %dma_wait3A_219 = tpu.memref_squeeze %dma_wait3A_218 : memref<1x100xi32, #tpu.memory_space<vmem>> -> memref<100xi32, #tpu.memory_space<vmem>>
      %dma_wait3A_220 = arith.constant 0 : i32
      %dma_wait3A_221 = arith.constant 0 : i32
      %dma_wait3A_222 = tpu.memref_slice %arg13[%dma_wait3A_220, %dma_wait3A_221] : memref<10112x64xf32, #tpu.memory_space<vmem_shared>> -> memref<10112x64xf32, #tpu.memory_space<vmem_shared>>
      tpu.wait_indirect_dma semaphore(%arg17 : memref<!tpu.dma_semaphore, #tpu.memory_space<semaphore_mem>>) src(%dma_wait3A_222 : memref<10112x64xf32, #tpu.memory_space<vmem_shared>>) dst(%arg11 : memref<100x64xf32, #tpu.memory_space<vmem>>)
      %dma_start3A_223 = arith.constant 0 : i32
      %dma_start3A_224 = tpu.memref_slice %arg8[%add3A_216, %dma_start3A_223] : memref<100x100xi32, #tpu.memory_space<vmem>> -> memref<1x100xi32, #tpu.memory_space<vmem>>
      %dma_start3A_225 = tpu.memref_squeeze %dma_start3A_224 : memref<1x100xi32, #tpu.memory_space<vmem>> -> memref<100xi32, #tpu.memory_space<vmem>>
      %dma_start3A_226 = arith.constant 0 : i32
      %dma_start3A_227 = arith.constant 0 : i32
      %dma_start3A_228 = tpu.memref_slice %arg14[%dma_start3A_226, %dma_start3A_227] : memref<10112x64xf32, #tpu.memory_space<vmem_shared>> -> memref<10112x64xf32, #tpu.memory_space<vmem_shared>>
      tpu.enqueue_indirect_dma source(%arg11 : memref<100x64xf32, #tpu.memory_space<vmem>>) target(%dma_start3A_228 : memref<10112x64xf32, #tpu.memory_space<vmem_shared>>) offsets(%dma_start3A_225 : memref<100xi32, #tpu.memory_space<vmem>>) semaphore(%arg21 : memref<!tpu.dma_semaphore, #tpu.memory_space<semaphore_mem>>) {add = true}
      %add3A_229 = arith.constant 3 : i32
      %add3A_230 = arith.addi %add3A_216, %add3A_229 : i32
      %lt3A_231 = arith.constant 100 : i32
      %lt3A_232 = arith.cmpi slt, %add3A_230, %lt3A_231 : i32
      %convert_element_type3A_233 = arith.extui %lt3A_232 : i1 to i32
      %cond3A_234 = arith.constant 0 : i32
      %cond3A_235 = arith.cmpi ne, %convert_element_type3A_233, %cond3A_234 : i32
      scf.if %cond3A_235 {
        %sub3A = arith.constant 1 : i32
        %sub3A_259 = arith.subi %add3A_216, %sub3A : i32
        %dma_wait3A_260 = arith.constant 0 : i32
        %dma_wait3A_261 = tpu.memref_slice %arg8[%sub3A_259, %dma_wait3A_260] : memref<100x100xi32, #tpu.memory_space<vmem>> -> memref<1x100xi32, #tpu.memory_space<vmem>>
        %dma_wait3A_262 = tpu.memref_squeeze %dma_wait3A_261 : memref<1x100xi32, #tpu.memory_space<vmem>> -> memref<100xi32, #tpu.memory_space<vmem>>
        %dma_wait3A_263 = arith.constant 0 : i32
        %dma_wait3A_264 = arith.constant 0 : i32
        %dma_wait3A_265 = tpu.memref_slice %arg14[%dma_wait3A_263, %dma_wait3A_264] : memref<10112x64xf32, #tpu.memory_space<vmem_shared>> -> memref<10112x64xf32, #tpu.memory_space<vmem_shared>>
        tpu.wait_indirect_dma semaphore(%arg20 : memref<!tpu.dma_semaphore, #tpu.memory_space<semaphore_mem>>) src(%arg10 : memref<100x64xf32, #tpu.memory_space<vmem>>) dst(%dma_wait3A_265 : memref<10112x64xf32, #tpu.memory_space<vmem_shared>>)
        %add3A_266 = arith.constant 3 : i32
        %add3A_267 = arith.addi %add3A_216, %add3A_266 : i32
        %dma_start3A_268 = arith.constant 0 : i32
        %dma_start3A_269 = tpu.memref_slice %arg7[%add3A_267, %dma_start3A_268] : memref<100x100xi32, #tpu.memory_space<vmem>> -> memref<1x100xi32, #tpu.memory_space<vmem>>
        %dma_start3A_270 = tpu.memref_squeeze %dma_start3A_269 : memref<1x100xi32, #tpu.memory_space<vmem>> -> memref<100xi32, #tpu.memory_space<vmem>>
        %dma_start3A_271 = arith.constant 0 : i32
        %dma_start3A_272 = arith.constant 0 : i32
        %dma_start3A_273 = tpu.memref_slice %arg13[%dma_start3A_271, %dma_start3A_272] : memref<10112x64xf32, #tpu.memory_space<vmem_shared>> -> memref<10112x64xf32, #tpu.memory_space<vmem_shared>>
        tpu.enqueue_indirect_dma source(%dma_start3A_273 : memref<10112x64xf32, #tpu.memory_space<vmem_shared>>) target(%arg10 : memref<100x64xf32, #tpu.memory_space<vmem>>) offsets(%dma_start3A_270 : memref<100xi32, #tpu.memory_space<vmem>>) semaphore(%arg16 : memref<!tpu.dma_semaphore, #tpu.memory_space<semaphore_mem>>)
      } else {
      }
      %mul3A_236 = arith.constant 4 : i32
      %mul3A_237 = arith.muli %mul3A_236, %scan3A_169 : i32
      %add3A_238 = arith.constant 3 : i32
      %add3A_239 = arith.addi %mul3A_237, %add3A_238 : i32
      %dma_wait3A_240 = arith.constant 0 : i32
      %dma_wait3A_241 = tpu.memref_slice %arg7[%add3A_239, %dma_wait3A_240] : memref<100x100xi32, #tpu.memory_space<vmem>> -> memref<1x100xi32, #tpu.memory_space<vmem>>
      %dma_wait3A_242 = tpu.memref_squeeze %dma_wait3A_241 : memref<1x100xi32, #tpu.memory_space<vmem>> -> memref<100xi32, #tpu.memory_space<vmem>>
      %dma_wait3A_243 = arith.constant 0 : i32
      %dma_wait3A_244 = arith.constant 0 : i32
      %dma_wait3A_245 = tpu.memref_slice %arg13[%dma_wait3A_243, %dma_wait3A_244] : memref<10112x64xf32, #tpu.memory_space<vmem_shared>> -> memref<10112x64xf32, #tpu.memory_space<vmem_shared>>
      tpu.wait_indirect_dma semaphore(%arg18 : memref<!tpu.dma_semaphore, #tpu.memory_space<semaphore_mem>>) src(%dma_wait3A_245 : memref<10112x64xf32, #tpu.memory_space<vmem_shared>>) dst(%arg12 : memref<100x64xf32, #tpu.memory_space<vmem>>)
      %dma_start3A_246 = arith.constant 0 : i32
      %dma_start3A_247 = tpu.memref_slice %arg8[%add3A_239, %dma_start3A_246] : memref<100x100xi32, #tpu.memory_space<vmem>> -> memref<1x100xi32, #tpu.memory_space<vmem>>
      %dma_start3A_248 = tpu.memref_squeeze %dma_start3A_247 : memref<1x100xi32, #tpu.memory_space<vmem>> -> memref<100xi32, #tpu.memory_space<vmem>>
      %dma_start3A_249 = arith.constant 0 : i32
      %dma_start3A_250 = arith.constant 0 : i32
      %dma_start3A_251 = tpu.memref_slice %arg14[%dma_start3A_249, %dma_start3A_250] : memref<10112x64xf32, #tpu.memory_space<vmem_shared>> -> memref<10112x64xf32, #tpu.memory_space<vmem_shared>>
      tpu.enqueue_indirect_dma source(%arg12 : memref<100x64xf32, #tpu.memory_space<vmem>>) target(%dma_start3A_251 : memref<10112x64xf32, #tpu.memory_space<vmem_shared>>) offsets(%dma_start3A_248 : memref<100xi32, #tpu.memory_space<vmem>>) semaphore(%arg22 : memref<!tpu.dma_semaphore, #tpu.memory_space<semaphore_mem>>) {add = true}
      %add3A_252 = arith.constant 3 : i32
      %add3A_253 = arith.addi %add3A_239, %add3A_252 : i32
      %lt3A_254 = arith.constant 100 : i32
      %lt3A_255 = arith.cmpi slt, %add3A_253, %lt3A_254 : i32
      %convert_element_type3A_256 = arith.extui %lt3A_255 : i1 to i32
      %cond3A_257 = arith.constant 0 : i32
      %cond3A_258 = arith.cmpi ne, %convert_element_type3A_256, %cond3A_257 : i32
      scf.if %cond3A_258 {
        %sub3A = arith.constant 1 : i32
        %sub3A_259 = arith.subi %add3A_239, %sub3A : i32
        %dma_wait3A_260 = arith.constant 0 : i32
        %dma_wait3A_261 = tpu.memref_slice %arg8[%sub3A_259, %dma_wait3A_260] : memref<100x100xi32, #tpu.memory_space<vmem>> -> memref<1x100xi32, #tpu.memory_space<vmem>>
        %dma_wait3A_262 = tpu.memref_squeeze %dma_wait3A_261 : memref<1x100xi32, #tpu.memory_space<vmem>> -> memref<100xi32, #tpu.memory_space<vmem>>
        %dma_wait3A_263 = arith.constant 0 : i32
        %dma_wait3A_264 = arith.constant 0 : i32
        %dma_wait3A_265 = tpu.memref_slice %arg14[%dma_wait3A_263, %dma_wait3A_264] : memref<10112x64xf32, #tpu.memory_space<vmem_shared>> -> memref<10112x64xf32, #tpu.memory_space<vmem_shared>>
        tpu.wait_indirect_dma semaphore(%arg21 : memref<!tpu.dma_semaphore, #tpu.memory_space<semaphore_mem>>) src(%arg11 : memref<100x64xf32, #tpu.memory_space<vmem>>) dst(%dma_wait3A_265 : memref<10112x64xf32, #tpu.memory_space<vmem_shared>>)
        %add3A_266 = arith.constant 3 : i32
        %add3A_267 = arith.addi %add3A_239, %add3A_266 : i32
        %dma_start3A_268 = arith.constant 0 : i32
        %dma_start3A_269 = tpu.memref_slice %arg7[%add3A_267, %dma_start3A_268] : memref<100x100xi32, #tpu.memory_space<vmem>> -> memref<1x100xi32, #tpu.memory_space<vmem>>
        %dma_start3A_270 = tpu.memref_squeeze %dma_start3A_269 : memref<1x100xi32, #tpu.memory_space<vmem>> -> memref<100xi32, #tpu.memory_space<vmem>>
        %dma_start3A_271 = arith.constant 0 : i32
        %dma_start3A_272 = arith.constant 0 : i32
        %dma_start3A_273 = tpu.memref_slice %arg13[%dma_start3A_271, %dma_start3A_272] : memref<10112x64xf32, #tpu.memory_space<vmem_shared>> -> memref<10112x64xf32, #tpu.memory_space<vmem_shared>>
        tpu.enqueue_indirect_dma source(%dma_start3A_273 : memref<10112x64xf32, #tpu.memory_space<vmem_shared>>) target(%arg11 : memref<100x64xf32, #tpu.memory_space<vmem>>) offsets(%dma_start3A_270 : memref<100xi32, #tpu.memory_space<vmem>>) semaphore(%arg17 : memref<!tpu.dma_semaphore, #tpu.memory_space<semaphore_mem>>)
      } else {
      }
    }
    %scan3A_135 = arith.constant 24 : i32
    %dma_wait3A_136 = arith.constant 0 : i32
    %dma_wait3A_137 = arith.constant 0 : i32
    %dma_wait3A_138 = tpu.memref_slice %arg8[%dma_wait3A_136, %dma_wait3A_137] : memref<100x100xi32, #tpu.memory_space<vmem>> -> memref<1x100xi32, #tpu.memory_space<vmem>>
    %dma_wait3A_139 = tpu.memref_squeeze %dma_wait3A_138 : memref<1x100xi32, #tpu.memory_space<vmem>> -> memref<100xi32, #tpu.memory_space<vmem>>
    %dma_wait3A_140 = arith.constant 0 : i32
    %dma_wait3A_141 = arith.constant 0 : i32
    %dma_wait3A_142 = tpu.memref_slice %arg14[%dma_wait3A_140, %dma_wait3A_141] : memref<10112x64xf32, #tpu.memory_space<vmem_shared>> -> memref<10112x64xf32, #tpu.memory_space<vmem_shared>>
    tpu.wait_indirect_dma semaphore(%arg19 : memref<!tpu.dma_semaphore, #tpu.memory_space<semaphore_mem>>) src(%arg9 : memref<100x64xf32, #tpu.memory_space<vmem>>) dst(%dma_wait3A_142 : memref<10112x64xf32, #tpu.memory_space<vmem_shared>>)
    %dma_wait3A_143 = arith.constant 0 : i32
    %dma_wait3A_144 = arith.constant 0 : i32
    %dma_wait3A_145 = tpu.memref_slice %arg8[%dma_wait3A_143, %dma_wait3A_144] : memref<100x100xi32, #tpu.memory_space<vmem>> -> memref<1x100xi32, #tpu.memory_space<vmem>>
    %dma_wait3A_146 = tpu.memref_squeeze %dma_wait3A_145 : memref<1x100xi32, #tpu.memory_space<vmem>> -> memref<100xi32, #tpu.memory_space<vmem>>
    %dma_wait3A_147 = arith.constant 0 : i32
    %dma_wait3A_148 = arith.constant 0 : i32
    %dma_wait3A_149 = tpu.memref_slice %arg14[%dma_wait3A_147, %dma_wait3A_148] : memref<10112x64xf32, #tpu.memory_space<vmem_shared>> -> memref<10112x64xf32, #tpu.memory_space<vmem_shared>>
    tpu.wait_indirect_dma semaphore(%arg20 : memref<!tpu.dma_semaphore, #tpu.memory_space<semaphore_mem>>) src(%arg10 : memref<100x64xf32, #tpu.memory_space<vmem>>) dst(%dma_wait3A_149 : memref<10112x64xf32, #tpu.memory_space<vmem_shared>>)
    %dma_wait3A_150 = arith.constant 0 : i32
    %dma_wait3A_151 = arith.constant 0 : i32
    %dma_wait3A_152 = tpu.memref_slice %arg8[%dma_wait3A_150, %dma_wait3A_151] : memref<100x100xi32, #tpu.memory_space<vmem>> -> memref<1x100xi32, #tpu.memory_space<vmem>>
    %dma_wait3A_153 = tpu.memref_squeeze %dma_wait3A_152 : memref<1x100xi32, #tpu.memory_space<vmem>> -> memref<100xi32, #tpu.memory_space<vmem>>
    %dma_wait3A_154 = arith.constant 0 : i32
    %dma_wait3A_155 = arith.constant 0 : i32
    %dma_wait3A_156 = tpu.memref_slice %arg14[%dma_wait3A_154, %dma_wait3A_155] : memref<10112x64xf32, #tpu.memory_space<vmem_shared>> -> memref<10112x64xf32, #tpu.memory_space<vmem_shared>>
    tpu.wait_indirect_dma semaphore(%arg21 : memref<!tpu.dma_semaphore, #tpu.memory_space<semaphore_mem>>) src(%arg11 : memref<100x64xf32, #tpu.memory_space<vmem>>) dst(%dma_wait3A_156 : memref<10112x64xf32, #tpu.memory_space<vmem_shared>>)
    %dma_wait3A_157 = arith.constant 0 : i32
    %dma_wait3A_158 = arith.constant 0 : i32
    %dma_wait3A_159 = tpu.memref_slice %arg8[%dma_wait3A_157, %dma_wait3A_158] : memref<100x100xi32, #tpu.memory_space<vmem>> -> memref<1x100xi32, #tpu.memory_space<vmem>>
    %dma_wait3A_160 = tpu.memref_squeeze %dma_wait3A_159 : memref<1x100xi32, #tpu.memory_space<vmem>> -> memref<100xi32, #tpu.memory_space<vmem>>
    %dma_wait3A_161 = arith.constant 0 : i32
    %dma_wait3A_162 = arith.constant 0 : i32
    %dma_wait3A_163 = tpu.memref_slice %arg14[%dma_wait3A_161, %dma_wait3A_162] : memref<10112x64xf32, #tpu.memory_space<vmem_shared>> -> memref<10112x64xf32, #tpu.memory_space<vmem_shared>>
    tpu.wait_indirect_dma semaphore(%arg22 : memref<!tpu.dma_semaphore, #tpu.memory_space<semaphore_mem>>) src(%arg12 : memref<100x64xf32, #tpu.memory_space<vmem>>) dst(%dma_wait3A_163 : memref<10112x64xf32, #tpu.memory_space<vmem_shared>>)
    %barrier3A_164 = arith.constant 0 : index
    tpu.barrier barrier_id(%barrier3A_164)
    %mul3A_165 = arith.constant 632 : i32
    %mul3A_166 = arith.muli %arg1, %mul3A_165 : i32
    %mul3A_167 = arith.constant 632 : i32
    %mul3A_168 = arith.muli %arg1, %mul3A_167 : i32
    "tpu.region"() ({
      %run_scoped3A = tpu.sem_alloc : memref<!tpu.dma_semaphore, #tpu.memory_space<semaphore_mem>>
      %dma_start3A_169 = arith.constant 0 : i32
      %dma_start3A_170 = tpu.memref_slice %arg6[%arg0, %mul3A_168, %dma_start3A_169] : memref<2x10112x64xf32, #tpu.memory_space<hbm>> -> memref<1x632x64xf32, #tpu.memory_space<hbm>>
      %dma_start3A_171 = tpu.memref_squeeze %dma_start3A_170 : memref<1x632x64xf32, #tpu.memory_space<hbm>> -> memref<632x64xf32, #tpu.memory_space<hbm>>
      %dma_start3A_172 = arith.constant 0 : i32
      %dma_start3A_173 = tpu.memref_slice %arg14[%mul3A_166, %dma_start3A_172] : memref<10112x64xf32, #tpu.memory_space<vmem_shared>> -> memref<632x64xf32, #tpu.memory_space<vmem_shared>>
      tpu.enqueue_dma source(%dma_start3A_173 : memref<632x64xf32, #tpu.memory_space<vmem_shared>>) target(%dma_start3A_171 : memref<632x64xf32, #tpu.memory_space<hbm>>) target_semaphore(%run_scoped3A : memref<!tpu.dma_semaphore, #tpu.memory_space<semaphore_mem>>)
      %dma_wait3A_174 = arith.constant 0 : i32
      %dma_wait3A_175 = tpu.memref_slice %arg6[%arg0, %mul3A_168, %dma_wait3A_174] : memref<2x10112x64xf32, #tpu.memory_space<hbm>> -> memref<1x632x64xf32, #tpu.memory_space<hbm>>
      %dma_wait3A_176 = tpu.memref_squeeze %dma_wait3A_175 : memref<1x632x64xf32, #tpu.memory_space<hbm>> -> memref<632x64xf32, #tpu.memory_space<hbm>>
      %dma_wait3A_177 = arith.constant 0 : i32
      %dma_wait3A_178 = tpu.memref_slice %arg14[%mul3A_166, %dma_wait3A_177] : memref<10112x64xf32, #tpu.memory_space<vmem_shared>> -> memref<632x64xf32, #tpu.memory_space<vmem_shared>>
      tpu.wait_dma2 semaphore(%run_scoped3A : memref<!tpu.dma_semaphore, #tpu.memory_space<semaphore_mem>>) src(%dma_wait3A_178 : memref<632x64xf32, #tpu.memory_space<vmem_shared>>) dst(%dma_wait3A_176 : memref<632x64xf32, #tpu.memory_space<hbm>>)
      tpu.yield
    }) : () -> ()
    return
  }
}

module attributes {stable_mosaic.version = 14 : i64} {
  func.func @body(%arg0: i32, %arg1: memref<400x128xf32, #tpu.memory_space<vmem>>, %arg2: memref<128x128xf32, #tpu.memory_space<vmem>>, %arg3: memref<400x1xf32, #tpu.memory_space<vmem>>, %arg4: memref<400x64xf32, #tpu.memory_space<vmem>>, %arg5: memref<400x64xf32, #tpu.memory_space<vmem>>) attributes {dimension_semantics = [#tpu.dimension_semantics<arbitrary>], iteration_bounds = array<i64: 25>, scalar_prefetch = 0 : i64, scratch_operands = 0 : i64, tpu.core_type = #tpu.core_type<tc>, window_params = [{transform_indices = @transform_0, window_bounds = array<i64: 400, 128>}, {pipeline_mode = #tpu.pipeline_mode<synchronous>, transform_indices = @transform_1, window_bounds = array<i64: 128, 128>}, {transform_indices = @transform_2, window_bounds = array<i64: 400, 1>}, {transform_indices = @transform_3, window_bounds = array<i64: 400, 64>}, {transform_indices = @transform_4, window_bounds = array<i64: 400, 64>}]} {
    %get3A = arith.constant 0 : index
    %get3A_0 = arith.constant 0 : index
    %get3A_1 = vector.load %arg1[%get3A, %get3A_0] : memref<400x128xf32, #tpu.memory_space<vmem>>, vector<400x128xf32>
    %get3A_2 = arith.constant 0 : index
    %get3A_3 = arith.constant 0 : index
    %get3A_4 = vector.load %arg2[%get3A_2, %get3A_3] : memref<128x128xf32, #tpu.memory_space<vmem>>, vector<128x128xf32>
    %dot_general3A = arith.constant dense<0.000000e+00> : vector<400x128xf32>
    %dot_general3A_5 = tpu.matmul %get3A_1, %get3A_4, %dot_general3A {dimension_numbers = #tpu.dot_dimension_numbers<[1], [0], [0], [1], [0, 0, 1, 1], [], []>, transpose_lhs_hint = false} : vector<400x128xf32>, vector<128x128xf32>, vector<400x128xf32> -> vector<400x128xf32>
    %get3A_6 = arith.constant 0 : index
    %get3A_7 = arith.constant 0 : index
    %get3A_8 = vector.load %arg3[%get3A_6, %get3A_7] : memref<400x1xf32, #tpu.memory_space<vmem>>, vector<400x1xf32>
    %mul3A = vector.broadcast %get3A_8 : vector<400x1xf32> to vector<400x128xf32>
    %mul3A_9 = arith.mulf %dot_general3A_5, %mul3A : vector<400x128xf32>
    %slice3A = vector.extract_strided_slice %mul3A_9 {offsets = [0, 0], sizes = [400, 64], strides = [1, 1]} : vector<400x128xf32> to vector<400x64xf32>
    %swap3A = arith.constant 0 : index
    %swap3A_10 = arith.constant 0 : index
    %swap3A_11 = vector.load %arg4[%swap3A, %swap3A_10] : memref<400x64xf32, #tpu.memory_space<vmem>>, vector<400x64xf32>
    tpu.vector_store %arg4[%swap3A, %swap3A_10], %slice3A {strides = array<i32>} : memref<400x64xf32, #tpu.memory_space<vmem>>, vector<400x64xf32>,
    %slice3A_12 = vector.extract_strided_slice %mul3A_9 {offsets = [0, 64], sizes = [400, 64], strides = [1, 1]} : vector<400x128xf32> to vector<400x64xf32>
    %swap3A_13 = arith.constant 0 : index
    %swap3A_14 = arith.constant 0 : index
    %swap3A_15 = vector.load %arg5[%swap3A_13, %swap3A_14] : memref<400x64xf32, #tpu.memory_space<vmem>>, vector<400x64xf32>
    tpu.vector_store %arg5[%swap3A_13, %swap3A_14], %slice3A_12 {strides = array<i32>} : memref<400x64xf32, #tpu.memory_space<vmem>>, vector<400x64xf32>,
    return
  }
  func.func @transform_0(%arg0: i32) -> (i32, i32) {
    %c0_i32 = arith.constant 0 : i32
    %c0_i32_0 = arith.constant 0 : i32
    return %arg0, %c0_i32 : i32, i32
  }
  func.func @transform_1(%arg0: i32) -> (i32, i32) {
    %c0_i32 = arith.constant 0 : i32
    %c0_i32_0 = arith.constant 0 : i32
    %c0_i32_1 = arith.constant 0 : i32
    return %c0_i32, %c0_i32_0 : i32, i32
  }
  func.func @transform_2(%arg0: i32) -> (i32, i32) {
    %c0_i32 = arith.constant 0 : i32
    %c0_i32_0 = arith.constant 0 : i32
    return %arg0, %c0_i32 : i32, i32
  }
  func.func @transform_3(%arg0: i32) -> (i32, i32) {
    %c0_i32 = arith.constant 0 : i32
    %c0_i32_0 = arith.constant 0 : i32
    return %arg0, %c0_i32 : i32, i32
  }
  func.func @transform_4(%arg0: i32) -> (i32, i32) {
    %c0_i32 = arith.constant 0 : i32
    %c0_i32_0 = arith.constant 0 : i32
    return %arg0, %c0_i32 : i32, i32
  }
}

module attributes {stable_mosaic.version = 14 : i64} {
  func.func @body(%arg0: i32, %arg1: memref<2x400x64xf32, #tpu.memory_space<vmem>>, %arg2: memref<2x400x64xf32, #tpu.memory_space<vmem>>, %arg3: memref<400x64xf32, #tpu.memory_space<vmem>>, %arg4: memref<400x64xf32, #tpu.memory_space<vmem>>, %arg5: memref<400x1xf32, #tpu.memory_space<vmem>>, %arg6: memref<1x128xf32, #tpu.memory_space<vmem>>, %arg7: memref<128x64xf32, #tpu.memory_space<vmem>>, %arg8: memref<400x64xf32, #tpu.memory_space<vmem>>) attributes {dimension_semantics = [#tpu.dimension_semantics<arbitrary>], iteration_bounds = array<i64: 25>, scalar_prefetch = 0 : i64, scratch_operands = 0 : i64, tpu.core_type = #tpu.core_type<tc>, window_params = [{transform_indices = @transform_0, window_bounds = array<i64: 2, 400, 64>}, {transform_indices = @transform_1, window_bounds = array<i64: 2, 400, 64>}, {transform_indices = @transform_2, window_bounds = array<i64: 400, 64>}, {transform_indices = @transform_3, window_bounds = array<i64: 400, 64>}, {transform_indices = @transform_4, window_bounds = array<i64: 400, 1>}, {pipeline_mode = #tpu.pipeline_mode<synchronous>, transform_indices = @transform_5, window_bounds = array<i64: 1, 128>}, {pipeline_mode = #tpu.pipeline_mode<synchronous>, transform_indices = @transform_6, window_bounds = array<i64: 128, 64>}, {transform_indices = @transform_7, window_bounds = array<i64: 400, 64>}]} {
    %get3A = arith.constant 0 : index
    %get3A_0 = arith.constant 0 : index
    %get3A_1 = vector.load %arg5[%get3A, %get3A_0] : memref<400x1xf32, #tpu.memory_space<vmem>>, vector<400x1xf32>
    %get3A_2 = arith.constant 0 : index
    %get3A_3 = arith.constant 0 : index
    %get3A_4 = arith.constant 0 : index
    %get3A_5 = vector.load %arg1[%get3A_2, %get3A_3, %get3A_4] : memref<2x400x64xf32, #tpu.memory_space<vmem>>, vector<1x400x64xf32>
    %get3A_6 = vector.shape_cast %get3A_5 : vector<1x400x64xf32> to vector<400x64xf32>
    %get3A_7 = arith.constant 1 : index
    %get3A_8 = arith.constant 0 : index
    %get3A_9 = arith.constant 0 : index
    %get3A_10 = vector.load %arg1[%get3A_7, %get3A_8, %get3A_9] : memref<2x400x64xf32, #tpu.memory_space<vmem>>, vector<1x400x64xf32>
    %get3A_11 = vector.shape_cast %get3A_10 : vector<1x400x64xf32> to vector<400x64xf32>
    %add3A = arith.addf %get3A_6, %get3A_11 : vector<400x64xf32>
    %get3A_12 = arith.constant 0 : index
    %get3A_13 = arith.constant 0 : index
    %get3A_14 = vector.load %arg3[%get3A_12, %get3A_13] : memref<400x64xf32, #tpu.memory_space<vmem>>, vector<400x64xf32>
    %add3A_15 = arith.addf %add3A, %get3A_14 : vector<400x64xf32>
    %mul3A = vector.broadcast %get3A_1 : vector<400x1xf32> to vector<400x64xf32>
    %mul3A_16 = arith.mulf %add3A_15, %mul3A : vector<400x64xf32>
    %get3A_17 = arith.constant 0 : index
    %get3A_18 = arith.constant 0 : index
    %get3A_19 = vector.load %arg6[%get3A_17, %get3A_18] : memref<1x128xf32, #tpu.memory_space<vmem>>, vector<1x64xf32>
    %add3A_20 = vector.broadcast %get3A_19 : vector<1x64xf32> to vector<400x64xf32>
    %add3A_21 = arith.addf %mul3A_16, %add3A_20 : vector<400x64xf32>
    %get3A_22 = arith.constant 0 : index
    %get3A_23 = arith.constant 0 : index
    %get3A_24 = arith.constant 0 : index
    %get3A_25 = vector.load %arg2[%get3A_22, %get3A_23, %get3A_24] : memref<2x400x64xf32, #tpu.memory_space<vmem>>, vector<1x400x64xf32>
    %get3A_26 = vector.shape_cast %get3A_25 : vector<1x400x64xf32> to vector<400x64xf32>
    %get3A_27 = arith.constant 1 : index
    %get3A_28 = arith.constant 0 : index
    %get3A_29 = arith.constant 0 : index
    %get3A_30 = vector.load %arg2[%get3A_27, %get3A_28, %get3A_29] : memref<2x400x64xf32, #tpu.memory_space<vmem>>, vector<1x400x64xf32>
    %get3A_31 = vector.shape_cast %get3A_30 : vector<1x400x64xf32> to vector<400x64xf32>
    %add3A_32 = arith.addf %get3A_26, %get3A_31 : vector<400x64xf32>
    %get3A_33 = arith.constant 0 : index
    %get3A_34 = arith.constant 0 : index
    %get3A_35 = vector.load %arg4[%get3A_33, %get3A_34] : memref<400x64xf32, #tpu.memory_space<vmem>>, vector<400x64xf32>
    %add3A_36 = arith.addf %add3A_32, %get3A_35 : vector<400x64xf32>
    %mul3A_37 = vector.broadcast %get3A_1 : vector<400x1xf32> to vector<400x64xf32>
    %mul3A_38 = arith.mulf %add3A_36, %mul3A_37 : vector<400x64xf32>
    %get3A_39 = arith.constant 0 : index
    %get3A_40 = arith.constant 64 : index
    %get3A_41 = vector.load %arg6[%get3A_39, %get3A_40] : memref<1x128xf32, #tpu.memory_space<vmem>>, vector<1x64xf32>
    %add3A_42 = vector.broadcast %get3A_41 : vector<1x64xf32> to vector<400x64xf32>
    %add3A_43 = arith.addf %mul3A_38, %add3A_42 : vector<400x64xf32>
    %concatenate3A = tpu.concatenate %add3A_21, %add3A_43 in 1 : vector<400x64xf32>, vector<400x64xf32> -> vector<400x128xf32>
    %max3A = arith.constant 0.000000e+00 : f32
    %max3A_44 = vector.broadcast %max3A : f32 to vector<400x128xf32>
    %max3A_45 = arith.maximumf %concatenate3A, %max3A_44 : vector<400x128xf32>
    %get3A_46 = arith.constant 0 : index
    %get3A_47 = arith.constant 0 : index
    %get3A_48 = vector.load %arg7[%get3A_46, %get3A_47] : memref<128x64xf32, #tpu.memory_space<vmem>>, vector<128x64xf32>
    %dot_general3A = arith.constant dense<0.000000e+00> : vector<400x64xf32>
    %dot_general3A_49 = tpu.matmul %max3A_45, %get3A_48, %dot_general3A {dimension_numbers = #tpu.dot_dimension_numbers<[1], [0], [0], [1], [0, 0, 1, 1], [], []>, transpose_lhs_hint = false} : vector<400x128xf32>, vector<128x64xf32>, vector<400x64xf32> -> vector<400x64xf32>
    %mul3A_50 = vector.broadcast %get3A_1 : vector<400x1xf32> to vector<400x64xf32>
    %mul3A_51 = arith.mulf %dot_general3A_49, %mul3A_50 : vector<400x64xf32>
    %swap3A = arith.constant 0 : index
    %swap3A_52 = arith.constant 0 : index
    %swap3A_53 = vector.load %arg8[%swap3A, %swap3A_52] : memref<400x64xf32, #tpu.memory_space<vmem>>, vector<400x64xf32>
    tpu.vector_store %arg8[%swap3A, %swap3A_52], %mul3A_51 {strides = array<i32>} : memref<400x64xf32, #tpu.memory_space<vmem>>, vector<400x64xf32>,
    return
  }
  func.func @transform_0(%arg0: i32) -> (i32, i32, i32) {
    %c0_i32 = arith.constant 0 : i32
    %c0_i32_0 = arith.constant 0 : i32
    %c0_i32_1 = arith.constant 0 : i32
    return %c0_i32, %arg0, %c0_i32_0 : i32, i32, i32
  }
  func.func @transform_1(%arg0: i32) -> (i32, i32, i32) {
    %c0_i32 = arith.constant 0 : i32
    %c0_i32_0 = arith.constant 0 : i32
    %c0_i32_1 = arith.constant 0 : i32
    return %c0_i32, %arg0, %c0_i32_0 : i32, i32, i32
  }
  func.func @transform_2(%arg0: i32) -> (i32, i32) {
    %c0_i32 = arith.constant 0 : i32
    %c0_i32_0 = arith.constant 0 : i32
    return %arg0, %c0_i32 : i32, i32
  }
  func.func @transform_3(%arg0: i32) -> (i32, i32) {
    %c0_i32 = arith.constant 0 : i32
    %c0_i32_0 = arith.constant 0 : i32
    return %arg0, %c0_i32 : i32, i32
  }
  func.func @transform_4(%arg0: i32) -> (i32, i32) {
    %c0_i32 = arith.constant 0 : i32
    %c0_i32_0 = arith.constant 0 : i32
    return %arg0, %c0_i32 : i32, i32
  }
  func.func @transform_5(%arg0: i32) -> (i32, i32) {
    %c0_i32 = arith.constant 0 : i32
    %c0_i32_0 = arith.constant 0 : i32
    %c0_i32_1 = arith.constant 0 : i32
    return %c0_i32, %c0_i32_0 : i32, i32
  }
  func.func @transform_6(%arg0: i32) -> (i32, i32) {
    %c0_i32 = arith.constant 0 : i32
    %c0_i32_0 = arith.constant 0 : i32
    %c0_i32_1 = arith.constant 0 : i32
    return %c0_i32, %c0_i32_0 : i32, i32
  }
  func.func @transform_7(%arg0: i32) -> (i32, i32) {
    %c0_i32 = arith.constant 0 : i32
    %c0_i32_0 = arith.constant 0 : i32
    return %arg0, %c0_i32 : i32, i32
  }
}

module attributes {stable_mosaic.version = 14 : i64} {
  func.func @body(%arg0: i32, %arg1: memref<2x400x64xf32, #tpu.memory_space<vmem>>, %arg2: memref<400x64xf32, #tpu.memory_space<vmem>>, %arg3: memref<400x1xf32, #tpu.memory_space<vmem>>, %arg4: memref<1x64xf32, #tpu.memory_space<vmem>>, %arg5: memref<400x64xf32, #tpu.memory_space<vmem>>) attributes {dimension_semantics = [#tpu.dimension_semantics<arbitrary>], iteration_bounds = array<i64: 25>, scalar_prefetch = 0 : i64, scratch_operands = 0 : i64, tpu.core_type = #tpu.core_type<tc>, window_params = [{transform_indices = @transform_0, window_bounds = array<i64: 2, 400, 64>}, {transform_indices = @transform_1, window_bounds = array<i64: 400, 64>}, {transform_indices = @transform_2, window_bounds = array<i64: 400, 1>}, {pipeline_mode = #tpu.pipeline_mode<synchronous>, transform_indices = @transform_3, window_bounds = array<i64: 1, 64>}, {transform_indices = @transform_4, window_bounds = array<i64: 400, 64>}]} {
    %get3A = arith.constant 0 : index
    %get3A_0 = arith.constant 0 : index
    %get3A_1 = arith.constant 0 : index
    %get3A_2 = vector.load %arg1[%get3A, %get3A_0, %get3A_1] : memref<2x400x64xf32, #tpu.memory_space<vmem>>, vector<1x400x64xf32>
    %get3A_3 = vector.shape_cast %get3A_2 : vector<1x400x64xf32> to vector<400x64xf32>
    %get3A_4 = arith.constant 1 : index
    %get3A_5 = arith.constant 0 : index
    %get3A_6 = arith.constant 0 : index
    %get3A_7 = vector.load %arg1[%get3A_4, %get3A_5, %get3A_6] : memref<2x400x64xf32, #tpu.memory_space<vmem>>, vector<1x400x64xf32>
    %get3A_8 = vector.shape_cast %get3A_7 : vector<1x400x64xf32> to vector<400x64xf32>
    %add3A = arith.addf %get3A_3, %get3A_8 : vector<400x64xf32>
    %get3A_9 = arith.constant 0 : index
    %get3A_10 = arith.constant 0 : index
    %get3A_11 = vector.load %arg2[%get3A_9, %get3A_10] : memref<400x64xf32, #tpu.memory_space<vmem>>, vector<400x64xf32>
    %add3A_12 = arith.addf %add3A, %get3A_11 : vector<400x64xf32>
    %get3A_13 = arith.constant 0 : index
    %get3A_14 = arith.constant 0 : index
    %get3A_15 = vector.load %arg3[%get3A_13, %get3A_14] : memref<400x1xf32, #tpu.memory_space<vmem>>, vector<400x1xf32>
    %mul3A = vector.broadcast %get3A_15 : vector<400x1xf32> to vector<400x64xf32>
    %mul3A_16 = arith.mulf %add3A_12, %mul3A : vector<400x64xf32>
    %get3A_17 = arith.constant 0 : index
    %get3A_18 = arith.constant 0 : index
    %get3A_19 = vector.load %arg4[%get3A_17, %get3A_18] : memref<1x64xf32, #tpu.memory_space<vmem>>, vector<1x64xf32>
    %add3A_20 = vector.broadcast %get3A_19 : vector<1x64xf32> to vector<400x64xf32>
    %add3A_21 = arith.addf %mul3A_16, %add3A_20 : vector<400x64xf32>
    %swap3A = arith.constant 0 : index
    %swap3A_22 = arith.constant 0 : index
    %swap3A_23 = vector.load %arg5[%swap3A, %swap3A_22] : memref<400x64xf32, #tpu.memory_space<vmem>>, vector<400x64xf32>
    tpu.vector_store %arg5[%swap3A, %swap3A_22], %add3A_21 {strides = array<i32>} : memref<400x64xf32, #tpu.memory_space<vmem>>, vector<400x64xf32>,
    return
  }
  func.func @transform_0(%arg0: i32) -> (i32, i32, i32) {
    %c0_i32 = arith.constant 0 : i32
    %c0_i32_0 = arith.constant 0 : i32
    %c0_i32_1 = arith.constant 0 : i32
    return %c0_i32, %arg0, %c0_i32_0 : i32, i32, i32
  }
  func.func @transform_1(%arg0: i32) -> (i32, i32) {
    %c0_i32 = arith.constant 0 : i32
    %c0_i32_0 = arith.constant 0 : i32
    return %arg0, %c0_i32 : i32, i32
  }
  func.func @transform_2(%arg0: i32) -> (i32, i32) {
    %c0_i32 = arith.constant 0 : i32
    %c0_i32_0 = arith.constant 0 : i32
    return %arg0, %c0_i32 : i32, i32
  }
  func.func @transform_3(%arg0: i32) -> (i32, i32) {
    %c0_i32 = arith.constant 0 : i32
    %c0_i32_0 = arith.constant 0 : i32
    %c0_i32_1 = arith.constant 0 : i32
    return %c0_i32, %c0_i32_0 : i32, i32
  }
  func.func @transform_4(%arg0: i32) -> (i32, i32) {
    %c0_i32 = arith.constant 0 : i32
    %c0_i32_0 = arith.constant 0 : i32
    return %arg0, %c0_i32 : i32, i32
  }
}

</mosaic_0001>

<sc_bundles>
// kernel: kernel.11.cloned.1.call-start
scs
__scs_entry_jumppad:
0x0: {  	(pc) =	sbr.rel $0x88, $3  }
0x1: {  	(tag) =	ssettag $0x0;
	lr =	simm.s32 $0x1  }
0x2: {  	[smem:$0x3F9B] =	sst lr;
	_ =	strace $0xD0000000  }
0x3: {  	_ = 	snop  }
0x4: {  	_ = 	snop  }
0x5: {  	_ = 	snop  }
0x6: {  	_ = 	snop  }
0x7: {  	_ = 	snop  }
__scs_overlays_trampoline_lowered:
0x8: {  	[smem:$0x3FAA] =	sst s0  }
0x9: {  	[smem:$0x3FAB] =	sst s1  }
0xa: {  	[smem:$0x3FAC] =	sst s2  }
0xb: {  	[smem:$0x3FAD] =	sst s3  }
0xc: {  	[smem:$0x3FAE] =	sst s4  }
0xd: {  	[smem:$0x3FAF] =	sst s5  }
0xe: {  	[smem:$0x3FB0] =	sst s6  }
0xf: {  	[smem:$0x3FB1] =	sst s7  }
0x10: {  	[smem:$0x3FB2] =	sst s8  }
0x11: {  	[smem:$0x3FB3] =	sst s9;
	s0 =	simm.s32 @!p0 $0x0  }
0x12: {  	s1 =	sld [smem:$0x3F99];
	s0 =	simm.s32 @p0 $0x1  }
0x13: {  	[smem:$0x3FB4] =	sst s0;
	s0 =	simm.s32 @!p1 $0x0  }
0x14: {  	s2 =	sld [smem:$0x3F98];
	s0 =	simm.s32 @p1 $0x1  }
0x15: {  	[smem:$0x3FB5] =	sst s0;
	s0 =	simm.s32 @!p2 $0x0  }
0x16: {  	s3 =	sld [smem:$0x3FDB];
	s0 =	simm.s32 @p2 $0x1  }
0x17: {  	s4 =	simm.s32 $0x1BF5;
	[smem:$0x3FB7] =	sst s0  }
0x18: {  	s0 =	sld [smem:$0x3F9A];
	_ =	swait.ge [sflag:s4], $0x0  }
0x19: {  	s7 =	sld [smem:$0x3F9B]  }
0x1a: {  	s8 =	sadd.s32 $0xFFFFE003, lr  }
0x1b: {  	s9 =	sadd.s32 $0xFFFFFEF7, lr;
	s5 =	simm.s32 $0xFFFFFFFF;
	p2 =	slt.u32 s8, $0xFFFFF086  }
0x1c: {  	p1 =	slt.u32 s9, $0xF7A;
	s5 =	simm.s32 @!p2 $0x0  }
0x1d: {  	s5 =	simm.s32 @p1 $0x1;
	p0 =	seq.s32 s7, s2  }
0x1e: {  	s7 =	smul.u32 @!p0 $0xF7A, s2;
	p2 =	seq.s32 @!p0 s5, $0x0  }
0x1f: {  	s9 =	smul.u32 $0xF7A, s1;
	s8 =	simm.s32 @!p0 $0x1BF5;
	p2 =	por !p2, p0  }
0x20: {  	[sflag:s8] =	ssyncset.s32 @!p0 $0xFFFFF086;
	s6 =	sadd.s32 @!p0 s3, s7;
	s7 =	simm.s32 @!p0 $0x108  }
0x21: {  	s3 =	sadd.s32 s3, s9;
	s6 =	sadd.s32 @!p0 $0x88, s6;
	s7 =	simm.s32 @p2 $0x1082  }
0x22: {  	[simem:s7], [sflag:s8] =	dma.local @!p0 [hbm:s6], $0xF7A  }
0x23: {  	s9 =	sor.u32 $0xD0000000, s2;
	s6 =	simm.s32 $0x108;
	_ =	swait.ge @!p0 [sflag:s8], $0x0  }
0x24: {  	s3 =	sadd.s32 $0x88, s3;
	s6 =	simm.s32 @!p1 $0x1082;
	[sflag:s4] =	ssyncset.s32 $0xFFFFF086  }
0x25: {  	[simem:s6], [sflag:s4] =	dma.local [hbm:s3], $0xF7A  }
0x26: {  	[smem:$0x3F9B] =	sst s1;
	(tag) =	ssettag s2;
	_ =	strace s9  }
0x27: {  	s1 =	sld [smem:$0x3FAB]  }
0x28: {  	s2 =	sld [smem:$0x3FAC]  }
0x29: {  	s4 =	sld [smem:$0x3FAE]  }
0x2a: {  	p0 =	seq.s32 s5, $0x0;
	s5 =	sld [smem:$0x3FAF]  }
0x2b: {  	s6 =	sld [smem:$0x3FB0]  }
0x2c: {  	s7 =	sld [smem:$0x3FB1]  }
0x2d: {  	s3 =	simm.s32 $0x108;
	s8 =	sld [smem:$0x3FB2]  }
0x2e: {  	s3 =	simm.s32 @!p0 $0x1082;
	s9 =	sld [smem:$0x3FB3]  }
0x2f: {  	lr =	sadd.s32 s0, s3;
	s0 =	sld [smem:$0x3FAA]  }
0x30: {  	s3 =	sld [smem:$0x3FAD]  }
0x31: {  	[smem:$0x3FB6] =	sst s10  }
0x32: {  	s10 =	sld [smem:$0x3FB4];
	_ =	sdelay $0x3  }
0x33: {  	p0 =	seq.s32 s10, $0x1;
	s10 =	sld [smem:$0x3FB6];
	_ =	sdelay $0x3  }
0x34: {  	[smem:$0x3FB6] =	sst s10  }
0x35: {  	s10 =	sld [smem:$0x3FB5];
	_ =	sdelay $0x3  }
0x36: {  	p1 =	seq.s32 s10, $0x1;
	s10 =	sld [smem:$0x3FB6];
	_ =	sdelay $0x3  }
0x37: {  	[smem:$0x3FB6] =	sst s10  }
0x38: {  	s10 =	sld [smem:$0x3FB7]  }
0x39: {  	_ = 	snop;
	(pc) =	sbr.ind lr, $3  }
0x3a: {  	_ = 	snop  }
0x3b: {  	_ = 	snop  }
0x3c: {  	p2 =	seq.s32 s10, $0x1;
	s10 =	sld [smem:$0x3FB6]  }
0x3d: {  	_ =	shalt  }
0x3e: {  	_ =	shalt  }
0x3f: {  	_ =	shalt  }
0x40: {  	_ =	shalt  }
0x41: {  	_ =	shalt  }
0x42: {  	_ =	shalt  }
0x43: {  	_ =	shalt  }
0x44: {  	_ =	shalt  }
0x45: {  	_ =	shalt  }
0x46: {  	_ =	shalt  }
0x47: {  	_ =	shalt  }
0x48: {  	_ =	shalt  }
0x49: {  	_ =	shalt  }
0x4a: {  	_ =	shalt  }
0x4b: {  	_ =	shalt  }
0x4c: {  	_ =	shalt  }
0x4d: {  	_ =	shalt  }
0x4e: {  	_ =	shalt  }
0x4f: {  	_ =	shalt  }
0x50: {  	_ =	shalt  }
0x51: {  	_ =	shalt  }
0x52: {  	_ =	shalt  }
0x53: {  	_ =	shalt  }
0x54: {  	_ =	shalt  }
0x55: {  	_ =	shalt  }
0x56: {  	_ =	shalt  }
0x57: {  	_ =	shalt  }
0x58: {  	_ =	shalt  }
0x59: {  	_ =	shalt  }
0x5a: {  	_ =	shalt  }
0x5b: {  	_ =	shalt  }
0x5c: {  	_ =	shalt  }
0x5d: {  	_ =	shalt  }
0x5e: {  	_ =	shalt  }
0x5f: {  	_ =	shalt  }
0x60: {  	_ =	shalt  }
0x61: {  	_ =	shalt  }
0x62: {  	_ =	shalt  }
0x63: {  	_ =	shalt  }
0x64: {  	_ =	shalt  }
0x65: {  	_ =	shalt  }
0x66: {  	_ =	shalt  }
0x67: {  	_ =	shalt  }
0x68: {  	_ =	shalt  }
0x69: {  	_ =	shalt  }
0x6a: {  	_ =	shalt  }
0x6b: {  	_ =	shalt  }
0x6c: {  	_ =	shalt  }
0x6d: {  	_ =	shalt  }
0x6e: {  	_ =	shalt  }
0x6f: {  	_ =	shalt  }
0x70: {  	_ =	shalt  }
0x71: {  	_ =	shalt  }
0x72: {  	_ =	shalt  }
0x73: {  	_ =	shalt  }
0x74: {  	_ =	shalt  }
0x75: {  	_ =	shalt  }
0x76: {  	_ =	shalt  }
0x77: {  	_ =	shalt  }
0x78: {  	_ =	shalt  }
0x79: {  	_ =	shalt  }
0x7a: {  	_ =	shalt  }
0x7b: {  	_ =	shalt  }
0x7c: {  	_ =	shalt  }
0x7d: {  	_ =	shalt  }
0x7e: {  	_ =	shalt  }
0x7f: {  	_ =	shalt  }
0x80: {  	_ =	shalt  }
0x81: {  	_ =	shalt  }
0x82: {  	_ =	shalt  }
0x83: {  	_ =	shalt  }
0x84: {  	_ =	shalt  }
0x85: {  	_ =	shalt  }
0x86: {  	_ =	shalt  }
0x87: {  	_ =	shalt  }
.Lfunc_end0:
.L_simem_size_0:
called_computation.1_lowered:
.L_overlay_start_0:
0x88: {  	s2 =	sld [smem:$0x3FD9]  }
0x89: {  	s3 =	sld [smem:$0x3FFE];
	_ =	sdelay $0x1  }
0x8a: {  	s1 =	srdreg.scid  }
0x8b: {  	s0 =	sand.u32 $0x1, s1  }
0x8c: {  	s17 =	sshll.u32 s0, $0xA;
	s2 =	sadd.s32 s3, s2  }
0x8d: {  	s2 =	sadd.s32 s2, s17  }
0x8e: {  	[smem:$0x3FC2] =	sst s2  }
0x8f: {  	_ = 	snop  }
0x90: {  	s2 =	sld [smem:$0x3FD0];
	(tm) =	ssettm $0x1  }
0x91: {  	s18 =	sld [smem:$0x3FFB];
	_ =	sdelay $0x3  }
0x92: {  	_ =	strace s18  }
0x93: {  	s3 =	sld [smem:$0x3FFC];
	_ =	sdelay $0x3  }
0x94: {  	_ =	strace s3  }
0x95: {  	s3 =	sld [smem:$0x3FFD];
	_ =	sdelay $0x3  }
0x96: {  	_ =	strace s3  }
0x97: {  	_ =	strace $0x8FFFFFFF  }
0x98: {  	s19 =	sld [smem:$0x3FDB];
	_ =	sdelay $0x1  }
0x99: {  	s4 =	simm.s32 $_scs_section_size  }
0x9a: {  	s5 =	simm.s32 $_size__tile_overlayer_lowered;
	s6 =	simm.s32 $_tile_overlayer_lowered  }
0x9b: {  	s22 =	simm.s32 $0x1BFF;
	s21 =	sshll.u32 s6, $0x1;
	s3 =	sadd.s32 s4, s19  }
0x9c: {  	s7 =	simm.s32 $0x0;
	s20 =	sshll.u32 s5, $0x1;
	s5 =	sadd.s32 s21, s3  }
0x9d: {  	[timem:s7], [sflag:s22] =	dma.local [hbm:s5], s20  }
0x9e: {  	_ =	swait.ge [sflag:s22], s20  }
0x9f: {  	s4 =	ssub.s32 $0x0, s20;
	[sflag:s22] =	ssyncset.done $0x0  }
0xa0: {  	[sflag:s22] =	ssyncadd.s32 s4;
	_ =	sdelay $0x1  }
0xa1: {  	s23 =	simm.s32 $0x1B8B  }
0xa2: {  	_ =	swait.ge [sflag:s23], $0x1  }
0xa3: {  	[sflag:s23] =	ssyncset.done $0x0  }
0xa4: {  	s25 =	simm.s32 $0x1B8E;
	s24 =	sld [smem:$0x3FFE];
	[sflag:s23] =	ssyncadd.s32 $0xFFFFFFFF  }
0xa5: {  	s26 =	simm.s32 $execute0_lowered;
	[smem:$0x3FD2] =	sst s25  }
0xa6: {  	s5 =	sshll.u32 s26, $0x1;
	_ =	strace $0x80000049;
	[dreg:$0x1] =	wrdreg $0xFFFFFFFF  }
0xa7: {  	s28 =	simm.s32 $_size_execute0_lowered;
	s3 =	sadd.s32 s3, s5;
	[dreg:$0x0] =	wrdreg $0x0  }
0xa8: {  	s5 =	sshll.u32 s28, $0x1;
	[dreg:$0x2] =	wrdreg s3  }
0xa9: {  	[dreg:$0x3] =	wrdreg s5  }
0xaa: {  	[dreg:$0x4] =	wrdreg $0xC0  }
0xab: {  	_ =	task [dreg:s7], $0x5FFFF  }
0xac: {  	[dreg:$0x1] =	wrdreg $0xFFFFFFFF  }
0xad: {  	[dreg:$0x0] =	wrdreg $0x60  }
0xae: {  	[dreg:$0x2] =	wrdreg s24  }
0xaf: {  	[dreg:$0x3] =	wrdreg s2  }
0xb0: {  	[dreg:$0x4] =	wrdreg $0x153400  }
0xb1: {  	[dreg:$0x5] =	wrdreg $0xB5400  }
0xb2: {  	[dreg:$0x6] =	wrdreg $0x9  }
0xb3: {  	_ =	task.clear_ibuf [dreg:s7], $0x7FFFF;
	_ =	strace $0x90000049  }
0xb4: {  	s29 =	simm.s32 $0x9;
	_ =	strace $0x8000004B  }
0xb5: {  	_ =	swait.ge [sflag:s29], $0x1  }
0xb6: {  	[sflag:s29] =	ssyncadd.s32 $0xFFFFFFFF  }
0xb7: {  	_ =	strace $0x9000004B  }
0xb8: {  	_ =	sfence  }
0xb9: {  	s30 =	sld [smem:$0x0];
	_ =	sdelay $0x2  }
0xba: {  	s31 =	sshll.u32 s1, $0xD;
	s1 =	sshrl.u32 s1, $0x2  }
0xbb: {  	s3 =	sand.u32 $0x4000, s31;
	s1 =	sadd.s32 s1, s30  }
0xbc: {  	s0 =	sor.u32 s3, s0;
	s1 =	sshll.u32 s1, $0x11  }
0xbd: {  	s0 =	sor.u32 s1, s0  }
0xbe: {  	s0 =	sadd.s32 $0x8F2B, s0  }
0xbf: {  	[sflag:s0] =	ssyncadd.remote.s32 $0x1  }
0xc0: {  	_ =	sfence.sel $0xFFFF  }
0xc1: {  	[dreg:$0x0] =	wrdreg $0xFFFFFFFF;
	(pc) =	sbr.abs _section_cstart, $3  }
0xc2: {  	[dreg:$0x1] =	wrdreg $0xFFFFFFFF  }
0xc3: {  	_ =	task.clear_ibuf [dreg:s7], $0x2FFFF;
	_ =	strace $0x9FFFFFFF  }
0xc4: {  	(tm) =	ssettm $0x7FFFFFFF  }
0xc5: {  	_ =	shalt  }
tec
execute0_lowered:
.L_overlay_start_1:
0x0: {  	(tag) =	ssettag $0x1  }
0x1: {  	s0 =	srdreg.scid;
	s1 =	rddreg [dreg:$0x0]  }
0x2: {  	s14 =	stileid.u32;
	s6 =	rddreg [dreg:$0x1]  }
0x3: {  	s4 =	simm.s32 $0x0;
	s18 =	simm.s32 $0x64;
	s19 =	simm.s32 $0x5140  }
0x4: {  	s21 =	simm.s32 $0x6A40;
	s28 =	simm.s32 $0x2;
	s30 =	simm.s32 $0x5  }
0x5: {  	s20 =	simm.s32 $0x4FA0;
	s29 =	simm.s32 $0x5070;
	s7 =	smul.u32 $0x9C40, s14  }
0x6: {  	s31 =	simm.s32 $0x50D8;
	s0 =	sand.u32 $0x1, s0;
	s8 =	smul.u32 $0x9E00, s14  }
0x7: {  	[smem:$0x7FF] =	sst s4;
	s26 =	sshll.u32 s14, $0x6;
	s2 =	sshll.u32 s0, $0x4  }
0x8: {  	s9 =	smul.u32 $0x9E000, s0;
	s0 =	ssub.s32 $0x2, s0;
	s15 =	sor.u32 $0x1C09, s26  }
0x9: {  	s26 =	simm.s32 $0x9C40;
	s3 =	sor.u32 s14, s2;
	s2 =	rddreg [dreg:$0x2]  }
0xa: {  	s11 =	sshrl.u32 s7, $0x3;
	s13 =	sshrl.u32 s0, $0x1;
	s14 =	simm.s32 $0x28A0  }
0xb: {  	s5 =	smul.u32 $0x514, s3;
	s3 =	rddreg [dreg:$0x3];
	_ =	strace $0x8000004A  }
0xc: {  	s12 =	sadd.s32 s11, s1;
	s9 =	sadd.s32 s8, s9;
	s0 =	ssub.s32 s0, s13  }
0xd: {  	s8 =	sadd.s32 s8, s2;
	s6 =	sadd.s32 s6, s11;
	s13 =	simm.s32 $0x9  }
0xe: {  	s9 =	sshrl.u32 s9, $0x3;
	s7 =	sadd.s32 s7, s3;
	[dreg:$0x7] =	wrdreg s6  }
0xf: {  	s25 =	sadd.s32 $0x16800, s12;
	s0 =	smax.u32 s0, $0x1;
	s16 =	sshrl.u32 s8, $0x3  }
0x10: {  	s6 =	simm.s32 $0x6;
	s8 =	simm.s32 $0x4;
	s12 =	simm.s32 $0x8  }
0x11: {  	s10 =	sadd.s32 s5, s1;
	s5 =	sadd.s32 $0x2A200, s1;
	[dreg:$0x9] =	wrdreg s25  }
0x12: {  	s1 =	sadd.s32 s9, s1;
	[dreg:$0xb] =	wrdreg s0;
	s22 =	sadd.s32 $0xC400, s10  }
0x13: {  	s17 =	sshrl.u32 s7, $0x3;
	s23 =	sadd.s32 $0x1C00, s10;
	[dreg:$0x5] =	wrdreg s22  }
0x14: {  	s25 =	simm.s32 $0x5008;
	s24 =	sadd.s32 $0x52E00, s1;
	[dreg:$0x6] =	wrdreg s23  }
0x15: {  	s0 =	simm.s32 $0x0;
	s1 =	sadd.s32 $0x2B600, s1;
	[dreg:$0x8] =	wrdreg s24  }
0x16: {  	s10 =	simm.s32 $0x7;
	[dreg:$0xa] =	wrdreg s1;
	s23 =	simm.s32 $0x8340  }
0x17: {  	s24 =	simm.s32 $0x1;
	s1 =	simm.s32 $0x3;
	s22 =	simm.s32 $0x2838  }
.LBB2_1:
0x18: {  	s7 =	rddreg [dreg:$0x5]  }
0x19: {  	[tilespmem:s4], [sflag:$0x9] =	stream.linear.gather [hbm4b:s7+s4], $0x28A0, $0x38;
	[tilespmem:$0x1F140] =	vst v63  }
0x1a: {  	_ =	swait.ge [sflag:s13], $0x28A0  }
0x1b: {  	[sflag:s13] =	ssyncset.done $0x0  }
0x1c: {  	s9 =	rddreg [dreg:$0x6];
	[sflag:s13] =	ssyncadd.s32 $0xFFFFD760  }
0x1d: {  	[tilespmem:s14], [sflag:$0x9] =	stream.linear.gather [hbm4b:s9+s4], $0x28A0, $0x38;
	[tilespmem:$0x1F140] =	vst v63  }
0x1e: {  	_ =	swait.ge [sflag:s13], $0x28A0  }
0x1f: {  	[sflag:s13] =	ssyncset.done $0x0  }
0x20: {  	[sflag:s13] =	ssyncadd.s32 $0xFFFFD760  }
0x21: {  	[spmem:s16], [sflag:s15] =	dma.local [hbm:s5], $0x13C0  }
0x22: {  	_ =	swait.ge [sflag:s13], $0x13C0  }
0x23: {  	[sflag:s13] =	ssyncset.done $0x0  }
0x24: {  	s11 =	rddreg [dreg:$0x7];
	[sflag:s13] =	ssyncadd.s32 $0xFFFFEC40  }
0x25: {  	[spmem:s17], [sflag:s15] =	dma.local [hbm:s11], $0x1388  }
0x26: {  	_ =	swait.ge [sflag:s13], $0x1388  }
0x27: {  	[sflag:s13] =	ssyncset.done $0x0  }
0x28: {  	[sflag:s13] =	ssyncadd.s32 $0xFFFFEC78  }
0x29: {  	[bflag:$0x0] =	sbarrier.arrive $0xFFFF  }
0x2a: {  	[tilespmem:s19], [sflag:$0x1] =	stream.indirect.gather [spmem:s3], $0x40, s4, s18, $0xb8;
	[tilespmem:$0x1F140] =	vst v63  }
0x2b: {  	s9 =	simm.s32 $0x68  }
0x2c: {  	[tilespmem:s21], [sflag:$0x2] =	stream.indirect.gather [spmem:s3], $0x40, s9, s18, $0xb8;
	[tilespmem:$0x1F140] =	vst v63  }
0x2d: {  	s11 =	simm.s32 $0xD0  }
0x2e: {  	[tilespmem:s23], [sflag:$0x3] =	stream.indirect.gather [spmem:s3], $0x40, s11, s18, $0xb8;
	[tilespmem:$0x1F140] =	vst v63  }
0x2f: {  	_ =	swait.ge [sflag:s24], $0x1900  }
0x30: {  	[sflag:s24] =	ssyncset.done $0x0  }
0x31: {  	[sflag:s24] =	ssyncadd.s32 $0xFFFFE700  }
0x32: {  	[spmem:s2] =	stream.indirect.scatter.add.f32 [tilespmem:s19], [sflag:$0x5], $0x40, s14, s18, $0xb8;
	[tilespmem:$0x1F140] =	vst v63  }
0x33: {  	s9 =	simm.s32 $0x138  }
0x34: {  	[tilespmem:s26], [sflag:$0x4] =	stream.indirect.gather [spmem:s3], $0x40, s9, s18, $0xb8;
	[tilespmem:$0x1F140] =	vst v63  }
0x35: {  	_ =	swait.ge [sflag:s28], $0x1900  }
0x36: {  	[sflag:s28] =	ssyncset.done $0x0  }
0x37: {  	s11 =	simm.s32 $0x2908;
	[sflag:s28] =	ssyncadd.s32 $0xFFFFE700  }
0x38: {  	[spmem:s2] =	stream.indirect.scatter.add.f32 [tilespmem:s21], [sflag:$0x6], $0x40, s11, s18, $0xb8;
	[tilespmem:$0x1F140] =	vst v63  }
0x39: {  	_ =	swait.ge [sflag:s30], $0x1900  }
0x3a: {  	[sflag:s30] =	ssyncset.done $0x0  }
0x3b: {  	s9 =	simm.s32 $0x1A0;
	[sflag:s30] =	ssyncadd.s32 $0xFFFFE700  }
0x3c: {  	[tilespmem:s19], [sflag:$0x1] =	stream.indirect.gather [spmem:s3], $0x40, s9, s18, $0xb8;
	[tilespmem:$0x1F140] =	vst v63  }
0x3d: {  	_ =	swait.ge [sflag:s1], $0x1900  }
0x3e: {  	[sflag:s1] =	ssyncset.done $0x0  }
0x3f: {  	s11 =	simm.s32 $0x2970;
	[sflag:s1] =	ssyncadd.s32 $0xFFFFE700  }
0x40: {  	[spmem:s2] =	stream.indirect.scatter.add.f32 [tilespmem:s23], [sflag:$0x7], $0x40, s11, s18, $0xb8;
	[tilespmem:$0x1F140] =	vst v63  }
0x41: {  	_ =	swait.ge [sflag:s6], $0x1900  }
0x42: {  	[sflag:s6] =	ssyncset.done $0x0  }
0x43: {  	s9 =	simm.s32 $0x208;
	[sflag:s6] =	ssyncadd.s32 $0xFFFFE700  }
0x44: {  	[tilespmem:s21], [sflag:$0x2] =	stream.indirect.gather [spmem:s3], $0x40, s9, s18, $0xb8;
	[tilespmem:$0x1F140] =	vst v63  }
0x45: {  	_ =	swait.ge [sflag:s8], $0x1900  }
0x46: {  	[sflag:s8] =	ssyncset.done $0x0  }
0x47: {  	s11 =	simm.s32 $0x29D8;
	[sflag:s8] =	ssyncadd.s32 $0xFFFFE700  }
0x48: {  	[spmem:s2] =	stream.indirect.scatter.add.f32 [tilespmem:s26], [sflag:$0x8], $0x40, s11, s18, $0xb8;
	[tilespmem:$0x1F140] =	vst v63  }
0x49: {  	_ =	swait.ge [sflag:s10], $0x1900  }
0x4a: {  	[sflag:s10] =	ssyncset.done $0x0  }
0x4b: {  	s9 =	simm.s32 $0x270;
	[sflag:s10] =	ssyncadd.s32 $0xFFFFE700  }
0x4c: {  	[tilespmem:s23], [sflag:$0x3] =	stream.indirect.gather [spmem:s3], $0x40, s9, s18, $0xb8;
	[tilespmem:$0x1F140] =	vst v63  }
0x4d: {  	_ =	swait.ge [sflag:s24], $0x1900  }
0x4e: {  	[sflag:s24] =	ssyncset.done $0x0  }
0x4f: {  	s11 =	simm.s32 $0x2A40;
	[sflag:s24] =	ssyncadd.s32 $0xFFFFE700  }
0x50: {  	[spmem:s2] =	stream.indirect.scatter.add.f32 [tilespmem:s19], [sflag:$0x5], $0x40, s11, s18, $0xb8;
	[tilespmem:$0x1F140] =	vst v63  }
0x51: {  	_ =	swait.ge [sflag:s12], $0x1900  }
0x52: {  	[sflag:s12] =	ssyncset.done $0x0  }
0x53: {  	s9 =	simm.s32 $0x2D8;
	[sflag:s12] =	ssyncadd.s32 $0xFFFFE700  }
0x54: {  	[tilespmem:s26], [sflag:$0x4] =	stream.indirect.gather [spmem:s3], $0x40, s9, s18, $0xb8;
	[tilespmem:$0x1F140] =	vst v63  }
0x55: {  	_ =	swait.ge [sflag:s28], $0x1900  }
0x56: {  	[sflag:s28] =	ssyncset.done $0x0  }
0x57: {  	s11 =	simm.s32 $0x2AA8;
	[sflag:s28] =	ssyncadd.s32 $0xFFFFE700  }
0x58: {  	[spmem:s2] =	stream.indirect.scatter.add.f32 [tilespmem:s21], [sflag:$0x6], $0x40, s11, s18, $0xb8;
	[tilespmem:$0x1F140] =	vst v63  }
0x59: {  	_ =	swait.ge [sflag:s30], $0x1900  }
0x5a: {  	[sflag:s30] =	ssyncset.done $0x0  }
0x5b: {  	s9 =	simm.s32 $0x340;
	[sflag:s30] =	ssyncadd.s32 $0xFFFFE700  }
0x5c: {  	[tilespmem:s19], [sflag:$0x1] =	stream.indirect.gather [spmem:s3], $0x40, s9, s18, $0xb8;
	[tilespmem:$0x1F140] =	vst v63  }
0x5d: {  	_ =	swait.ge [sflag:s1], $0x1900  }
0x5e: {  	[sflag:s1] =	ssyncset.done $0x0  }
0x5f: {  	s11 =	simm.s32 $0x2B10;
	[sflag:s1] =	ssyncadd.s32 $0xFFFFE700  }
0x60: {  	[spmem:s2] =	stream.indirect.scatter.add.f32 [tilespmem:s23], [sflag:$0x7], $0x40, s11, s18, $0xb8;
	[tilespmem:$0x1F140] =	vst v63  }
0x61: {  	_ =	swait.ge [sflag:s6], $0x1900  }
0x62: {  	[sflag:s6] =	ssyncset.done $0x0  }
0x63: {  	s9 =	simm.s32 $0x3A8;
	[sflag:s6] =	ssyncadd.s32 $0xFFFFE700  }
0x64: {  	[tilespmem:s21], [sflag:$0x2] =	stream.indirect.gather [spmem:s3], $0x40, s9, s18, $0xb8;
	[tilespmem:$0x1F140] =	vst v63  }
0x65: {  	_ =	swait.ge [sflag:s8], $0x1900  }
0x66: {  	[sflag:s8] =	ssyncset.done $0x0  }
0x67: {  	s11 =	simm.s32 $0x2B78;
	[sflag:s8] =	ssyncadd.s32 $0xFFFFE700  }
0x68: {  	[spmem:s2] =	stream.indirect.scatter.add.f32 [tilespmem:s26], [sflag:$0x8], $0x40, s11, s18, $0xb8;
	[tilespmem:$0x1F140] =	vst v63  }
0x69: {  	_ =	swait.ge [sflag:s10], $0x1900  }
0x6a: {  	[sflag:s10] =	ssyncset.done $0x0  }
0x6b: {  	s7 =	simm.s32 $0x680;
	s9 =	simm.s32 $0x410;
	[sflag:s10] =	ssyncadd.s32 $0xFFFFE700  }
.LBB2_2:
0x6c: {  	[tilespmem:s23], [sflag:$0x3] =	stream.indirect.gather [spmem:s3], $0x40, s9, s18, $0xb8;
	[tilespmem:$0x1F140] =	vst v63  }
0x6d: {  	s9 =	smov.u32 s7  }
0x6e: {  	p0 =	sne.s32 s7, $0x8F00;
	s7 =	sadd.s32 $0x680, s7;
	_ =	swait.ge [sflag:s24], $0x1900  }
0x6f: {  	s9 =	sshra.s32 s9, $0x2;
	[sflag:s24] =	ssyncset.done $0x0  }
0x70: {  	s11 =	sadd.s32 $0x2A40, s9;
	[sflag:s24] =	ssyncadd.s32 $0xFFFFE700  }
0x71: {  	[spmem:s2] =	stream.indirect.scatter.add.f32 [tilespmem:s19], [sflag:$0x5], $0x40, s11, s18, $0xb8;
	[tilespmem:$0x1F140] =	vst v63  }
0x72: {  	_ =	swait.ge [sflag:s12], $0x1900  }
0x73: {  	[sflag:s12] =	ssyncset.done $0x0  }
0x74: {  	s11 =	sadd.s32 $0x2D8, s9;
	[sflag:s12] =	ssyncadd.s32 $0xFFFFE700  }
0x75: {  	[tilespmem:s26], [sflag:$0x4] =	stream.indirect.gather [spmem:s3], $0x40, s11, s18, $0xb8;
	[tilespmem:$0x1F140] =	vst v63  }
0x76: {  	_ =	swait.ge [sflag:s28], $0x1900  }
0x77: {  	[sflag:s28] =	ssyncset.done $0x0  }
0x78: {  	s11 =	sadd.s32 $0x2AA8, s9;
	[sflag:s28] =	ssyncadd.s32 $0xFFFFE700  }
0x79: {  	[spmem:s2] =	stream.indirect.scatter.add.f32 [tilespmem:s21], [sflag:$0x6], $0x40, s11, s18, $0xb8;
	[tilespmem:$0x1F140] =	vst v63  }
0x7a: {  	_ =	swait.ge [sflag:s30], $0x1900  }
0x7b: {  	[sflag:s30] =	ssyncset.done $0x0  }
0x7c: {  	s11 =	sadd.s32 $0x340, s9;
	[sflag:s30] =	ssyncadd.s32 $0xFFFFE700  }
0x7d: {  	[tilespmem:s19], [sflag:$0x1] =	stream.indirect.gather [spmem:s3], $0x40, s11, s18, $0xb8;
	[tilespmem:$0x1F140] =	vst v63  }
0x7e: {  	_ =	swait.ge [sflag:s1], $0x1900  }
0x7f: {  	[sflag:s1] =	ssyncset.done $0x0  }
0x80: {  	s11 =	sadd.s32 $0x2B10, s9;
	[sflag:s1] =	ssyncadd.s32 $0xFFFFE700  }
0x81: {  	[spmem:s2] =	stream.indirect.scatter.add.f32 [tilespmem:s23], [sflag:$0x7], $0x40, s11, s18, $0xb8;
	[tilespmem:$0x1F140] =	vst v63  }
0x82: {  	_ =	swait.ge [sflag:s6], $0x1900  }
0x83: {  	[sflag:s6] =	ssyncset.done $0x0  }
0x84: {  	s11 =	sadd.s32 $0x3A8, s9;
	[sflag:s6] =	ssyncadd.s32 $0xFFFFE700  }
0x85: {  	[tilespmem:s21], [sflag:$0x2] =	stream.indirect.gather [spmem:s3], $0x40, s11, s18, $0xb8;
	[tilespmem:$0x1F140] =	vst v63  }
0x86: {  	_ =	swait.ge [sflag:s8], $0x1900  }
0x87: {  	[sflag:s8] =	ssyncset.done $0x0  }
.Ltmp0:
0x88: {  	s11 =	sadd.s32 $0x2B78, s9;
	[sflag:s8] =	ssyncadd.s32 $0xFFFFE700;
	(pc) =	sbr.rel @p0 .LBB2_2-.Ltmp0, $4  }
0x89: {  	[spmem:s2] =	stream.indirect.scatter.add.f32 [tilespmem:s26], [sflag:$0x8], $0x40, s11, s18, $0xb8;
	[tilespmem:$0x1F140] =	vst v63  }
0x8a: {  	_ =	swait.ge [sflag:s10], $0x1900  }
0x8b: {  	[sflag:s10] =	ssyncset.done $0x0  }
0x8c: {  	s9 =	sadd.s32 $0x410, s9;
	[sflag:s10] =	ssyncadd.s32 $0xFFFFE700  }
0x8d: {  	[tilespmem:s23], [sflag:$0x3] =	stream.indirect.gather [spmem:s3], $0x40, s9, s18, $0xb8;
	[tilespmem:$0x1F140] =	vst v63  }
0x8e: {  	_ =	swait.ge [sflag:s24], $0x1900  }
0x8f: {  	[sflag:s24] =	ssyncset.done $0x0  }
0x90: {  	[sflag:s24] =	ssyncadd.s32 $0xFFFFE700  }
0x91: {  	[spmem:s2] =	stream.indirect.scatter.add.f32 [tilespmem:s19], [sflag:$0x5], $0x40, s20, s18, $0xb8;
	[tilespmem:$0x1F140] =	vst v63  }
0x92: {  	_ =	swait.ge [sflag:s12], $0x1900  }
0x93: {  	[sflag:s12] =	ssyncset.done $0x0  }
0x94: {  	[sflag:s12] =	ssyncadd.s32 $0xFFFFE700  }
0x95: {  	[tilespmem:s26], [sflag:$0x4] =	stream.indirect.gather [spmem:s3], $0x40, s22, s18, $0xb8;
	[tilespmem:$0x1F140] =	vst v63  }
0x96: {  	_ =	swait.ge [sflag:s28], $0x1900  }
0x97: {  	[sflag:s28] =	ssyncset.done $0x0  }
0x98: {  	[sflag:s28] =	ssyncadd.s32 $0xFFFFE700  }
0x99: {  	[spmem:s2] =	stream.indirect.scatter.add.f32 [tilespmem:s21], [sflag:$0x6], $0x40, s25, s18, $0xb8;
	[tilespmem:$0x1F140] =	vst v63  }
0x9a: {  	_ =	swait.ge [sflag:s1], $0x1900  }
0x9b: {  	[sflag:s1] =	ssyncset.done $0x0  }
0x9c: {  	[sflag:s1] =	ssyncadd.s32 $0xFFFFE700  }
0x9d: {  	[spmem:s2] =	stream.indirect.scatter.add.f32 [tilespmem:s23], [sflag:$0x7], $0x40, s29, s18, $0xb8;
	[tilespmem:$0x1F140] =	vst v63  }
0x9e: {  	_ =	swait.ge [sflag:s8], $0x1900  }
0x9f: {  	[sflag:s8] =	ssyncset.done $0x0  }
0xa0: {  	[sflag:s8] =	ssyncadd.s32 $0xFFFFE700  }
0xa1: {  	[spmem:s2] =	stream.indirect.scatter.add.f32 [tilespmem:s26], [sflag:$0x8], $0x40, s31, s18, $0xb8;
	[tilespmem:$0x1F140] =	vst v63  }
0xa2: {  	_ =	swait.ge [sflag:s30], $0x1900  }
0xa3: {  	[sflag:s30] =	ssyncset.done $0x0  }
0xa4: {  	[sflag:s30] =	ssyncadd.s32 $0xFFFFE700  }
0xa5: {  	_ =	swait.ge [sflag:s6], $0x1900  }
0xa6: {  	[sflag:s6] =	ssyncset.done $0x0  }
0xa7: {  	[sflag:s6] =	ssyncadd.s32 $0xFFFFE700  }
0xa8: {  	_ =	swait.ge [sflag:s10], $0x1900  }
0xa9: {  	[sflag:s10] =	ssyncset.done $0x0  }
0xaa: {  	[sflag:s10] =	ssyncadd.s32 $0xFFFFE700  }
0xab: {  	_ =	swait.ge [sflag:s12], $0x1900  }
0xac: {  	[sflag:s12] =	ssyncset.done $0x0  }
0xad: {  	[sflag:s12] =	ssyncadd.s32 $0xFFFFE700  }
0xae: {  	[bflag:$0x0] =	sbarrier.arrive $0xFFFF  }
0xaf: {  	s7 =	rddreg [dreg:$0x8]  }
0xb0: {  	[hbm:s7], [sflag:s15] =	dma.local [spmem:s16], $0x13C0  }
0xb1: {  	_ =	swait.ge [sflag:s13], $0x13C0  }
0xb2: {  	[sflag:s13] =	ssyncset.done $0x0  }
0xb3: {  	[sflag:s13] =	ssyncadd.s32 $0xFFFFEC40  }
0xb4: {  	[bflag:$0x0] =	sbarrier.arrive $0xFFFF  }
0xb5: {  	[spmem:s16], [sflag:s15] =	dma.local [hbm:s5], $0x13C0  }
0xb6: {  	_ =	swait.ge [sflag:s13], $0x13C0  }
0xb7: {  	[sflag:s13] =	ssyncset.done $0x0  }
0xb8: {  	s9 =	rddreg [dreg:$0x9];
	[sflag:s13] =	ssyncadd.s32 $0xFFFFEC40  }
0xb9: {  	[spmem:s17], [sflag:s15] =	dma.local [hbm:s9], $0x1388  }
0xba: {  	_ =	swait.ge [sflag:s13], $0x1388  }
0xbb: {  	[sflag:s13] =	ssyncset.done $0x0  }
0xbc: {  	[sflag:s13] =	ssyncadd.s32 $0xFFFFEC78  }
0xbd: {  	s11 =	simm.s32 $0x0;
	[bflag:$0x0] =	sbarrier.arrive $0xFFFF  }
0xbe: {  	[tilespmem:s19], [sflag:$0x1] =	stream.indirect.gather [spmem:s3], $0x40, s11, s18, $0xb8;
	[tilespmem:$0x1F140] =	vst v63  }
0xbf: {  	s9 =	simm.s32 $0x68  }
0xc0: {  	[tilespmem:s21], [sflag:$0x2] =	stream.indirect.gather [spmem:s3], $0x40, s9, s18, $0xb8;
	[tilespmem:$0x1F140] =	vst v63  }
0xc1: {  	s11 =	simm.s32 $0xD0  }
0xc2: {  	[tilespmem:s23], [sflag:$0x3] =	stream.indirect.gather [spmem:s3], $0x40, s11, s18, $0xb8;
	[tilespmem:$0x1F140] =	vst v63  }
0xc3: {  	_ =	swait.ge [sflag:s24], $0x1900  }
0xc4: {  	[sflag:s24] =	ssyncset.done $0x0  }
0xc5: {  	[sflag:s24] =	ssyncadd.s32 $0xFFFFE700  }
0xc6: {  	[spmem:s2] =	stream.indirect.scatter.add.f32 [tilespmem:s19], [sflag:$0x5], $0x40, s14, s18, $0xb8;
	[tilespmem:$0x1F140] =	vst v63  }
0xc7: {  	s9 =	simm.s32 $0x138  }
0xc8: {  	[tilespmem:s26], [sflag:$0x4] =	stream.indirect.gather [spmem:s3], $0x40, s9, s18, $0xb8;
	[tilespmem:$0x1F140] =	vst v63  }
0xc9: {  	_ =	swait.ge [sflag:s28], $0x1900  }
0xca: {  	[sflag:s28] =	ssyncset.done $0x0  }
0xcb: {  	s11 =	simm.s32 $0x2908;
	[sflag:s28] =	ssyncadd.s32 $0xFFFFE700  }
0xcc: {  	[spmem:s2] =	stream.indirect.scatter.add.f32 [tilespmem:s21], [sflag:$0x6], $0x40, s11, s18, $0xb8;
	[tilespmem:$0x1F140] =	vst v63  }
0xcd: {  	_ =	swait.ge [sflag:s30], $0x1900  }
0xce: {  	[sflag:s30] =	ssyncset.done $0x0  }
0xcf: {  	s9 =	simm.s32 $0x1A0;
	[sflag:s30] =	ssyncadd.s32 $0xFFFFE700  }
0xd0: {  	[tilespmem:s19], [sflag:$0x1] =	stream.indirect.gather [spmem:s3], $0x40, s9, s18, $0xb8;
	[tilespmem:$0x1F140] =	vst v63  }
0xd1: {  	_ =	swait.ge [sflag:s1], $0x1900  }
0xd2: {  	[sflag:s1] =	ssyncset.done $0x0  }
0xd3: {  	s11 =	simm.s32 $0x2970;
	[sflag:s1] =	ssyncadd.s32 $0xFFFFE700  }
0xd4: {  	[spmem:s2] =	stream.indirect.scatter.add.f32 [tilespmem:s23], [sflag:$0x7], $0x40, s11, s18, $0xb8;
	[tilespmem:$0x1F140] =	vst v63  }
0xd5: {  	_ =	swait.ge [sflag:s6], $0x1900  }
0xd6: {  	[sflag:s6] =	ssyncset.done $0x0  }
0xd7: {  	s9 =	simm.s32 $0x208;
	[sflag:s6] =	ssyncadd.s32 $0xFFFFE700  }
0xd8: {  	[tilespmem:s21], [sflag:$0x2] =	stream.indirect.gather [spmem:s3], $0x40, s9, s18, $0xb8;
	[tilespmem:$0x1F140] =	vst v63  }
0xd9: {  	_ =	swait.ge [sflag:s8], $0x1900  }
0xda: {  	[sflag:s8] =	ssyncset.done $0x0  }
0xdb: {  	s11 =	simm.s32 $0x29D8;
	[sflag:s8] =	ssyncadd.s32 $0xFFFFE700  }
0xdc: {  	[spmem:s2] =	stream.indirect.scatter.add.f32 [tilespmem:s26], [sflag:$0x8], $0x40, s11, s18, $0xb8;
	[tilespmem:$0x1F140] =	vst v63  }
0xdd: {  	_ =	swait.ge [sflag:s10], $0x1900  }
0xde: {  	[sflag:s10] =	ssyncset.done $0x0  }
0xdf: {  	s9 =	simm.s32 $0x270;
	[sflag:s10] =	ssyncadd.s32 $0xFFFFE700  }
0xe0: {  	[tilespmem:s23], [sflag:$0x3] =	stream.indirect.gather [spmem:s3], $0x40, s9, s18, $0xb8;
	[tilespmem:$0x1F140] =	vst v63  }
0xe1: {  	_ =	swait.ge [sflag:s24], $0x1900  }
0xe2: {  	[sflag:s24] =	ssyncset.done $0x0  }
0xe3: {  	s11 =	simm.s32 $0x2A40;
	[sflag:s24] =	ssyncadd.s32 $0xFFFFE700  }
0xe4: {  	[spmem:s2] =	stream.indirect.scatter.add.f32 [tilespmem:s19], [sflag:$0x5], $0x40, s11, s18, $0xb8;
	[tilespmem:$0x1F140] =	vst v63  }
0xe5: {  	_ =	swait.ge [sflag:s12], $0x1900  }
0xe6: {  	[sflag:s12] =	ssyncset.done $0x0  }
0xe7: {  	s9 =	simm.s32 $0x2D8;
	[sflag:s12] =	ssyncadd.s32 $0xFFFFE700  }
0xe8: {  	[tilespmem:s26], [sflag:$0x4] =	stream.indirect.gather [spmem:s3], $0x40, s9, s18, $0xb8;
	[tilespmem:$0x1F140] =	vst v63  }
0xe9: {  	_ =	swait.ge [sflag:s28], $0x1900  }
0xea: {  	[sflag:s28] =	ssyncset.done $0x0  }
0xeb: {  	s11 =	simm.s32 $0x2AA8;
	[sflag:s28] =	ssyncadd.s32 $0xFFFFE700  }
0xec: {  	[spmem:s2] =	stream.indirect.scatter.add.f32 [tilespmem:s21], [sflag:$0x6], $0x40, s11, s18, $0xb8;
	[tilespmem:$0x1F140] =	vst v63  }
0xed: {  	_ =	swait.ge [sflag:s30], $0x1900  }
0xee: {  	[sflag:s30] =	ssyncset.done $0x0  }
0xef: {  	s9 =	simm.s32 $0x340;
	[sflag:s30] =	ssyncadd.s32 $0xFFFFE700  }
0xf0: {  	[tilespmem:s19], [sflag:$0x1] =	stream.indirect.gather [spmem:s3], $0x40, s9, s18, $0xb8;
	[tilespmem:$0x1F140] =	vst v63  }
0xf1: {  	_ =	swait.ge [sflag:s1], $0x1900  }
0xf2: {  	[sflag:s1] =	ssyncset.done $0x0  }
0xf3: {  	s11 =	simm.s32 $0x2B10;
	[sflag:s1] =	ssyncadd.s32 $0xFFFFE700  }
0xf4: {  	[spmem:s2] =	stream.indirect.scatter.add.f32 [tilespmem:s23], [sflag:$0x7], $0x40, s11, s18, $0xb8;
	[tilespmem:$0x1F140] =	vst v63  }
0xf5: {  	_ =	swait.ge [sflag:s6], $0x1900  }
0xf6: {  	[sflag:s6] =	ssyncset.done $0x0  }
0xf7: {  	s9 =	simm.s32 $0x3A8;
	[sflag:s6] =	ssyncadd.s32 $0xFFFFE700  }
0xf8: {  	[tilespmem:s21], [sflag:$0x2] =	stream.indirect.gather [spmem:s3], $0x40, s9, s18, $0xb8;
	[tilespmem:$0x1F140] =	vst v63  }
0xf9: {  	_ =	swait.ge [sflag:s8], $0x1900  }
0xfa: {  	[sflag:s8] =	ssyncset.done $0x0  }
0xfb: {  	s11 =	simm.s32 $0x2B78;
	[sflag:s8] =	ssyncadd.s32 $0xFFFFE700  }
0xfc: {  	[spmem:s2] =	stream.indirect.scatter.add.f32 [tilespmem:s26], [sflag:$0x8], $0x40, s11, s18, $0xb8;
	[tilespmem:$0x1F140] =	vst v63  }
0xfd: {  	_ =	swait.ge [sflag:s10], $0x1900  }
0xfe: {  	[sflag:s10] =	ssyncset.done $0x0  }
0xff: {  	s7 =	simm.s32 $0x680;
	s9 =	simm.s32 $0x410;
	[sflag:s10] =	ssyncadd.s32 $0xFFFFE700  }
.LBB2_4:
0x100: {  	[tilespmem:s23], [sflag:$0x3] =	stream.indirect.gather [spmem:s3], $0x40, s9, s18, $0xb8;
	[tilespmem:$0x1F140] =	vst v63  }
0x101: {  	s9 =	smov.u32 s7  }
0x102: {  	p0 =	sne.s32 s7, $0x8F00;
	s7 =	sadd.s32 $0x680, s7;
	_ =	swait.ge [sflag:s24], $0x1900  }
0x103: {  	s9 =	sshra.s32 s9, $0x2;
	[sflag:s24] =	ssyncset.done $0x0  }
0x104: {  	s11 =	sadd.s32 $0x2A40, s9;
	[sflag:s24] =	ssyncadd.s32 $0xFFFFE700  }
0x105: {  	[spmem:s2] =	stream.indirect.scatter.add.f32 [tilespmem:s19], [sflag:$0x5], $0x40, s11, s18, $0xb8;
	[tilespmem:$0x1F140] =	vst v63  }
0x106: {  	_ =	swait.ge [sflag:s12], $0x1900  }
0x107: {  	[sflag:s12] =	ssyncset.done $0x0  }
0x108: {  	s11 =	sadd.s32 $0x2D8, s9;
	[sflag:s12] =	ssyncadd.s32 $0xFFFFE700  }
0x109: {  	[tilespmem:s26], [sflag:$0x4] =	stream.indirect.gather [spmem:s3], $0x40, s11, s18, $0xb8;
	[tilespmem:$0x1F140] =	vst v63  }
0x10a: {  	_ =	swait.ge [sflag:s28], $0x1900  }
0x10b: {  	[sflag:s28] =	ssyncset.done $0x0  }
0x10c: {  	s11 =	sadd.s32 $0x2AA8, s9;
	[sflag:s28] =	ssyncadd.s32 $0xFFFFE700  }
0x10d: {  	[spmem:s2] =	stream.indirect.scatter.add.f32 [tilespmem:s21], [sflag:$0x6], $0x40, s11, s18, $0xb8;
	[tilespmem:$0x1F140] =	vst v63  }
0x10e: {  	_ =	swait.ge [sflag:s30], $0x1900  }
0x10f: {  	[sflag:s30] =	ssyncset.done $0x0  }
0x110: {  	s11 =	sadd.s32 $0x340, s9;
	[sflag:s30] =	ssyncadd.s32 $0xFFFFE700  }
0x111: {  	[tilespmem:s19], [sflag:$0x1] =	stream.indirect.gather [spmem:s3], $0x40, s11, s18, $0xb8;
	[tilespmem:$0x1F140] =	vst v63  }
0x112: {  	_ =	swait.ge [sflag:s1], $0x1900  }
0x113: {  	[sflag:s1] =	ssyncset.done $0x0  }
0x114: {  	s11 =	sadd.s32 $0x2B10, s9;
	[sflag:s1] =	ssyncadd.s32 $0xFFFFE700  }
0x115: {  	[spmem:s2] =	stream.indirect.scatter.add.f32 [tilespmem:s23], [sflag:$0x7], $0x40, s11, s18, $0xb8;
	[tilespmem:$0x1F140] =	vst v63  }
0x116: {  	_ =	swait.ge [sflag:s6], $0x1900  }
0x117: {  	[sflag:s6] =	ssyncset.done $0x0  }
0x118: {  	s11 =	sadd.s32 $0x3A8, s9;
	[sflag:s6] =	ssyncadd.s32 $0xFFFFE700  }
0x119: {  	[tilespmem:s21], [sflag:$0x2] =	stream.indirect.gather [spmem:s3], $0x40, s11, s18, $0xb8;
	[tilespmem:$0x1F140] =	vst v63  }
0x11a: {  	_ =	swait.ge [sflag:s8], $0x1900  }
0x11b: {  	[sflag:s8] =	ssyncset.done $0x0  }
.Ltmp1:
0x11c: {  	s11 =	sadd.s32 $0x2B78, s9;
	[sflag:s8] =	ssyncadd.s32 $0xFFFFE700;
	(pc) =	sbr.rel @p0 .LBB2_4-.Ltmp1, $4  }
0x11d: {  	[spmem:s2] =	stream.indirect.scatter.add.f32 [tilespmem:s26], [sflag:$0x8], $0x40, s11, s18, $0xb8;
	[tilespmem:$0x1F140] =	vst v63  }
0x11e: {  	_ =	swait.ge [sflag:s10], $0x1900  }
0x11f: {  	[sflag:s10] =	ssyncset.done $0x0  }
0x120: {  	s9 =	sadd.s32 $0x410, s9;
	[sflag:s10] =	ssyncadd.s32 $0xFFFFE700  }
0x121: {  	[tilespmem:s23], [sflag:$0x3] =	stream.indirect.gather [spmem:s3], $0x40, s9, s18, $0xb8;
	[tilespmem:$0x1F140] =	vst v63  }
0x122: {  	_ =	swait.ge [sflag:s24], $0x1900  }
0x123: {  	[sflag:s24] =	ssyncset.done $0x0  }
0x124: {  	[sflag:s24] =	ssyncadd.s32 $0xFFFFE700  }
0x125: {  	[spmem:s2] =	stream.indirect.scatter.add.f32 [tilespmem:s19], [sflag:$0x5], $0x40, s20, s18, $0xb8;
	[tilespmem:$0x1F140] =	vst v63  }
0x126: {  	_ =	swait.ge [sflag:s12], $0x1900  }
0x127: {  	[sflag:s12] =	ssyncset.done $0x0  }
0x128: {  	[sflag:s12] =	ssyncadd.s32 $0xFFFFE700  }
0x129: {  	[tilespmem:s26], [sflag:$0x4] =	stream.indirect.gather [spmem:s3], $0x40, s22, s18, $0xb8;
	[tilespmem:$0x1F140] =	vst v63  }
0x12a: {  	_ =	swait.ge [sflag:s28], $0x1900  }
0x12b: {  	[sflag:s28] =	ssyncset.done $0x0  }
0x12c: {  	[sflag:s28] =	ssyncadd.s32 $0xFFFFE700  }
0x12d: {  	[spmem:s2] =	stream.indirect.scatter.add.f32 [tilespmem:s21], [sflag:$0x6], $0x40, s25, s18, $0xb8;
	[tilespmem:$0x1F140] =	vst v63  }
0x12e: {  	_ =	swait.ge [sflag:s1], $0x1900  }
0x12f: {  	[sflag:s1] =	ssyncset.done $0x0  }
0x130: {  	[sflag:s1] =	ssyncadd.s32 $0xFFFFE700  }
0x131: {  	[spmem:s2] =	stream.indirect.scatter.add.f32 [tilespmem:s23], [sflag:$0x7], $0x40, s29, s18, $0xb8;
	[tilespmem:$0x1F140] =	vst v63  }
0x132: {  	_ =	swait.ge [sflag:s8], $0x1900  }
0x133: {  	[sflag:s8] =	ssyncset.done $0x0  }
0x134: {  	[sflag:s8] =	ssyncadd.s32 $0xFFFFE700  }
0x135: {  	[spmem:s2] =	stream.indirect.scatter.add.f32 [tilespmem:s26], [sflag:$0x8], $0x40, s31, s18, $0xb8;
	[tilespmem:$0x1F140] =	vst v63  }
0x136: {  	_ =	swait.ge [sflag:s30], $0x1900  }
0x137: {  	[sflag:s30] =	ssyncset.done $0x0  }
0x138: {  	[sflag:s30] =	ssyncadd.s32 $0xFFFFE700  }
0x139: {  	_ =	swait.ge [sflag:s6], $0x1900  }
0x13a: {  	[sflag:s6] =	ssyncset.done $0x0  }
0x13b: {  	[sflag:s6] =	ssyncadd.s32 $0xFFFFE700  }
0x13c: {  	_ =	swait.ge [sflag:s10], $0x1900  }
0x13d: {  	[sflag:s10] =	ssyncset.done $0x0  }
0x13e: {  	[sflag:s10] =	ssyncadd.s32 $0xFFFFE700  }
0x13f: {  	_ =	swait.ge [sflag:s12], $0x1900  }
0x140: {  	[sflag:s12] =	ssyncset.done $0x0  }
0x141: {  	[sflag:s12] =	ssyncadd.s32 $0xFFFFE700  }
0x142: {  	[bflag:$0x0] =	sbarrier.arrive $0xFFFF  }
0x143: {  	s7 =	rddreg [dreg:$0xa]  }
0x144: {  	[hbm:s7], [sflag:s15] =	dma.local [spmem:s16], $0x13C0  }
0x145: {  	_ =	swait.ge [sflag:s13], $0x13C0  }
0x146: {  	s0 =	sadd.s32 $0x1, s0;
	s11 =	rddreg [dreg:$0xb]  }
0x147: {  	p0 =	sne.s32 s0, s11  }
.Ltmp2:
0x148: {  	_ = 	snop;
	(pc) =	sbr.rel @p0 .LBB2_1-.Ltmp2, $3  }
0x149: {  	_ =	sdelay $0x1  }
0x14a: {  	[sflag:s13] =	ssyncset.done $0x0  }
0x14b: {  	[sflag:s13] =	ssyncadd.s32 $0xFFFFEC40  }
0x14c: {  	_ =	sfence.sel $0x180000  }
0x14d: {  	[bflag:$0x0] =	sbarrier.arrive $0xFFFF  }
0x14e: {  	_ =	strace $0x9000004A  }
0x14f: {  	s0 =	stileid.u32;
	[bflag:$0x2] =	sbarrier.arrive $0xFFFF  }
0x150: {  	p0 =	sne.s32 s0, $0x0;
	s0 =	rddreg [dreg:$0x4]  }
0x151: {  	s0 =	sadd.s32 @!p0 $0x100000, s0  }
0x152: {  	[sflag:s0] =	ssyncadd.tile.s32 @!p0 $0x1;
	_ =	shalt  }
.Lfunc_end2:
_tile_overlayer_lowered:
.L_overlay_start_2:
0x153: {  	(tag) =	ssettag $0x2  }
0x154: {  	s0 =	rddreg [dreg:$0x0];
	s2 =	stileid.u32  }
0x155: {  	s1 =	rddreg [dreg:$0x1];
	p0 =	sne.s32 s2, $0x0  }
0x156: {  	s3 =	rddreg [dreg:$0x2];
	[bflag:$0x3] =	sbarrier.arrive $0xFFFF;
	s2 =	simm.s32 @!p0 $0x1C09  }
0x157: {  	[timem:s3], [sflag:s2] =	dma.local @!p0 [hbm:s0], s1  }
0x158: {  	s0 =	simm.s32 @!p0 $0x9  }
0x159: {  	_ =	swait.ge @!p0 [sflag:s0], s1  }
0x15a: {  	s1 =	ssub.s32 @!p0 $0x0, s1;
	[sflag:s0] =	ssyncset.done @!p0 $0x0  }
0x15b: {  	[sflag:s0] =	ssyncadd.s32 @!p0 s1  }
0x15c: {  	[bflag:$0x3] =	sbarrier.arrive $0xFFFF  }
0x15d: {  	_ =	shalt  }

// kernel: kernel.14.cloned.1.call-start
scs
__scs_entry_jumppad:
0x0: {  	(pc) =	sbr.rel $0x88, $3  }
0x1: {  	(tag) =	ssettag $0x0;
	lr =	simm.s32 $0x1  }
0x2: {  	[smem:$0x3F9B] =	sst lr;
	_ =	strace $0xD0000000  }
0x3: {  	_ = 	snop  }
0x4: {  	_ = 	snop  }
0x5: {  	_ = 	snop  }
0x6: {  	_ = 	snop  }
0x7: {  	_ = 	snop  }
__scs_overlays_trampoline_lowered:
0x8: {  	[smem:$0x3FAA] =	sst s0  }
0x9: {  	[smem:$0x3FAB] =	sst s1  }
0xa: {  	[smem:$0x3FAC] =	sst s2  }
0xb: {  	[smem:$0x3FAD] =	sst s3  }
0xc: {  	[smem:$0x3FAE] =	sst s4  }
0xd: {  	[smem:$0x3FAF] =	sst s5  }
0xe: {  	[smem:$0x3FB0] =	sst s6  }
0xf: {  	[smem:$0x3FB1] =	sst s7  }
0x10: {  	[smem:$0x3FB2] =	sst s8  }
0x11: {  	[smem:$0x3FB3] =	sst s9;
	s0 =	simm.s32 @!p0 $0x0  }
0x12: {  	s1 =	sld [smem:$0x3F99];
	s0 =	simm.s32 @p0 $0x1  }
0x13: {  	[smem:$0x3FB4] =	sst s0;
	s0 =	simm.s32 @!p1 $0x0  }
0x14: {  	s2 =	sld [smem:$0x3F98];
	s0 =	simm.s32 @p1 $0x1  }
0x15: {  	[smem:$0x3FB5] =	sst s0;
	s0 =	simm.s32 @!p2 $0x0  }
0x16: {  	s3 =	sld [smem:$0x3FDB];
	s0 =	simm.s32 @p2 $0x1  }
0x17: {  	s4 =	simm.s32 $0x1BF5;
	[smem:$0x3FB7] =	sst s0  }
0x18: {  	s0 =	sld [smem:$0x3F9A];
	_ =	swait.ge [sflag:s4], $0x0  }
0x19: {  	s7 =	sld [smem:$0x3F9B]  }
0x1a: {  	s8 =	sadd.s32 $0xFFFFE003, lr  }
0x1b: {  	s9 =	sadd.s32 $0xFFFFFEF7, lr;
	s5 =	simm.s32 $0xFFFFFFFF;
	p2 =	slt.u32 s8, $0xFFFFF086  }
0x1c: {  	p1 =	slt.u32 s9, $0xF7A;
	s5 =	simm.s32 @!p2 $0x0  }
0x1d: {  	s5 =	simm.s32 @p1 $0x1;
	p0 =	seq.s32 s7, s2  }
0x1e: {  	s7 =	smul.u32 @!p0 $0xF7A, s2;
	p2 =	seq.s32 @!p0 s5, $0x0  }
0x1f: {  	s9 =	smul.u32 $0xF7A, s1;
	s8 =	simm.s32 @!p0 $0x1BF5;
	p2 =	por !p2, p0  }
0x20: {  	[sflag:s8] =	ssyncset.s32 @!p0 $0xFFFFF086;
	s6 =	sadd.s32 @!p0 s3, s7;
	s7 =	simm.s32 @!p0 $0x108  }
0x21: {  	s3 =	sadd.s32 s3, s9;
	s6 =	sadd.s32 @!p0 $0x88, s6;
	s7 =	simm.s32 @p2 $0x1082  }
0x22: {  	[simem:s7], [sflag:s8] =	dma.local @!p0 [hbm:s6], $0xF7A  }
0x23: {  	s9 =	sor.u32 $0xD0000000, s2;
	s6 =	simm.s32 $0x108;
	_ =	swait.ge @!p0 [sflag:s8], $0x0  }
0x24: {  	s3 =	sadd.s32 $0x88, s3;
	s6 =	simm.s32 @!p1 $0x1082;
	[sflag:s4] =	ssyncset.s32 $0xFFFFF086  }
0x25: {  	[simem:s6], [sflag:s4] =	dma.local [hbm:s3], $0xF7A  }
0x26: {  	[smem:$0x3F9B] =	sst s1;
	(tag) =	ssettag s2;
	_ =	strace s9  }
0x27: {  	s1 =	sld [smem:$0x3FAB]  }
0x28: {  	s2 =	sld [smem:$0x3FAC]  }
0x29: {  	s4 =	sld [smem:$0x3FAE]  }
0x2a: {  	p0 =	seq.s32 s5, $0x0;
	s5 =	sld [smem:$0x3FAF]  }
0x2b: {  	s6 =	sld [smem:$0x3FB0]  }
0x2c: {  	s7 =	sld [smem:$0x3FB1]  }
0x2d: {  	s3 =	simm.s32 $0x108;
	s8 =	sld [smem:$0x3FB2]  }
0x2e: {  	s3 =	simm.s32 @!p0 $0x1082;
	s9 =	sld [smem:$0x3FB3]  }
0x2f: {  	lr =	sadd.s32 s0, s3;
	s0 =	sld [smem:$0x3FAA]  }
0x30: {  	s3 =	sld [smem:$0x3FAD]  }
0x31: {  	[smem:$0x3FB6] =	sst s10  }
0x32: {  	s10 =	sld [smem:$0x3FB4];
	_ =	sdelay $0x3  }
0x33: {  	p0 =	seq.s32 s10, $0x1;
	s10 =	sld [smem:$0x3FB6];
	_ =	sdelay $0x3  }
0x34: {  	[smem:$0x3FB6] =	sst s10  }
0x35: {  	s10 =	sld [smem:$0x3FB5];
	_ =	sdelay $0x3  }
0x36: {  	p1 =	seq.s32 s10, $0x1;
	s10 =	sld [smem:$0x3FB6];
	_ =	sdelay $0x3  }
0x37: {  	[smem:$0x3FB6] =	sst s10  }
0x38: {  	s10 =	sld [smem:$0x3FB7]  }
0x39: {  	_ = 	snop;
	(pc) =	sbr.ind lr, $3  }
0x3a: {  	_ = 	snop  }
0x3b: {  	_ = 	snop  }
0x3c: {  	p2 =	seq.s32 s10, $0x1;
	s10 =	sld [smem:$0x3FB6]  }
0x3d: {  	_ =	shalt  }
0x3e: {  	_ =	shalt  }
0x3f: {  	_ =	shalt  }
0x40: {  	_ =	shalt  }
0x41: {  	_ =	shalt  }
0x42: {  	_ =	shalt  }
0x43: {  	_ =	shalt  }
0x44: {  	_ =	shalt  }
0x45: {  	_ =	shalt  }
0x46: {  	_ =	shalt  }
0x47: {  	_ =	shalt  }
0x48: {  	_ =	shalt  }
0x49: {  	_ =	shalt  }
0x4a: {  	_ =	shalt  }
0x4b: {  	_ =	shalt  }
0x4c: {  	_ =	shalt  }
0x4d: {  	_ =	shalt  }
0x4e: {  	_ =	shalt  }
0x4f: {  	_ =	shalt  }
0x50: {  	_ =	shalt  }
0x51: {  	_ =	shalt  }
0x52: {  	_ =	shalt  }
0x53: {  	_ =	shalt  }
0x54: {  	_ =	shalt  }
0x55: {  	_ =	shalt  }
0x56: {  	_ =	shalt  }
0x57: {  	_ =	shalt  }
0x58: {  	_ =	shalt  }
0x59: {  	_ =	shalt  }
0x5a: {  	_ =	shalt  }
0x5b: {  	_ =	shalt  }
0x5c: {  	_ =	shalt  }
0x5d: {  	_ =	shalt  }
0x5e: {  	_ =	shalt  }
0x5f: {  	_ =	shalt  }
0x60: {  	_ =	shalt  }
0x61: {  	_ =	shalt  }
0x62: {  	_ =	shalt  }
0x63: {  	_ =	shalt  }
0x64: {  	_ =	shalt  }
0x65: {  	_ =	shalt  }
0x66: {  	_ =	shalt  }
0x67: {  	_ =	shalt  }
0x68: {  	_ =	shalt  }
0x69: {  	_ =	shalt  }
0x6a: {  	_ =	shalt  }
0x6b: {  	_ =	shalt  }
0x6c: {  	_ =	shalt  }
0x6d: {  	_ =	shalt  }
0x6e: {  	_ =	shalt  }
0x6f: {  	_ =	shalt  }
0x70: {  	_ =	shalt  }
0x71: {  	_ =	shalt  }
0x72: {  	_ =	shalt  }
0x73: {  	_ =	shalt  }
0x74: {  	_ =	shalt  }
0x75: {  	_ =	shalt  }
0x76: {  	_ =	shalt  }
0x77: {  	_ =	shalt  }
0x78: {  	_ =	shalt  }
0x79: {  	_ =	shalt  }
0x7a: {  	_ =	shalt  }
0x7b: {  	_ =	shalt  }
0x7c: {  	_ =	shalt  }
0x7d: {  	_ =	shalt  }
0x7e: {  	_ =	shalt  }
0x7f: {  	_ =	shalt  }
0x80: {  	_ =	shalt  }
0x81: {  	_ =	shalt  }
0x82: {  	_ =	shalt  }
0x83: {  	_ =	shalt  }
0x84: {  	_ =	shalt  }
0x85: {  	_ =	shalt  }
0x86: {  	_ =	shalt  }
0x87: {  	_ =	shalt  }
.Lfunc_end0:
.L_simem_size_0:
called_computation.2_lowered:
.L_overlay_start_0:
0x88: {  	s2 =	sld [smem:$0x3FD9]  }
0x89: {  	s3 =	sld [smem:$0x3FFE];
	_ =	sdelay $0x1  }
0x8a: {  	s1 =	srdreg.scid  }
0x8b: {  	s0 =	sand.u32 $0x1, s1  }
0x8c: {  	s17 =	sshll.u32 s0, $0xA;
	s2 =	sadd.s32 s3, s2  }
0x8d: {  	s2 =	sadd.s32 s2, s17  }
0x8e: {  	[smem:$0x3FC2] =	sst s2  }
0x8f: {  	_ = 	snop  }
0x90: {  	s2 =	sld [smem:$0x3FD0];
	(tm) =	ssettm $0x1  }
0x91: {  	s18 =	sld [smem:$0x3FFB];
	_ =	sdelay $0x3  }
0x92: {  	_ =	strace s18  }
0x93: {  	s3 =	sld [smem:$0x3FFC];
	_ =	sdelay $0x3  }
0x94: {  	_ =	strace s3  }
0x95: {  	s3 =	sld [smem:$0x3FFD];
	_ =	sdelay $0x3  }
0x96: {  	_ =	strace s3  }
0x97: {  	_ =	strace $0x8FFFFFFF  }
0x98: {  	s19 =	sld [smem:$0x3FDB];
	_ =	sdelay $0x1  }
0x99: {  	s4 =	simm.s32 $_scs_section_size  }
0x9a: {  	s5 =	simm.s32 $_size__tile_overlayer_lowered;
	s6 =	simm.s32 $_tile_overlayer_lowered  }
0x9b: {  	s22 =	simm.s32 $0x1BFF;
	s21 =	sshll.u32 s6, $0x1;
	s3 =	sadd.s32 s4, s19  }
0x9c: {  	s7 =	simm.s32 $0x0;
	s20 =	sshll.u32 s5, $0x1;
	s5 =	sadd.s32 s21, s3  }
0x9d: {  	[timem:s7], [sflag:s22] =	dma.local [hbm:s5], s20  }
0x9e: {  	_ =	swait.ge [sflag:s22], s20  }
0x9f: {  	s4 =	ssub.s32 $0x0, s20;
	[sflag:s22] =	ssyncset.done $0x0  }
0xa0: {  	[sflag:s22] =	ssyncadd.s32 s4;
	_ =	sdelay $0x1  }
0xa1: {  	s23 =	simm.s32 $0x1B8B  }
0xa2: {  	_ =	swait.ge [sflag:s23], $0x1  }
0xa3: {  	[sflag:s23] =	ssyncset.done $0x0  }
0xa4: {  	s25 =	simm.s32 $0x1B8E;
	s24 =	sld [smem:$0x3FFE];
	[sflag:s23] =	ssyncadd.s32 $0xFFFFFFFF  }
0xa5: {  	s26 =	simm.s32 $execute0_lowered;
	[smem:$0x3FD2] =	sst s25  }
0xa6: {  	s5 =	sshll.u32 s26, $0x1;
	_ =	strace $0x8000004C;
	[dreg:$0x1] =	wrdreg $0xFFFFFFFF  }
0xa7: {  	s28 =	simm.s32 $_size_execute0_lowered;
	s3 =	sadd.s32 s3, s5;
	[dreg:$0x0] =	wrdreg $0x0  }
0xa8: {  	s5 =	sshll.u32 s28, $0x1;
	[dreg:$0x2] =	wrdreg s3  }
0xa9: {  	[dreg:$0x3] =	wrdreg s5  }
0xaa: {  	[dreg:$0x4] =	wrdreg $0xC0  }
0xab: {  	_ =	task [dreg:s7], $0x5FFFF  }
0xac: {  	[dreg:$0x1] =	wrdreg $0xFFFFFFFF  }
0xad: {  	[dreg:$0x0] =	wrdreg $0x60  }
0xae: {  	[dreg:$0x2] =	wrdreg s24  }
0xaf: {  	[dreg:$0x3] =	wrdreg s2  }
0xb0: {  	[dreg:$0x4] =	wrdreg $0x153400  }
0xb1: {  	[dreg:$0x5] =	wrdreg $0xB5400  }
0xb2: {  	[dreg:$0x6] =	wrdreg $0x9  }
0xb3: {  	_ =	task.clear_ibuf [dreg:s7], $0x7FFFF;
	_ =	strace $0x9000004C  }
0xb4: {  	s29 =	simm.s32 $0x9;
	_ =	strace $0x8000004E  }
0xb5: {  	_ =	swait.ge [sflag:s29], $0x1  }
0xb6: {  	[sflag:s29] =	ssyncadd.s32 $0xFFFFFFFF  }
0xb7: {  	_ =	strace $0x9000004E  }
0xb8: {  	_ =	sfence  }
0xb9: {  	s30 =	sld [smem:$0x0];
	_ =	sdelay $0x2  }
0xba: {  	s31 =	sshll.u32 s1, $0xD;
	s1 =	sshrl.u32 s1, $0x2  }
0xbb: {  	s3 =	sand.u32 $0x4000, s31;
	s1 =	sadd.s32 s1, s30  }
0xbc: {  	s0 =	sor.u32 s3, s0;
	s1 =	sshll.u32 s1, $0x11  }
0xbd: {  	s0 =	sor.u32 s1, s0  }
0xbe: {  	s0 =	sadd.s32 $0x8F2B, s0  }
0xbf: {  	[sflag:s0] =	ssyncadd.remote.s32 $0x1  }
0xc0: {  	_ =	sfence.sel $0xFFFF  }
0xc1: {  	[dreg:$0x0] =	wrdreg $0xFFFFFFFF;
	(pc) =	sbr.abs _section_cstart, $3  }
0xc2: {  	[dreg:$0x1] =	wrdreg $0xFFFFFFFF  }
0xc3: {  	_ =	task.clear_ibuf [dreg:s7], $0x2FFFF;
	_ =	strace $0x9FFFFFFF  }
0xc4: {  	(tm) =	ssettm $0x7FFFFFFF  }
0xc5: {  	_ =	shalt  }
tec
execute0_lowered:
.L_overlay_start_1:
0x0: {  	(tag) =	ssettag $0x1  }
0x1: {  	s0 =	srdreg.scid;
	s1 =	rddreg [dreg:$0x0]  }
0x2: {  	s8 =	rddreg [dreg:$0x1];
	s12 =	stileid.u32  }
0x3: {  	s2 =	rddreg [dreg:$0x2];
	s16 =	simm.s32 $0x64;
	s17 =	simm.s32 $0x5140  }
0x4: {  	s19 =	simm.s32 $0x6A40;
	s21 =	simm.s32 $0x8340;
	s22 =	simm.s32 $0x1  }
0x5: {  	s24 =	simm.s32 $0x9C40;
	s28 =	simm.s32 $0x5;
	s30 =	simm.s32 $0x3  }
0x6: {  	s18 =	simm.s32 $0x4;
	s23 =	simm.s32 $0x7;
	s9 =	smul.u32 $0x9E00, s12  }
0x7: {  	s29 =	simm.s32 $0x8;
	s0 =	sand.u32 $0x1, s0;
	s11 =	smul.u32 $0x9C40, s12  }
0x8: {  	s31 =	sshll.u32 s12, $0x6;
	s3 =	sshll.u32 s0, $0x4;
	s6 =	smul.u32 $0x9E000, s0  }
0x9: {  	s0 =	ssub.s32 $0x2, s0;
	s13 =	sor.u32 $0x1C09, s31;
	s4 =	sor.u32 s12, s3  }
0xa: {  	s3 =	rddreg [dreg:$0x3];
	s10 =	sshrl.u32 s0, $0x1;
	s26 =	sshrl.u32 s11, $0x3  }
0xb: {  	s14 =	sadd.s32 s9, s2;
	s12 =	simm.s32 $0x28A0;
	s5 =	smul.u32 $0x514, s4  }
0xc: {  	s4 =	simm.s32 $0x0;
	s25 =	sadd.s32 s9, s6;
	s0 =	ssub.s32 s0, s10  }
0xd: {  	s15 =	sadd.s32 s11, s3;
	s8 =	sadd.s32 s8, s26;
	s11 =	simm.s32 $0x9  }
0xe: {  	s14 =	sshrl.u32 s14, $0x3;
	[smem:$0x7FF] =	sst s4;
	s6 =	sshrl.u32 s25, $0x3  }
0xf: {  	s10 =	smax.u32 s0, $0x1;
	s15 =	sshrl.u32 s15, $0x3;
	s25 =	simm.s32 $0x2  }
0x10: {  	s0 =	simm.s32 $0x0;
	_ =	strace $0x8000004D;
	s7 =	sadd.s32 s5, s1  }
0x11: {  	s5 =	sadd.s32 $0x2A200, s1;
	s1 =	sadd.s32 s6, s1;
	s6 =	sadd.s32 $0xC400, s7  }
0x12: {  	s7 =	sadd.s32 $0x1C00, s7;
	s9 =	sadd.s32 $0x2B600, s1;
	s1 =	simm.s32 $0x6  }
.LBB2_1:
0x13: {  	[tilespmem:s4], [sflag:$0x9] =	stream.linear.gather [hbm4b:s6+s4], $0x28A0, $0x38;
	[tilespmem:$0x1F140] =	vst v63  }
0x14: {  	_ =	swait.ge [sflag:s11], $0x28A0  }
0x15: {  	[sflag:s11] =	ssyncset.done $0x0  }
0x16: {  	[sflag:s11] =	ssyncadd.s32 $0xFFFFD760  }
0x17: {  	[tilespmem:s12], [sflag:$0x9] =	stream.linear.gather [hbm4b:s7+s4], $0x28A0, $0x38;
	[tilespmem:$0x1F140] =	vst v63  }
0x18: {  	_ =	swait.ge [sflag:s11], $0x28A0  }
0x19: {  	[sflag:s11] =	ssyncset.done $0x0  }
0x1a: {  	[sflag:s11] =	ssyncadd.s32 $0xFFFFD760  }
0x1b: {  	[spmem:s14], [sflag:s13] =	dma.local [hbm:s5], $0x13C0  }
0x1c: {  	_ =	swait.ge [sflag:s11], $0x13C0  }
0x1d: {  	[sflag:s11] =	ssyncset.done $0x0  }
0x1e: {  	[sflag:s11] =	ssyncadd.s32 $0xFFFFEC40  }
0x1f: {  	[spmem:s15], [sflag:s13] =	dma.local [hbm:s8], $0x1388  }
0x20: {  	_ =	swait.ge [sflag:s11], $0x1388  }
0x21: {  	[sflag:s11] =	ssyncset.done $0x0  }
0x22: {  	[sflag:s11] =	ssyncadd.s32 $0xFFFFEC78  }
0x23: {  	[bflag:$0x0] =	sbarrier.arrive $0xFFFF  }
0x24: {  	[tilespmem:s17], [sflag:$0x1] =	stream.indirect.gather [spmem:s3], $0x40, s4, s16, $0xb8;
	[tilespmem:$0x1F140] =	vst v63  }
0x25: {  	s20 =	simm.s32 $0x68  }
0x26: {  	[tilespmem:s19], [sflag:$0x2] =	stream.indirect.gather [spmem:s3], $0x40, s20, s16, $0xb8;
	[tilespmem:$0x1F140] =	vst v63  }
0x27: {  	s31 =	simm.s32 $0xD0  }
0x28: {  	[tilespmem:s21], [sflag:$0x3] =	stream.indirect.gather [spmem:s3], $0x40, s31, s16, $0xb8;
	[tilespmem:$0x1F140] =	vst v63  }
0x29: {  	_ =	swait.ge [sflag:s22], $0x1900  }
0x2a: {  	[sflag:s22] =	ssyncset.done $0x0  }
0x2b: {  	[sflag:s22] =	ssyncadd.s32 $0xFFFFE700  }
0x2c: {  	[spmem:s2] =	stream.indirect.scatter.add.f32 [tilespmem:s17], [sflag:$0x5], $0x40, s12, s16, $0xb8;
	[tilespmem:$0x1F140] =	vst v63  }
0x2d: {  	s26 =	simm.s32 $0x138  }
0x2e: {  	[tilespmem:s24], [sflag:$0x4] =	stream.indirect.gather [spmem:s3], $0x40, s26, s16, $0xb8;
	[tilespmem:$0x1F140] =	vst v63  }
0x2f: {  	_ =	swait.ge [sflag:s25], $0x1900  }
0x30: {  	[sflag:s25] =	ssyncset.done $0x0  }
0x31: {  	s31 =	simm.s32 $0x2908;
	[sflag:s25] =	ssyncadd.s32 $0xFFFFE700  }
0x32: {  	[spmem:s2] =	stream.indirect.scatter.add.f32 [tilespmem:s19], [sflag:$0x6], $0x40, s31, s16, $0xb8;
	[tilespmem:$0x1F140] =	vst v63  }
0x33: {  	_ =	swait.ge [sflag:s28], $0x1900  }
0x34: {  	[sflag:s28] =	ssyncset.done $0x0  }
0x35: {  	s26 =	simm.s32 $0x1A0;
	[sflag:s28] =	ssyncadd.s32 $0xFFFFE700  }
0x36: {  	[tilespmem:s17], [sflag:$0x1] =	stream.indirect.gather [spmem:s3], $0x40, s26, s16, $0xb8;
	[tilespmem:$0x1F140] =	vst v63  }
0x37: {  	_ =	swait.ge [sflag:s30], $0x1900  }
0x38: {  	[sflag:s30] =	ssyncset.done $0x0  }
0x39: {  	s31 =	simm.s32 $0x2970;
	[sflag:s30] =	ssyncadd.s32 $0xFFFFE700  }
0x3a: {  	[spmem:s2] =	stream.indirect.scatter.add.f32 [tilespmem:s21], [sflag:$0x7], $0x40, s31, s16, $0xb8;
	[tilespmem:$0x1F140] =	vst v63  }
0x3b: {  	_ =	swait.ge [sflag:s1], $0x1900  }
0x3c: {  	[sflag:s1] =	ssyncset.done $0x0  }
0x3d: {  	s26 =	simm.s32 $0x208;
	[sflag:s1] =	ssyncadd.s32 $0xFFFFE700  }
0x3e: {  	[tilespmem:s19], [sflag:$0x2] =	stream.indirect.gather [spmem:s3], $0x40, s26, s16, $0xb8;
	[tilespmem:$0x1F140] =	vst v63  }
0x3f: {  	_ =	swait.ge [sflag:s18], $0x1900  }
0x40: {  	[sflag:s18] =	ssyncset.done $0x0  }
0x41: {  	s31 =	simm.s32 $0x29D8;
	[sflag:s18] =	ssyncadd.s32 $0xFFFFE700  }
0x42: {  	[spmem:s2] =	stream.indirect.scatter.add.f32 [tilespmem:s24], [sflag:$0x8], $0x40, s31, s16, $0xb8;
	[tilespmem:$0x1F140] =	vst v63  }
0x43: {  	_ =	swait.ge [sflag:s23], $0x1900  }
0x44: {  	[sflag:s23] =	ssyncset.done $0x0  }
0x45: {  	s26 =	simm.s32 $0x270;
	[sflag:s23] =	ssyncadd.s32 $0xFFFFE700  }
0x46: {  	[tilespmem:s21], [sflag:$0x3] =	stream.indirect.gather [spmem:s3], $0x40, s26, s16, $0xb8;
	[tilespmem:$0x1F140] =	vst v63  }
0x47: {  	_ =	swait.ge [sflag:s22], $0x1900  }
0x48: {  	[sflag:s22] =	ssyncset.done $0x0  }
0x49: {  	s31 =	simm.s32 $0x2A40;
	[sflag:s22] =	ssyncadd.s32 $0xFFFFE700  }
0x4a: {  	[spmem:s2] =	stream.indirect.scatter.add.f32 [tilespmem:s17], [sflag:$0x5], $0x40, s31, s16, $0xb8;
	[tilespmem:$0x1F140] =	vst v63  }
0x4b: {  	_ =	swait.ge [sflag:s29], $0x1900  }
0x4c: {  	[sflag:s29] =	ssyncset.done $0x0  }
0x4d: {  	s26 =	simm.s32 $0x2D8;
	[sflag:s29] =	ssyncadd.s32 $0xFFFFE700  }
0x4e: {  	[tilespmem:s24], [sflag:$0x4] =	stream.indirect.gather [spmem:s3], $0x40, s26, s16, $0xb8;
	[tilespmem:$0x1F140] =	vst v63  }
0x4f: {  	_ =	swait.ge [sflag:s25], $0x1900  }
0x50: {  	[sflag:s25] =	ssyncset.done $0x0  }
0x51: {  	s31 =	simm.s32 $0x2AA8;
	[sflag:s25] =	ssyncadd.s32 $0xFFFFE700  }
0x52: {  	[spmem:s2] =	stream.indirect.scatter.add.f32 [tilespmem:s19], [sflag:$0x6], $0x40, s31, s16, $0xb8;
	[tilespmem:$0x1F140] =	vst v63  }
0x53: {  	_ =	swait.ge [sflag:s28], $0x1900  }
0x54: {  	[sflag:s28] =	ssyncset.done $0x0  }
0x55: {  	s26 =	simm.s32 $0x340;
	[sflag:s28] =	ssyncadd.s32 $0xFFFFE700  }
0x56: {  	[tilespmem:s17], [sflag:$0x1] =	stream.indirect.gather [spmem:s3], $0x40, s26, s16, $0xb8;
	[tilespmem:$0x1F140] =	vst v63  }
0x57: {  	_ =	swait.ge [sflag:s30], $0x1900  }
0x58: {  	[sflag:s30] =	ssyncset.done $0x0  }
0x59: {  	s31 =	simm.s32 $0x2B10;
	[sflag:s30] =	ssyncadd.s32 $0xFFFFE700  }
0x5a: {  	[spmem:s2] =	stream.indirect.scatter.add.f32 [tilespmem:s21], [sflag:$0x7], $0x40, s31, s16, $0xb8;
	[tilespmem:$0x1F140] =	vst v63  }
0x5b: {  	_ =	swait.ge [sflag:s1], $0x1900  }
0x5c: {  	[sflag:s1] =	ssyncset.done $0x0  }
0x5d: {  	s26 =	simm.s32 $0x3A8;
	[sflag:s1] =	ssyncadd.s32 $0xFFFFE700  }
0x5e: {  	[tilespmem:s19], [sflag:$0x2] =	stream.indirect.gather [spmem:s3], $0x40, s26, s16, $0xb8;
	[tilespmem:$0x1F140] =	vst v63  }
0x5f: {  	_ =	swait.ge [sflag:s18], $0x1900  }
0x60: {  	[sflag:s18] =	ssyncset.done $0x0  }
0x61: {  	s31 =	simm.s32 $0x2B78;
	[sflag:s18] =	ssyncadd.s32 $0xFFFFE700  }
0x62: {  	[spmem:s2] =	stream.indirect.scatter.add.f32 [tilespmem:s24], [sflag:$0x8], $0x40, s31, s16, $0xb8;
	[tilespmem:$0x1F140] =	vst v63  }
0x63: {  	_ =	swait.ge [sflag:s23], $0x1900  }
0x64: {  	[sflag:s23] =	ssyncset.done $0x0  }
0x65: {  	s20 =	simm.s32 $0x680;
	s26 =	simm.s32 $0x410;
	[sflag:s23] =	ssyncadd.s32 $0xFFFFE700  }
.LBB2_2:
0x66: {  	[tilespmem:s21], [sflag:$0x3] =	stream.indirect.gather [spmem:s3], $0x40, s26, s16, $0xb8;
	[tilespmem:$0x1F140] =	vst v63  }
0x67: {  	s26 =	smov.u32 s20  }
0x68: {  	p0 =	sne.s32 s20, $0x8F00;
	s20 =	sadd.s32 $0x680, s20;
	_ =	swait.ge [sflag:s22], $0x1900  }
0x69: {  	s26 =	sshra.s32 s26, $0x2;
	[sflag:s22] =	ssyncset.done $0x0  }
0x6a: {  	s31 =	sadd.s32 $0x2A40, s26;
	[sflag:s22] =	ssyncadd.s32 $0xFFFFE700  }
0x6b: {  	[spmem:s2] =	stream.indirect.scatter.add.f32 [tilespmem:s17], [sflag:$0x5], $0x40, s31, s16, $0xb8;
	[tilespmem:$0x1F140] =	vst v63  }
0x6c: {  	_ =	swait.ge [sflag:s29], $0x1900  }
0x6d: {  	[sflag:s29] =	ssyncset.done $0x0  }
0x6e: {  	s31 =	sadd.s32 $0x2D8, s26;
	[sflag:s29] =	ssyncadd.s32 $0xFFFFE700  }
0x6f: {  	[tilespmem:s24], [sflag:$0x4] =	stream.indirect.gather [spmem:s3], $0x40, s31, s16, $0xb8;
	[tilespmem:$0x1F140] =	vst v63  }
0x70: {  	_ =	swait.ge [sflag:s25], $0x1900  }
0x71: {  	[sflag:s25] =	ssyncset.done $0x0  }
0x72: {  	s31 =	sadd.s32 $0x2AA8, s26;
	[sflag:s25] =	ssyncadd.s32 $0xFFFFE700  }
0x73: {  	[spmem:s2] =	stream.indirect.scatter.add.f32 [tilespmem:s19], [sflag:$0x6], $0x40, s31, s16, $0xb8;
	[tilespmem:$0x1F140] =	vst v63  }
0x74: {  	_ =	swait.ge [sflag:s28], $0x1900  }
0x75: {  	[sflag:s28] =	ssyncset.done $0x0  }
0x76: {  	s31 =	sadd.s32 $0x340, s26;
	[sflag:s28] =	ssyncadd.s32 $0xFFFFE700  }
0x77: {  	[tilespmem:s17], [sflag:$0x1] =	stream.indirect.gather [spmem:s3], $0x40, s31, s16, $0xb8;
	[tilespmem:$0x1F140] =	vst v63  }
0x78: {  	_ =	swait.ge [sflag:s30], $0x1900  }
0x79: {  	[sflag:s30] =	ssyncset.done $0x0  }
0x7a: {  	s31 =	sadd.s32 $0x2B10, s26;
	[sflag:s30] =	ssyncadd.s32 $0xFFFFE700  }
0x7b: {  	[spmem:s2] =	stream.indirect.scatter.add.f32 [tilespmem:s21], [sflag:$0x7], $0x40, s31, s16, $0xb8;
	[tilespmem:$0x1F140] =	vst v63  }
0x7c: {  	_ =	swait.ge [sflag:s1], $0x1900  }
0x7d: {  	[sflag:s1] =	ssyncset.done $0x0  }
0x7e: {  	s31 =	sadd.s32 $0x3A8, s26;
	[sflag:s1] =	ssyncadd.s32 $0xFFFFE700  }
0x7f: {  	[tilespmem:s19], [sflag:$0x2] =	stream.indirect.gather [spmem:s3], $0x40, s31, s16, $0xb8;
	[tilespmem:$0x1F140] =	vst v63  }
0x80: {  	_ =	swait.ge [sflag:s18], $0x1900  }
0x81: {  	[sflag:s18] =	ssyncset.done $0x0  }
.Ltmp0:
0x82: {  	s31 =	sadd.s32 $0x2B78, s26;
	[sflag:s18] =	ssyncadd.s32 $0xFFFFE700;
	(pc) =	sbr.rel @p0 .LBB2_2-.Ltmp0, $4  }
0x83: {  	[spmem:s2] =	stream.indirect.scatter.add.f32 [tilespmem:s24], [sflag:$0x8], $0x40, s31, s16, $0xb8;
	[tilespmem:$0x1F140] =	vst v63  }
0x84: {  	_ =	swait.ge [sflag:s23], $0x1900  }
0x85: {  	[sflag:s23] =	ssyncset.done $0x0  }
0x86: {  	s26 =	sadd.s32 $0x410, s26;
	[sflag:s23] =	ssyncadd.s32 $0xFFFFE700  }
0x87: {  	[tilespmem:s21], [sflag:$0x3] =	stream.indirect.gather [spmem:s3], $0x40, s26, s16, $0xb8;
	[tilespmem:$0x1F140] =	vst v63  }
0x88: {  	_ =	swait.ge [sflag:s22], $0x1900  }
0x89: {  	[sflag:s22] =	ssyncset.done $0x0  }
0x8a: {  	s20 =	simm.s32 $0x4FA0;
	[sflag:s22] =	ssyncadd.s32 $0xFFFFE700  }
0x8b: {  	[spmem:s2] =	stream.indirect.scatter.add.f32 [tilespmem:s17], [sflag:$0x5], $0x40, s20, s16, $0xb8;
	[tilespmem:$0x1F140] =	vst v63  }
0x8c: {  	_ =	swait.ge [sflag:s29], $0x1900  }
0x8d: {  	[sflag:s29] =	ssyncset.done $0x0  }
0x8e: {  	s26 =	simm.s32 $0x2838;
	[sflag:s29] =	ssyncadd.s32 $0xFFFFE700  }
0x8f: {  	[tilespmem:s24], [sflag:$0x4] =	stream.indirect.gather [spmem:s3], $0x40, s26, s16, $0xb8;
	[tilespmem:$0x1F140] =	vst v63  }
0x90: {  	_ =	swait.ge [sflag:s25], $0x1900  }
0x91: {  	[sflag:s25] =	ssyncset.done $0x0  }
0x92: {  	s31 =	simm.s32 $0x5008;
	[sflag:s25] =	ssyncadd.s32 $0xFFFFE700  }
0x93: {  	[spmem:s2] =	stream.indirect.scatter.add.f32 [tilespmem:s19], [sflag:$0x6], $0x40, s31, s16, $0xb8;
	[tilespmem:$0x1F140] =	vst v63  }
0x94: {  	_ =	swait.ge [sflag:s30], $0x1900  }
0x95: {  	[sflag:s30] =	ssyncset.done $0x0  }
0x96: {  	s26 =	simm.s32 $0x5070;
	[sflag:s30] =	ssyncadd.s32 $0xFFFFE700  }
0x97: {  	[spmem:s2] =	stream.indirect.scatter.add.f32 [tilespmem:s21], [sflag:$0x7], $0x40, s26, s16, $0xb8;
	[tilespmem:$0x1F140] =	vst v63  }
0x98: {  	_ =	swait.ge [sflag:s18], $0x1900  }
0x99: {  	[sflag:s18] =	ssyncset.done $0x0  }
0x9a: {  	s31 =	simm.s32 $0x50D8;
	[sflag:s18] =	ssyncadd.s32 $0xFFFFE700  }
0x9b: {  	[spmem:s2] =	stream.indirect.scatter.add.f32 [tilespmem:s24], [sflag:$0x8], $0x40, s31, s16, $0xb8;
	[tilespmem:$0x1F140] =	vst v63  }
0x9c: {  	_ =	swait.ge [sflag:s28], $0x1900  }
0x9d: {  	[sflag:s28] =	ssyncset.done $0x0  }
0x9e: {  	[sflag:s28] =	ssyncadd.s32 $0xFFFFE700  }
0x9f: {  	_ =	swait.ge [sflag:s1], $0x1900  }
0xa0: {  	[sflag:s1] =	ssyncset.done $0x0  }
0xa1: {  	[sflag:s1] =	ssyncadd.s32 $0xFFFFE700  }
0xa2: {  	_ =	swait.ge [sflag:s23], $0x1900  }
0xa3: {  	[sflag:s23] =	ssyncset.done $0x0  }
0xa4: {  	[sflag:s23] =	ssyncadd.s32 $0xFFFFE700  }
0xa5: {  	_ =	swait.ge [sflag:s29], $0x1900  }
0xa6: {  	s0 =	sadd.s32 $0x1, s0;
	[sflag:s29] =	ssyncset.done $0x0  }
0xa7: {  	p0 =	sne.s32 s0, s10;
	[sflag:s29] =	ssyncadd.s32 $0xFFFFE700  }
.Ltmp1:
0xa8: {  	[bflag:$0x0] =	sbarrier.arrive $0xFFFF;
	(pc) =	sbr.rel @p0 .LBB2_1-.Ltmp1, $4  }
0xa9: {  	[hbm:s9], [sflag:s13] =	dma.local [spmem:s14], $0x13C0  }
0xaa: {  	_ =	swait.ge [sflag:s11], $0x13C0  }
0xab: {  	[sflag:s11] =	ssyncset.done $0x0  }
0xac: {  	[sflag:s11] =	ssyncadd.s32 $0xFFFFEC40  }
0xad: {  	_ =	sfence.sel $0x180000  }
0xae: {  	[bflag:$0x0] =	sbarrier.arrive $0xFFFF  }
0xaf: {  	_ =	strace $0x9000004D  }
0xb0: {  	s0 =	stileid.u32;
	[bflag:$0x2] =	sbarrier.arrive $0xFFFF  }
0xb1: {  	p0 =	sne.s32 s0, $0x0;
	s0 =	rddreg [dreg:$0x4]  }
0xb2: {  	s0 =	sadd.s32 @!p0 $0x100000, s0  }
0xb3: {  	[sflag:s0] =	ssyncadd.tile.s32 @!p0 $0x1;
	_ =	shalt  }
.Lfunc_end2:
_tile_overlayer_lowered:
.L_overlay_start_2:
0xb4: {  	(tag) =	ssettag $0x2  }
0xb5: {  	s0 =	rddreg [dreg:$0x0];
	s2 =	stileid.u32  }
0xb6: {  	s1 =	rddreg [dreg:$0x1];
	p0 =	sne.s32 s2, $0x0  }
0xb7: {  	s3 =	rddreg [dreg:$0x2];
	[bflag:$0x3] =	sbarrier.arrive $0xFFFF;
	s2 =	simm.s32 @!p0 $0x1C09  }
0xb8: {  	[timem:s3], [sflag:s2] =	dma.local @!p0 [hbm:s0], s1  }
0xb9: {  	s0 =	simm.s32 @!p0 $0x9  }
0xba: {  	_ =	swait.ge @!p0 [sflag:s0], s1  }
0xbb: {  	s1 =	ssub.s32 @!p0 $0x0, s1;
	[sflag:s0] =	ssyncset.done @!p0 $0x0  }
0xbc: {  	[sflag:s0] =	ssyncadd.s32 @!p0 s1  }
0xbd: {  	[bflag:$0x3] =	sbarrier.arrive $0xFFFF  }
0xbe: {  	_ =	shalt  }

// kernel: kernel.8.cloned.1.call-start
scs
__scs_entry_jumppad:
0x0: {  	(pc) =	sbr.rel $0x88, $3  }
0x1: {  	(tag) =	ssettag $0x0;
	lr =	simm.s32 $0x1  }
0x2: {  	[smem:$0x3F9B] =	sst lr;
	_ =	strace $0xD0000000  }
0x3: {  	_ = 	snop  }
0x4: {  	_ = 	snop  }
0x5: {  	_ = 	snop  }
0x6: {  	_ = 	snop  }
0x7: {  	_ = 	snop  }
__scs_overlays_trampoline_lowered:
0x8: {  	[smem:$0x3FAA] =	sst s0  }
0x9: {  	[smem:$0x3FAB] =	sst s1  }
0xa: {  	[smem:$0x3FAC] =	sst s2  }
0xb: {  	[smem:$0x3FAD] =	sst s3  }
0xc: {  	[smem:$0x3FAE] =	sst s4  }
0xd: {  	[smem:$0x3FAF] =	sst s5  }
0xe: {  	[smem:$0x3FB0] =	sst s6  }
0xf: {  	[smem:$0x3FB1] =	sst s7  }
0x10: {  	[smem:$0x3FB2] =	sst s8  }
0x11: {  	[smem:$0x3FB3] =	sst s9;
	s0 =	simm.s32 @!p0 $0x0  }
0x12: {  	s1 =	sld [smem:$0x3F99];
	s0 =	simm.s32 @p0 $0x1  }
0x13: {  	[smem:$0x3FB4] =	sst s0;
	s0 =	simm.s32 @!p1 $0x0  }
0x14: {  	s2 =	sld [smem:$0x3F98];
	s0 =	simm.s32 @p1 $0x1  }
0x15: {  	[smem:$0x3FB5] =	sst s0;
	s0 =	simm.s32 @!p2 $0x0  }
0x16: {  	s3 =	sld [smem:$0x3FDB];
	s0 =	simm.s32 @p2 $0x1  }
0x17: {  	s4 =	simm.s32 $0x1BF5;
	[smem:$0x3FB7] =	sst s0  }
0x18: {  	s0 =	sld [smem:$0x3F9A];
	_ =	swait.ge [sflag:s4], $0x0  }
0x19: {  	s7 =	sld [smem:$0x3F9B]  }
0x1a: {  	s8 =	sadd.s32 $0xFFFFE003, lr  }
0x1b: {  	s9 =	sadd.s32 $0xFFFFFEF7, lr;
	s5 =	simm.s32 $0xFFFFFFFF;
	p2 =	slt.u32 s8, $0xFFFFF086  }
0x1c: {  	p1 =	slt.u32 s9, $0xF7A;
	s5 =	simm.s32 @!p2 $0x0  }
0x1d: {  	s5 =	simm.s32 @p1 $0x1;
	p0 =	seq.s32 s7, s2  }
0x1e: {  	s7 =	smul.u32 @!p0 $0xF7A, s2;
	p2 =	seq.s32 @!p0 s5, $0x0  }
0x1f: {  	s9 =	smul.u32 $0xF7A, s1;
	s8 =	simm.s32 @!p0 $0x1BF5;
	p2 =	por !p2, p0  }
0x20: {  	[sflag:s8] =	ssyncset.s32 @!p0 $0xFFFFF086;
	s6 =	sadd.s32 @!p0 s3, s7;
	s7 =	simm.s32 @!p0 $0x108  }
0x21: {  	s3 =	sadd.s32 s3, s9;
	s6 =	sadd.s32 @!p0 $0x88, s6;
	s7 =	simm.s32 @p2 $0x1082  }
0x22: {  	[simem:s7], [sflag:s8] =	dma.local @!p0 [hbm:s6], $0xF7A  }
0x23: {  	s9 =	sor.u32 $0xD0000000, s2;
	s6 =	simm.s32 $0x108;
	_ =	swait.ge @!p0 [sflag:s8], $0x0  }
0x24: {  	s3 =	sadd.s32 $0x88, s3;
	s6 =	simm.s32 @!p1 $0x1082;
	[sflag:s4] =	ssyncset.s32 $0xFFFFF086  }
0x25: {  	[simem:s6], [sflag:s4] =	dma.local [hbm:s3], $0xF7A  }
0x26: {  	[smem:$0x3F9B] =	sst s1;
	(tag) =	ssettag s2;
	_ =	strace s9  }
0x27: {  	s1 =	sld [smem:$0x3FAB]  }
0x28: {  	s2 =	sld [smem:$0x3FAC]  }
0x29: {  	s4 =	sld [smem:$0x3FAE]  }
0x2a: {  	p0 =	seq.s32 s5, $0x0;
	s5 =	sld [smem:$0x3FAF]  }
0x2b: {  	s6 =	sld [smem:$0x3FB0]  }
0x2c: {  	s7 =	sld [smem:$0x3FB1]  }
0x2d: {  	s3 =	simm.s32 $0x108;
	s8 =	sld [smem:$0x3FB2]  }
0x2e: {  	s3 =	simm.s32 @!p0 $0x1082;
	s9 =	sld [smem:$0x3FB3]  }
0x2f: {  	lr =	sadd.s32 s0, s3;
	s0 =	sld [smem:$0x3FAA]  }
0x30: {  	s3 =	sld [smem:$0x3FAD]  }
0x31: {  	[smem:$0x3FB6] =	sst s10  }
0x32: {  	s10 =	sld [smem:$0x3FB4];
	_ =	sdelay $0x3  }
0x33: {  	p0 =	seq.s32 s10, $0x1;
	s10 =	sld [smem:$0x3FB6];
	_ =	sdelay $0x3  }
0x34: {  	[smem:$0x3FB6] =	sst s10  }
0x35: {  	s10 =	sld [smem:$0x3FB5];
	_ =	sdelay $0x3  }
0x36: {  	p1 =	seq.s32 s10, $0x1;
	s10 =	sld [smem:$0x3FB6];
	_ =	sdelay $0x3  }
0x37: {  	[smem:$0x3FB6] =	sst s10  }
0x38: {  	s10 =	sld [smem:$0x3FB7]  }
0x39: {  	_ = 	snop;
	(pc) =	sbr.ind lr, $3  }
0x3a: {  	_ = 	snop  }
0x3b: {  	_ = 	snop  }
0x3c: {  	p2 =	seq.s32 s10, $0x1;
	s10 =	sld [smem:$0x3FB6]  }
0x3d: {  	_ =	shalt  }
0x3e: {  	_ =	shalt  }
0x3f: {  	_ =	shalt  }
0x40: {  	_ =	shalt  }
0x41: {  	_ =	shalt  }
0x42: {  	_ =	shalt  }
0x43: {  	_ =	shalt  }
0x44: {  	_ =	shalt  }
0x45: {  	_ =	shalt  }
0x46: {  	_ =	shalt  }
0x47: {  	_ =	shalt  }
0x48: {  	_ =	shalt  }
0x49: {  	_ =	shalt  }
0x4a: {  	_ =	shalt  }
0x4b: {  	_ =	shalt  }
0x4c: {  	_ =	shalt  }
0x4d: {  	_ =	shalt  }
0x4e: {  	_ =	shalt  }
0x4f: {  	_ =	shalt  }
0x50: {  	_ =	shalt  }
0x51: {  	_ =	shalt  }
0x52: {  	_ =	shalt  }
0x53: {  	_ =	shalt  }
0x54: {  	_ =	shalt  }
0x55: {  	_ =	shalt  }
0x56: {  	_ =	shalt  }
0x57: {  	_ =	shalt  }
0x58: {  	_ =	shalt  }
0x59: {  	_ =	shalt  }
0x5a: {  	_ =	shalt  }
0x5b: {  	_ =	shalt  }
0x5c: {  	_ =	shalt  }
0x5d: {  	_ =	shalt  }
0x5e: {  	_ =	shalt  }
0x5f: {  	_ =	shalt  }
0x60: {  	_ =	shalt  }
0x61: {  	_ =	shalt  }
0x62: {  	_ =	shalt  }
0x63: {  	_ =	shalt  }
0x64: {  	_ =	shalt  }
0x65: {  	_ =	shalt  }
0x66: {  	_ =	shalt  }
0x67: {  	_ =	shalt  }
0x68: {  	_ =	shalt  }
0x69: {  	_ =	shalt  }
0x6a: {  	_ =	shalt  }
0x6b: {  	_ =	shalt  }
0x6c: {  	_ =	shalt  }
0x6d: {  	_ =	shalt  }
0x6e: {  	_ =	shalt  }
0x6f: {  	_ =	shalt  }
0x70: {  	_ =	shalt  }
0x71: {  	_ =	shalt  }
0x72: {  	_ =	shalt  }
0x73: {  	_ =	shalt  }
0x74: {  	_ =	shalt  }
0x75: {  	_ =	shalt  }
0x76: {  	_ =	shalt  }
0x77: {  	_ =	shalt  }
0x78: {  	_ =	shalt  }
0x79: {  	_ =	shalt  }
0x7a: {  	_ =	shalt  }
0x7b: {  	_ =	shalt  }
0x7c: {  	_ =	shalt  }
0x7d: {  	_ =	shalt  }
0x7e: {  	_ =	shalt  }
0x7f: {  	_ =	shalt  }
0x80: {  	_ =	shalt  }
0x81: {  	_ =	shalt  }
0x82: {  	_ =	shalt  }
0x83: {  	_ =	shalt  }
0x84: {  	_ =	shalt  }
0x85: {  	_ =	shalt  }
0x86: {  	_ =	shalt  }
0x87: {  	_ =	shalt  }
.Lfunc_end0:
.L_simem_size_0:
called_computation_lowered:
.L_overlay_start_0:
0x88: {  	s2 =	sld [smem:$0x3FD9]  }
0x89: {  	s3 =	sld [smem:$0x3FFE];
	_ =	sdelay $0x1  }
0x8a: {  	s1 =	srdreg.scid  }
0x8b: {  	s0 =	sand.u32 $0x1, s1  }
0x8c: {  	s17 =	sshll.u32 s0, $0xA;
	s2 =	sadd.s32 s3, s2  }
0x8d: {  	s2 =	sadd.s32 s2, s17  }
0x8e: {  	[smem:$0x3FC2] =	sst s2  }
0x8f: {  	_ = 	snop  }
0x90: {  	s2 =	sld [smem:$0x3FD0];
	(tm) =	ssettm $0x1  }
0x91: {  	s18 =	sld [smem:$0x3FFB];
	_ =	sdelay $0x3  }
0x92: {  	_ =	strace s18  }
0x93: {  	s3 =	sld [smem:$0x3FFC];
	_ =	sdelay $0x3  }
0x94: {  	_ =	strace s3  }
0x95: {  	s3 =	sld [smem:$0x3FFD];
	_ =	sdelay $0x3  }
0x96: {  	_ =	strace s3  }
0x97: {  	_ =	strace $0x8FFFFFFF  }
0x98: {  	s19 =	sld [smem:$0x3FDB];
	_ =	sdelay $0x1  }
0x99: {  	s4 =	simm.s32 $_scs_section_size  }
0x9a: {  	s5 =	simm.s32 $_size__tile_overlayer_lowered;
	s6 =	simm.s32 $_tile_overlayer_lowered  }
0x9b: {  	s22 =	simm.s32 $0x1BFF;
	s21 =	sshll.u32 s6, $0x1;
	s3 =	sadd.s32 s4, s19  }
0x9c: {  	s7 =	simm.s32 $0x0;
	s20 =	sshll.u32 s5, $0x1;
	s5 =	sadd.s32 s21, s3  }
0x9d: {  	[timem:s7], [sflag:s22] =	dma.local [hbm:s5], s20  }
0x9e: {  	_ =	swait.ge [sflag:s22], s20  }
0x9f: {  	s4 =	ssub.s32 $0x0, s20;
	[sflag:s22] =	ssyncset.done $0x0  }
0xa0: {  	[sflag:s22] =	ssyncadd.s32 s4;
	_ =	sdelay $0x1  }
0xa1: {  	s23 =	simm.s32 $0x1B8B  }
0xa2: {  	_ =	swait.ge [sflag:s23], $0x1  }
0xa3: {  	[sflag:s23] =	ssyncset.done $0x0  }
0xa4: {  	s25 =	simm.s32 $0x1B8E;
	s24 =	sld [smem:$0x3FFE];
	[sflag:s23] =	ssyncadd.s32 $0xFFFFFFFF  }
0xa5: {  	s26 =	simm.s32 $execute0_lowered;
	[smem:$0x3FD2] =	sst s25  }
0xa6: {  	s5 =	sshll.u32 s26, $0x1;
	_ =	strace $0x80000046;
	[dreg:$0x1] =	wrdreg $0xFFFFFFFF  }
0xa7: {  	s28 =	simm.s32 $_size_execute0_lowered;
	s3 =	sadd.s32 s3, s5;
	[dreg:$0x0] =	wrdreg $0x0  }
0xa8: {  	s5 =	sshll.u32 s28, $0x1;
	[dreg:$0x2] =	wrdreg s3  }
0xa9: {  	[dreg:$0x3] =	wrdreg s5  }
0xaa: {  	[dreg:$0x4] =	wrdreg $0xC0  }
0xab: {  	_ =	task [dreg:s7], $0x5FFFF  }
0xac: {  	[dreg:$0x1] =	wrdreg $0xFFFFFFFF  }
0xad: {  	[dreg:$0x0] =	wrdreg $0x60  }
0xae: {  	[dreg:$0x2] =	wrdreg s24  }
0xaf: {  	[dreg:$0x3] =	wrdreg s2  }
0xb0: {  	[dreg:$0x4] =	wrdreg $0x29080  }
0xb1: {  	[dreg:$0x5] =	wrdreg $0x9  }
0xb2: {  	_ =	task.clear_ibuf [dreg:s7], $0x6FFFF;
	_ =	strace $0x90000046  }
0xb3: {  	s29 =	simm.s32 $0x9;
	_ =	strace $0x80000048  }
0xb4: {  	_ =	swait.ge [sflag:s29], $0x1  }
0xb5: {  	[sflag:s29] =	ssyncadd.s32 $0xFFFFFFFF  }
0xb6: {  	_ =	strace $0x90000048  }
0xb7: {  	_ =	sfence  }
0xb8: {  	s30 =	sld [smem:$0x0];
	_ =	sdelay $0x2  }
0xb9: {  	s31 =	sshll.u32 s1, $0xD;
	s1 =	sshrl.u32 s1, $0x2  }
0xba: {  	s3 =	sand.u32 $0x4000, s31;
	s1 =	sadd.s32 s1, s30  }
0xbb: {  	s0 =	sor.u32 s3, s0;
	s1 =	sshll.u32 s1, $0x11  }
0xbc: {  	s0 =	sor.u32 s1, s0  }
0xbd: {  	s0 =	sadd.s32 $0x8F2B, s0  }
0xbe: {  	[sflag:s0] =	ssyncadd.remote.s32 $0x1  }
0xbf: {  	_ =	sfence.sel $0xFFFF  }
0xc0: {  	[dreg:$0x0] =	wrdreg $0xFFFFFFFF;
	(pc) =	sbr.abs _section_cstart, $3  }
0xc1: {  	[dreg:$0x1] =	wrdreg $0xFFFFFFFF  }
0xc2: {  	_ =	task.clear_ibuf [dreg:s7], $0x2FFFF;
	_ =	strace $0x9FFFFFFF  }
0xc3: {  	(tm) =	ssettm $0x7FFFFFFF  }
tec
execute0_lowered:
.L_overlay_start_1:
0x0: {  	(tag) =	ssettag $0x1  }
0x1: {  	s5 =	rddreg [dreg:$0x0]  }
0x2: {  	s8 =	rddreg [dreg:$0x1]  }
0x3: {  	s0 =	srdreg.scid;
	s2 =	rddreg [dreg:$0x2]  }
0x4: {  	s3 =	simm.s32 $0x0;
	s13 =	simm.s32 $0x64;
	s14 =	simm.s32 $0x0  }
0x5: {  	s4 =	sand.u32 $0x1, s0;
	s0 =	stileid.u32;
	[smem:$0x7FF] =	sst s3  }
0x6: {  	s1 =	sshll.u32 s4, $0x4;
	s7 =	smul.u32 $0x278, s0;
	s9 =	ssub.s32 $0x2, s4  }
0x7: {  	s10 =	smul.u32 $0x2780, s4;
	s4 =	sadd.s32 $0xC200, s5;
	s31 =	sshll.u32 s0, $0x6  }
0x8: {  	s6 =	sor.u32 s0, s1;
	s1 =	rddreg [dreg:$0x3];
	_ =	strace $0x80000047  }
0x9: {  	s28 =	sshrl.u32 s9, $0x1;
	s6 =	smul.u32 $0x514, s6;
	s29 =	sadd.s32 s7, s10  }
0xa: {  	s9 =	ssub.s32 s9, s28;
	s30 =	sadd.s32 s7, s2;
	s12 =	sshrl.u32 s29, $0x3  }
0xb: {  	s9 =	smax.u32 s9, $0x1;
	s10 =	sshrl.u32 s30, $0x3;
	s11 =	sadd.s32 s6, s5  }
0xc: {  	s5 =	sadd.s32 $0xC000, s5;
	s6 =	sor.u32 $0x1C01, s31;
	s8 =	sadd.s32 s8, s12  }
0xd: {  	s12 =	simm.s32 $0x28A0;
	s7 =	sadd.s32 $0x1C00, s11;
	s11 =	simm.s32 $0x1  }
.LBB2_1:
0xe: {  	[spmem:s10], [sflag:s6] =	dma.local [hbm:s5], $0x4F  }
0xf: {  	_ =	swait.ge [sflag:s11], $0x4F  }
0x10: {  	[sflag:s11] =	ssyncset.done $0x0  }
0x11: {  	[sflag:s11] =	ssyncadd.s32 $0xFFFFFFB1  }
0x12: {  	[tilespmem:s3], [sflag:$0x1] =	stream.linear.gather [hbm4b:s7+s3], $0x28A0, $0x38;
	[tilespmem:$0x2B80] =	vst v63  }
0x13: {  	_ =	swait.ge [sflag:s11], $0x28A0  }
0x14: {  	[sflag:s11] =	ssyncset.done $0x0  }
0x15: {  	[sflag:s11] =	ssyncadd.s32 $0xFFFFD760  }
0x16: {  	[tilespmem:s12], [sflag:$0x1] =	stream.linear.gather [hbm4b:s4+s3], $0x68, $0x38;
	[tilespmem:$0x2B80] =	vst v63  }
0x17: {  	_ =	swait.ge [sflag:s11], $0x68  }
0x18: {  	[sflag:s11] =	ssyncset.done $0x0  }
0x19: {  	[sflag:s11] =	ssyncadd.s32 $0xFFFFFF98  }
0x1a: {  	s15 =	simm.s32 $0x0;
	[bflag:$0x0] =	sbarrier.arrive $0xFFFF  }
0x1b: {  	[spmem:s2] =	stream.indirect.scatter.add.f32 [tilespmem:s12], [sflag:$0x1], $0x1, s15, s13, $0xb8;
	[tilespmem:$0x2B80] =	vst v63  }
0x1c: {  	_ =	swait.ge [sflag:s11], $0x64  }
0x1d: {  	s15 =	simm.s32 $0x1A0;
	[sflag:s11] =	ssyncset.done $0x0  }
.LBB2_2:
0x1e: {  	s16 =	sshra.s32 s15, $0x2;
	[sflag:s11] =	ssyncadd.s32 $0xFFFFFF9C;
	p0 =	sne.s32 s15, $0xA0E0  }
0x1f: {  	[spmem:s2] =	stream.indirect.scatter.add.f32 [tilespmem:s12], [sflag:$0x1], $0x1, s16, s13, $0xb8;
	[tilespmem:$0x2B80] =	vst v63  }
.Ltmp0:
0x20: {  	_ = 	snop;
	(pc) =	sbr.rel @p0 .LBB2_2-.Ltmp0, $4  }
0x21: {  	_ = 	snop  }
0x22: {  	s15 =	sadd.s32 $0x1A0, s15  }
0x23: {  	_ =	swait.ge [sflag:s11], $0x64  }
0x24: {  	[sflag:s11] =	ssyncset.done $0x0  }
0x25: {  	s14 =	sadd.s32 $0x1, s14  }
0x26: {  	[sflag:s11] =	ssyncadd.s32 $0xFFFFFF9C;
	p0 =	sne.s32 s14, s9  }
.Ltmp1:
0x27: {  	[bflag:$0x0] =	sbarrier.arrive $0xFFFF;
	(pc) =	sbr.rel @p0 .LBB2_1-.Ltmp1, $4  }
0x28: {  	[hbm:s8], [sflag:s6] =	dma.local [spmem:s10], $0x4F  }
0x29: {  	_ =	swait.ge [sflag:s11], $0x4F  }
0x2a: {  	[sflag:s11] =	ssyncset.done $0x0  }
0x2b: {  	[sflag:s11] =	ssyncadd.s32 $0xFFFFFFB1  }
0x2c: {  	_ =	sfence.sel $0x180000  }
0x2d: {  	[bflag:$0x0] =	sbarrier.arrive $0xFFFF  }
0x2e: {  	p0 =	sne.s32 s0, $0x0;
	_ =	strace $0x90000047  }
0x2f: {  	s0 =	sadd.s32 @!p0 $0x100000, s1;
	[bflag:$0x2] =	sbarrier.arrive $0xFFFF  }
0x30: {  	[sflag:s0] =	ssyncadd.tile.s32 @!p0 $0x1;
	_ =	shalt  }
.Lfunc_end2:
_tile_overlayer_lowered:
.L_overlay_start_2:
0x31: {  	(tag) =	ssettag $0x2  }
0x32: {  	s0 =	rddreg [dreg:$0x0];
	s2 =	stileid.u32  }
0x33: {  	s1 =	rddreg [dreg:$0x1];
	p0 =	sne.s32 s2, $0x0  }
0x34: {  	s3 =	rddreg [dreg:$0x2];
	[bflag:$0x3] =	sbarrier.arrive $0xFFFF;
	s2 =	simm.s32 @!p0 $0x1C01  }
0x35: {  	[timem:s3], [sflag:s2] =	dma.local @!p0 [hbm:s0], s1  }
0x36: {  	s0 =	simm.s32 @!p0 $0x1  }
0x37: {  	_ =	swait.ge @!p0 [sflag:s0], s1  }
0x38: {  	s1 =	ssub.s32 @!p0 $0x0, s1;
	[sflag:s0] =	ssyncset.done @!p0 $0x0  }
0x39: {  	[sflag:s0] =	ssyncadd.s32 @!p0 s1  }
0x3a: {  	[bflag:$0x3] =	sbarrier.arrive $0xFFFF  }
0x3b: {  	_ =	shalt  }

</sc_bundles>
